<compile_context>
chip_gen: v7x
topology: tpu7x:2x2x1
jax: 0.10.2.dev20260603
libtpu: 0.0.44.dev20260713+nightly
codegen_flags: <defaults>
</compile_context>

<pallas_src>
import functools

import jax
import jax.numpy as jnp
from jax import lax
from jax.experimental import pallas as pl
from jax.experimental.pallas import tpu as pltpu
from jax.experimental.pallas import tpu_sc as plsc

_D0, _N, _D2, _C = 2, 1024, 16, 1024
_FLAT = _D0 * _N * _D2 * _C
_NCHUNK = 16
_CH = _FLAT // _NCHUNK
_NC, _NS = 2, 16
_NW = _NC * _NS
_KPW = _N // _NW


@functools.partial(
    pl.kernel,
    out_type=(),
    mesh=pltpu.create_tensorcore_mesh("x", num_cores=1),
    scratch_types=[pltpu.SemaphoreType.DMA],
)
def _tc_copy_into(t_hbm, out_ref, sem):
    copies = [
        pltpu.async_copy(t_hbm.at[pl.ds(i * _CH, _CH)],
                         out_ref.at[pl.ds(i * _CH, _CH)], sem)
        for i in range(_NCHUNK)
    ]
    for c in copies:
        c.wait()


@functools.partial(
    pl.kernel,
    out_type=(),
    mesh=plsc.VectorSubcoreMesh(core_axis_name="c", subcore_axis_name="s"),
    scratch_types=[
        pltpu.VMEM((_N,), jnp.int32),
        pltpu.VMEM((_D0 * _D2, _N), jnp.float32),
        pltpu.SemaphoreType.DMA,
    ],
)
def _sc_diag_scatter(out_ref, idx_hbm, vt_hbm, idx_v, v_v, sem):
    wid = lax.axis_index("s") * _NC + lax.axis_index("c")
    base_k = wid * _KPW
    pltpu.sync_copy(idx_hbm, idx_v)
    pltpu.sync_copy(vt_hbm, v_v)
    copies = []
    for g in range(_KPW // 16):
        idx16 = idx_v[pl.ds(base_k + g * 16, 16)]
        base16 = idx16 * (_D2 * _C + 1)
        for d0 in range(_D0):
            for d2 in range(_D2):
                off16 = base16 + (d0 * _N * _D2 * _C + d2 * _C)
                copies.append(pltpu.async_copy(
                    v_v.at[d0 * _D2 + d2, pl.ds(base_k + g * 16, 16)],
                    out_ref.at[off16], sem))
    for c in copies:
        c.wait()


@functools.partial(jax.jit, static_argnames=())
def kernel(t, idx, v):
    out_ref = jax.new_ref(pl.empty((_FLAT,), jnp.float32),
                          memory_space=pltpu.HBM)
    _tc_copy_into(t.reshape(_FLAT), out_ref)
    idx32 = idx.astype(jnp.int32)
    vt = v.transpose(1, 2, 0).reshape(_D0 * _D2, _N)
    _sc_diag_scatter(out_ref, idx32, vt)
    return out_ref[...].reshape(_D0, _N, _D2, _C)

# --- scband reference (transcript-rebuilt; emitter-appended) ---
"""Pipeline reference for scband-index-model8-7937099563148 (READ-ONLY COPY).

The authoritative reference and input builder live on the scoring server;
editing this copy changes nothing except your own understanding.
"""

import jax, jax.numpy as jnp
import numpy as np


def setup_inputs(seed: int = 0) -> dict:
    key = jax.random.key(seed)
    k1, k2 = jax.random.split(key)
    t = jax.random.normal(k1, (2, 1024, 16, 1024), dtype=jnp.float32)
    # arange gives unique, in-range indices (avoids nondeterministic duplicate scatter-set)
    idx = jnp.arange(1024, dtype=jnp.int32)
    v = jax.random.normal(k2, (1024, 2, 16), dtype=jnp.float32)
    return {"t": t, "idx": idx, "v": v}


def reference(t, idx, v):
    # torch: t += 0; t[:, idx, :, idx] = v; return t
    # advanced indices at dims 1 and 3 (separated by slice) -> indexed result shape (K, D0, D2)
    out = t.at[:, idx, :, idx].set(v)
    return out

if __name__ == "__main__":
    import jax
    _d = setup_inputs()
    print(jax.jit(kernel)(*tuple(_d.values())))

</pallas_src>

<mosaic_0001>
#map = affine_map<(d0, d1) -> (0)>
#map1 = affine_map<(d0, d1) -> (0, 0)>
module attributes {stable_mosaic.version = 14 : i64} {
  func.func @new_body(%arg0: i32, %arg1: i32, %arg2: memref<33554432xf32, #tpu.memory_space<hbm>>, %arg3: memref<1024xi32, #tpu.memory_space<hbm>>, %arg4: memref<32x1024xf32, #tpu.memory_space<hbm>>, %arg5: memref<33554432xf32, #tpu.memory_space<hbm>>, %arg6: memref<1024xi32, #tpu.memory_space<vmem>>, %arg7: memref<32x1024xf32, #tpu.memory_space<vmem>>, %arg8: memref<!tpu.dma_semaphore, #tpu.memory_space<semaphore_mem>>) attributes {dimension_semantics = [#tpu.dimension_semantics<core_parallel>, #tpu.dimension_semantics<subcore_parallel>], iteration_bounds = array<i64: 2, 16>, scalar_prefetch = 0 : i64, scratch_operands = 3 : i64, tpu.core_type = #tpu.core_type<sc_vector_subcore>, window_params = [{transform_indices = #map}, {transform_indices = #map}, {transform_indices = #map1}, {transform_indices = #map}]} {
    %mul3A = arith.constant 2 : i32
    %mul3A_0 = arith.muli %arg1, %mul3A : i32
    %add3A = arith.addi %mul3A_0, %arg0 : i32
    %mul3A_1 = arith.constant 32 : i32
    %mul3A_2 = arith.muli %add3A, %mul3A_1 : i32
    "tpu.region"() ({
      %run_scoped3A = tpu.sem_alloc : memref<!tpu.dma_semaphore, #tpu.memory_space<semaphore_mem>>
      tpu.enqueue_dma source(%arg3 : memref<1024xi32, #tpu.memory_space<hbm>>) target(%arg6 : memref<1024xi32, #tpu.memory_space<vmem>>) target_semaphore(%run_scoped3A : memref<!tpu.dma_semaphore, #tpu.memory_space<semaphore_mem>>)
      tpu.wait_dma2 semaphore(%run_scoped3A : memref<!tpu.dma_semaphore, #tpu.memory_space<semaphore_mem>>) src(%arg3 : memref<1024xi32, #tpu.memory_space<hbm>>) dst(%arg6 : memref<1024xi32, #tpu.memory_space<vmem>>)
      tpu.yield
    }) : () -> ()
    "tpu.region"() ({
      %run_scoped3A = tpu.sem_alloc : memref<!tpu.dma_semaphore, #tpu.memory_space<semaphore_mem>>
      tpu.enqueue_dma source(%arg4 : memref<32x1024xf32, #tpu.memory_space<hbm>>) target(%arg7 : memref<32x1024xf32, #tpu.memory_space<vmem>>) target_semaphore(%run_scoped3A : memref<!tpu.dma_semaphore, #tpu.memory_space<semaphore_mem>>)
      tpu.wait_dma2 semaphore(%run_scoped3A : memref<!tpu.dma_semaphore, #tpu.memory_space<semaphore_mem>>) src(%arg4 : memref<32x1024xf32, #tpu.memory_space<hbm>>) dst(%arg7 : memref<32x1024xf32, #tpu.memory_space<vmem>>)
      tpu.yield
    }) : () -> ()
    %add3A_3 = arith.constant 0 : i32
    %add3A_4 = arith.addi %mul3A_2, %add3A_3 : i32
    %get3A = arith.index_cast %add3A_4 : i32 to index
    %get3A_5 = tpu.vector_load %arg6[%get3A] {strides = array<i32>} : memref<1024xi32, #tpu.memory_space<vmem>>, vector<16xi32>,
    %get3A_6 = vector.shape_cast %get3A_5 : vector<16xi32> to vector<16xi32>
    %mul3A_7 = arith.constant 16385 : i32
    %mul3A_8 = vector.broadcast %mul3A_7 : i32 to vector<16xi32>
    %mul3A_9 = arith.muli %get3A_6, %mul3A_8 : vector<16xi32>
    %add3A_10 = arith.constant 0 : i32
    %add3A_11 = vector.broadcast %add3A_10 : i32 to vector<16xi32>
    %add3A_12 = arith.addi %mul3A_9, %add3A_11 : vector<16xi32>
    %add3A_13 = arith.constant 0 : i32
    %add3A_14 = arith.addi %mul3A_2, %add3A_13 : i32
    %dma_start3A = arith.constant 0 : i32
    %dma_start3A_15 = tpu.memref_slice %arg7[%dma_start3A, %add3A_14] : memref<32x1024xf32, #tpu.memory_space<vmem>> -> memref<1x16xf32, #tpu.memory_space<vmem>>
    %dma_start3A_16 = tpu.memref_squeeze %dma_start3A_15 : memref<1x16xf32, #tpu.memory_space<vmem>> -> memref<16xf32, #tpu.memory_space<vmem>>
    %dma_start3A_17 = arith.constant 0 : i32
    %dma_start3A_18 = tpu.memref_slice %arg2[%dma_start3A_17] : memref<33554432xf32, #tpu.memory_space<hbm>> -> memref<33554432xf32, #tpu.memory_space<hbm>>
    tpu.enqueue_indirect_dma source(%dma_start3A_16 : memref<16xf32, #tpu.memory_space<vmem>>) target(%dma_start3A_18 : memref<33554432xf32, #tpu.memory_space<hbm>>) offsets(%add3A_12 : vector<16xi32>) semaphore(%arg8 : memref<!tpu.dma_semaphore, #tpu.memory_space<semaphore_mem>>)
    %add3A_19 = arith.constant 1024 : i32
    %add3A_20 = vector.broadcast %add3A_19 : i32 to vector<16xi32>
    %add3A_21 = arith.addi %mul3A_9, %add3A_20 : vector<16xi32>
    %add3A_22 = arith.constant 0 : i32
    %add3A_23 = arith.addi %mul3A_2, %add3A_22 : i32
    %dma_start3A_24 = arith.constant 1 : i32
    %dma_start3A_25 = tpu.memref_slice %arg7[%dma_start3A_24, %add3A_23] : memref<32x1024xf32, #tpu.memory_space<vmem>> -> memref<1x16xf32, #tpu.memory_space<vmem>>
    %dma_start3A_26 = tpu.memref_squeeze %dma_start3A_25 : memref<1x16xf32, #tpu.memory_space<vmem>> -> memref<16xf32, #tpu.memory_space<vmem>>
    %dma_start3A_27 = arith.constant 0 : i32
    %dma_start3A_28 = tpu.memref_slice %arg2[%dma_start3A_27] : memref<33554432xf32, #tpu.memory_space<hbm>> -> memref<33554432xf32, #tpu.memory_space<hbm>>
    tpu.enqueue_indirect_dma source(%dma_start3A_26 : memref<16xf32, #tpu.memory_space<vmem>>) target(%dma_start3A_28 : memref<33554432xf32, #tpu.memory_space<hbm>>) offsets(%add3A_21 : vector<16xi32>) semaphore(%arg8 : memref<!tpu.dma_semaphore, #tpu.memory_space<semaphore_mem>>)
    %add3A_29 = arith.constant 2048 : i32
    %add3A_30 = vector.broadcast %add3A_29 : i32 to vector<16xi32>
    %add3A_31 = arith.addi %mul3A_9, %add3A_30 : vector<16xi32>
    %add3A_32 = arith.constant 0 : i32
    %add3A_33 = arith.addi %mul3A_2, %add3A_32 : i32
    %dma_start3A_34 = arith.constant 2 : i32
    %dma_start3A_35 = tpu.memref_slice %arg7[%dma_start3A_34, %add3A_33] : memref<32x1024xf32, #tpu.memory_space<vmem>> -> memref<1x16xf32, #tpu.memory_space<vmem>>
    %dma_start3A_36 = tpu.memref_squeeze %dma_start3A_35 : memref<1x16xf32, #tpu.memory_space<vmem>> -> memref<16xf32, #tpu.memory_space<vmem>>
    %dma_start3A_37 = arith.constant 0 : i32
    %dma_start3A_38 = tpu.memref_slice %arg2[%dma_start3A_37] : memref<33554432xf32, #tpu.memory_space<hbm>> -> memref<33554432xf32, #tpu.memory_space<hbm>>
    tpu.enqueue_indirect_dma source(%dma_start3A_36 : memref<16xf32, #tpu.memory_space<vmem>>) target(%dma_start3A_38 : memref<33554432xf32, #tpu.memory_space<hbm>>) offsets(%add3A_31 : vector<16xi32>) semaphore(%arg8 : memref<!tpu.dma_semaphore, #tpu.memory_space<semaphore_mem>>)
    %add3A_39 = arith.constant 3072 : i32
    %add3A_40 = vector.broadcast %add3A_39 : i32 to vector<16xi32>
    %add3A_41 = arith.addi %mul3A_9, %add3A_40 : vector<16xi32>
    %add3A_42 = arith.constant 0 : i32
    %add3A_43 = arith.addi %mul3A_2, %add3A_42 : i32
    %dma_start3A_44 = arith.constant 3 : i32
    %dma_start3A_45 = tpu.memref_slice %arg7[%dma_start3A_44, %add3A_43] : memref<32x1024xf32, #tpu.memory_space<vmem>> -> memref<1x16xf32, #tpu.memory_space<vmem>>
    %dma_start3A_46 = tpu.memref_squeeze %dma_start3A_45 : memref<1x16xf32, #tpu.memory_space<vmem>> -> memref<16xf32, #tpu.memory_space<vmem>>
    %dma_start3A_47 = arith.constant 0 : i32
    %dma_start3A_48 = tpu.memref_slice %arg2[%dma_start3A_47] : memref<33554432xf32, #tpu.memory_space<hbm>> -> memref<33554432xf32, #tpu.memory_space<hbm>>
    tpu.enqueue_indirect_dma source(%dma_start3A_46 : memref<16xf32, #tpu.memory_space<vmem>>) target(%dma_start3A_48 : memref<33554432xf32, #tpu.memory_space<hbm>>) offsets(%add3A_41 : vector<16xi32>) semaphore(%arg8 : memref<!tpu.dma_semaphore, #tpu.memory_space<semaphore_mem>>)
    %add3A_49 = arith.constant 4096 : i32
    %add3A_50 = vector.broadcast %add3A_49 : i32 to vector<16xi32>
    %add3A_51 = arith.addi %mul3A_9, %add3A_50 : vector<16xi32>
    %add3A_52 = arith.constant 0 : i32
    %add3A_53 = arith.addi %mul3A_2, %add3A_52 : i32
    %dma_start3A_54 = arith.constant 4 : i32
    %dma_start3A_55 = tpu.memref_slice %arg7[%dma_start3A_54, %add3A_53] : memref<32x1024xf32, #tpu.memory_space<vmem>> -> memref<1x16xf32, #tpu.memory_space<vmem>>
    %dma_start3A_56 = tpu.memref_squeeze %dma_start3A_55 : memref<1x16xf32, #tpu.memory_space<vmem>> -> memref<16xf32, #tpu.memory_space<vmem>>
    %dma_start3A_57 = arith.constant 0 : i32
    %dma_start3A_58 = tpu.memref_slice %arg2[%dma_start3A_57] : memref<33554432xf32, #tpu.memory_space<hbm>> -> memref<33554432xf32, #tpu.memory_space<hbm>>
    tpu.enqueue_indirect_dma source(%dma_start3A_56 : memref<16xf32, #tpu.memory_space<vmem>>) target(%dma_start3A_58 : memref<33554432xf32, #tpu.memory_space<hbm>>) offsets(%add3A_51 : vector<16xi32>) semaphore(%arg8 : memref<!tpu.dma_semaphore, #tpu.memory_space<semaphore_mem>>)
    %add3A_59 = arith.constant 5120 : i32
    %add3A_60 = vector.broadcast %add3A_59 : i32 to vector<16xi32>
    %add3A_61 = arith.addi %mul3A_9, %add3A_60 : vector<16xi32>
    %add3A_62 = arith.constant 0 : i32
    %add3A_63 = arith.addi %mul3A_2, %add3A_62 : i32
    %dma_start3A_64 = arith.constant 5 : i32
    %dma_start3A_65 = tpu.memref_slice %arg7[%dma_start3A_64, %add3A_63] : memref<32x1024xf32, #tpu.memory_space<vmem>> -> memref<1x16xf32, #tpu.memory_space<vmem>>
    %dma_start3A_66 = tpu.memref_squeeze %dma_start3A_65 : memref<1x16xf32, #tpu.memory_space<vmem>> -> memref<16xf32, #tpu.memory_space<vmem>>
    %dma_start3A_67 = arith.constant 0 : i32
    %dma_start3A_68 = tpu.memref_slice %arg2[%dma_start3A_67] : memref<33554432xf32, #tpu.memory_space<hbm>> -> memref<33554432xf32, #tpu.memory_space<hbm>>
    tpu.enqueue_indirect_dma source(%dma_start3A_66 : memref<16xf32, #tpu.memory_space<vmem>>) target(%dma_start3A_68 : memref<33554432xf32, #tpu.memory_space<hbm>>) offsets(%add3A_61 : vector<16xi32>) semaphore(%arg8 : memref<!tpu.dma_semaphore, #tpu.memory_space<semaphore_mem>>)
    %add3A_69 = arith.constant 6144 : i32
    %add3A_70 = vector.broadcast %add3A_69 : i32 to vector<16xi32>
    %add3A_71 = arith.addi %mul3A_9, %add3A_70 : vector<16xi32>
    %add3A_72 = arith.constant 0 : i32
    %add3A_73 = arith.addi %mul3A_2, %add3A_72 : i32
    %dma_start3A_74 = arith.constant 6 : i32
    %dma_start3A_75 = tpu.memref_slice %arg7[%dma_start3A_74, %add3A_73] : memref<32x1024xf32, #tpu.memory_space<vmem>> -> memref<1x16xf32, #tpu.memory_space<vmem>>
    %dma_start3A_76 = tpu.memref_squeeze %dma_start3A_75 : memref<1x16xf32, #tpu.memory_space<vmem>> -> memref<16xf32, #tpu.memory_space<vmem>>
    %dma_start3A_77 = arith.constant 0 : i32
    %dma_start3A_78 = tpu.memref_slice %arg2[%dma_start3A_77] : memref<33554432xf32, #tpu.memory_space<hbm>> -> memref<33554432xf32, #tpu.memory_space<hbm>>
    tpu.enqueue_indirect_dma source(%dma_start3A_76 : memref<16xf32, #tpu.memory_space<vmem>>) target(%dma_start3A_78 : memref<33554432xf32, #tpu.memory_space<hbm>>) offsets(%add3A_71 : vector<16xi32>) semaphore(%arg8 : memref<!tpu.dma_semaphore, #tpu.memory_space<semaphore_mem>>)
    %add3A_79 = arith.constant 7168 : i32
    %add3A_80 = vector.broadcast %add3A_79 : i32 to vector<16xi32>
    %add3A_81 = arith.addi %mul3A_9, %add3A_80 : vector<16xi32>
    %add3A_82 = arith.constant 0 : i32
    %add3A_83 = arith.addi %mul3A_2, %add3A_82 : i32
    %dma_start3A_84 = arith.constant 7 : i32
    %dma_start3A_85 = tpu.memref_slice %arg7[%dma_start3A_84, %add3A_83] : memref<32x1024xf32, #tpu.memory_space<vmem>> -> memref<1x16xf32, #tpu.memory_space<vmem>>
    %dma_start3A_86 = tpu.memref_squeeze %dma_start3A_85 : memref<1x16xf32, #tpu.memory_space<vmem>> -> memref<16xf32, #tpu.memory_space<vmem>>
    %dma_start3A_87 = arith.constant 0 : i32
    %dma_start3A_88 = tpu.memref_slice %arg2[%dma_start3A_87] : memref<33554432xf32, #tpu.memory_space<hbm>> -> memref<33554432xf32, #tpu.memory_space<hbm>>
    tpu.enqueue_indirect_dma source(%dma_start3A_86 : memref<16xf32, #tpu.memory_space<vmem>>) target(%dma_start3A_88 : memref<33554432xf32, #tpu.memory_space<hbm>>) offsets(%add3A_81 : vector<16xi32>) semaphore(%arg8 : memref<!tpu.dma_semaphore, #tpu.memory_space<semaphore_mem>>)
    %add3A_89 = arith.constant 8192 : i32
    %add3A_90 = vector.broadcast %add3A_89 : i32 to vector<16xi32>
    %add3A_91 = arith.addi %mul3A_9, %add3A_90 : vector<16xi32>
    %add3A_92 = arith.constant 0 : i32
    %add3A_93 = arith.addi %mul3A_2, %add3A_92 : i32
    %dma_start3A_94 = arith.constant 8 : i32
    %dma_start3A_95 = tpu.memref_slice %arg7[%dma_start3A_94, %add3A_93] : memref<32x1024xf32, #tpu.memory_space<vmem>> -> memref<1x16xf32, #tpu.memory_space<vmem>>
    %dma_start3A_96 = tpu.memref_squeeze %dma_start3A_95 : memref<1x16xf32, #tpu.memory_space<vmem>> -> memref<16xf32, #tpu.memory_space<vmem>>
    %dma_start3A_97 = arith.constant 0 : i32
    %dma_start3A_98 = tpu.memref_slice %arg2[%dma_start3A_97] : memref<33554432xf32, #tpu.memory_space<hbm>> -> memref<33554432xf32, #tpu.memory_space<hbm>>
    tpu.enqueue_indirect_dma source(%dma_start3A_96 : memref<16xf32, #tpu.memory_space<vmem>>) target(%dma_start3A_98 : memref<33554432xf32, #tpu.memory_space<hbm>>) offsets(%add3A_91 : vector<16xi32>) semaphore(%arg8 : memref<!tpu.dma_semaphore, #tpu.memory_space<semaphore_mem>>)
    %add3A_99 = arith.constant 9216 : i32
    %add3A_100 = vector.broadcast %add3A_99 : i32 to vector<16xi32>
    %add3A_101 = arith.addi %mul3A_9, %add3A_100 : vector<16xi32>
    %add3A_102 = arith.constant 0 : i32
    %add3A_103 = arith.addi %mul3A_2, %add3A_102 : i32
    %dma_start3A_104 = arith.constant 9 : i32
    %dma_start3A_105 = tpu.memref_slice %arg7[%dma_start3A_104, %add3A_103] : memref<32x1024xf32, #tpu.memory_space<vmem>> -> memref<1x16xf32, #tpu.memory_space<vmem>>
    %dma_start3A_106 = tpu.memref_squeeze %dma_start3A_105 : memref<1x16xf32, #tpu.memory_space<vmem>> -> memref<16xf32, #tpu.memory_space<vmem>>
    %dma_start3A_107 = arith.constant 0 : i32
    %dma_start3A_108 = tpu.memref_slice %arg2[%dma_start3A_107] : memref<33554432xf32, #tpu.memory_space<hbm>> -> memref<33554432xf32, #tpu.memory_space<hbm>>
    tpu.enqueue_indirect_dma source(%dma_start3A_106 : memref<16xf32, #tpu.memory_space<vmem>>) target(%dma_start3A_108 : memref<33554432xf32, #tpu.memory_space<hbm>>) offsets(%add3A_101 : vector<16xi32>) semaphore(%arg8 : memref<!tpu.dma_semaphore, #tpu.memory_space<semaphore_mem>>)
    %add3A_109 = arith.constant 10240 : i32
    %add3A_110 = vector.broadcast %add3A_109 : i32 to vector<16xi32>
    %add3A_111 = arith.addi %mul3A_9, %add3A_110 : vector<16xi32>
    %add3A_112 = arith.constant 0 : i32
    %add3A_113 = arith.addi %mul3A_2, %add3A_112 : i32
    %dma_start3A_114 = arith.constant 10 : i32
    %dma_start3A_115 = tpu.memref_slice %arg7[%dma_start3A_114, %add3A_113] : memref<32x1024xf32, #tpu.memory_space<vmem>> -> memref<1x16xf32, #tpu.memory_space<vmem>>
    %dma_start3A_116 = tpu.memref_squeeze %dma_start3A_115 : memref<1x16xf32, #tpu.memory_space<vmem>> -> memref<16xf32, #tpu.memory_space<vmem>>
    %dma_start3A_117 = arith.constant 0 : i32
    %dma_start3A_118 = tpu.memref_slice %arg2[%dma_start3A_117] : memref<33554432xf32, #tpu.memory_space<hbm>> -> memref<33554432xf32, #tpu.memory_space<hbm>>
    tpu.enqueue_indirect_dma source(%dma_start3A_116 : memref<16xf32, #tpu.memory_space<vmem>>) target(%dma_start3A_118 : memref<33554432xf32, #tpu.memory_space<hbm>>) offsets(%add3A_111 : vector<16xi32>) semaphore(%arg8 : memref<!tpu.dma_semaphore, #tpu.memory_space<semaphore_mem>>)
    %add3A_119 = arith.constant 11264 : i32
    %add3A_120 = vector.broadcast %add3A_119 : i32 to vector<16xi32>
    %add3A_121 = arith.addi %mul3A_9, %add3A_120 : vector<16xi32>
    %add3A_122 = arith.constant 0 : i32
    %add3A_123 = arith.addi %mul3A_2, %add3A_122 : i32
    %dma_start3A_124 = arith.constant 11 : i32
    %dma_start3A_125 = tpu.memref_slice %arg7[%dma_start3A_124, %add3A_123] : memref<32x1024xf32, #tpu.memory_space<vmem>> -> memref<1x16xf32, #tpu.memory_space<vmem>>
    %dma_start3A_126 = tpu.memref_squeeze %dma_start3A_125 : memref<1x16xf32, #tpu.memory_space<vmem>> -> memref<16xf32, #tpu.memory_space<vmem>>
    %dma_start3A_127 = arith.constant 0 : i32
    %dma_start3A_128 = tpu.memref_slice %arg2[%dma_start3A_127] : memref<33554432xf32, #tpu.memory_space<hbm>> -> memref<33554432xf32, #tpu.memory_space<hbm>>
    tpu.enqueue_indirect_dma source(%dma_start3A_126 : memref<16xf32, #tpu.memory_space<vmem>>) target(%dma_start3A_128 : memref<33554432xf32, #tpu.memory_space<hbm>>) offsets(%add3A_121 : vector<16xi32>) semaphore(%arg8 : memref<!tpu.dma_semaphore, #tpu.memory_space<semaphore_mem>>)
    %add3A_129 = arith.constant 12288 : i32
    %add3A_130 = vector.broadcast %add3A_129 : i32 to vector<16xi32>
    %add3A_131 = arith.addi %mul3A_9, %add3A_130 : vector<16xi32>
    %add3A_132 = arith.constant 0 : i32
    %add3A_133 = arith.addi %mul3A_2, %add3A_132 : i32
    %dma_start3A_134 = arith.constant 12 : i32
    %dma_start3A_135 = tpu.memref_slice %arg7[%dma_start3A_134, %add3A_133] : memref<32x1024xf32, #tpu.memory_space<vmem>> -> memref<1x16xf32, #tpu.memory_space<vmem>>
    %dma_start3A_136 = tpu.memref_squeeze %dma_start3A_135 : memref<1x16xf32, #tpu.memory_space<vmem>> -> memref<16xf32, #tpu.memory_space<vmem>>
    %dma_start3A_137 = arith.constant 0 : i32
    %dma_start3A_138 = tpu.memref_slice %arg2[%dma_start3A_137] : memref<33554432xf32, #tpu.memory_space<hbm>> -> memref<33554432xf32, #tpu.memory_space<hbm>>
    tpu.enqueue_indirect_dma source(%dma_start3A_136 : memref<16xf32, #tpu.memory_space<vmem>>) target(%dma_start3A_138 : memref<33554432xf32, #tpu.memory_space<hbm>>) offsets(%add3A_131 : vector<16xi32>) semaphore(%arg8 : memref<!tpu.dma_semaphore, #tpu.memory_space<semaphore_mem>>)
    %add3A_139 = arith.constant 13312 : i32
    %add3A_140 = vector.broadcast %add3A_139 : i32 to vector<16xi32>
    %add3A_141 = arith.addi %mul3A_9, %add3A_140 : vector<16xi32>
    %add3A_142 = arith.constant 0 : i32
    %add3A_143 = arith.addi %mul3A_2, %add3A_142 : i32
    %dma_start3A_144 = arith.constant 13 : i32
    %dma_start3A_145 = tpu.memref_slice %arg7[%dma_start3A_144, %add3A_143] : memref<32x1024xf32, #tpu.memory_space<vmem>> -> memref<1x16xf32, #tpu.memory_space<vmem>>
    %dma_start3A_146 = tpu.memref_squeeze %dma_start3A_145 : memref<1x16xf32, #tpu.memory_space<vmem>> -> memref<16xf32, #tpu.memory_space<vmem>>
    %dma_start3A_147 = arith.constant 0 : i32
    %dma_start3A_148 = tpu.memref_slice %arg2[%dma_start3A_147] : memref<33554432xf32, #tpu.memory_space<hbm>> -> memref<33554432xf32, #tpu.memory_space<hbm>>
    tpu.enqueue_indirect_dma source(%dma_start3A_146 : memref<16xf32, #tpu.memory_space<vmem>>) target(%dma_start3A_148 : memref<33554432xf32, #tpu.memory_space<hbm>>) offsets(%add3A_141 : vector<16xi32>) semaphore(%arg8 : memref<!tpu.dma_semaphore, #tpu.memory_space<semaphore_mem>>)
    %add3A_149 = arith.constant 14336 : i32
    %add3A_150 = vector.broadcast %add3A_149 : i32 to vector<16xi32>
    %add3A_151 = arith.addi %mul3A_9, %add3A_150 : vector<16xi32>
    %add3A_152 = arith.constant 0 : i32
    %add3A_153 = arith.addi %mul3A_2, %add3A_152 : i32
    %dma_start3A_154 = arith.constant 14 : i32
    %dma_start3A_155 = tpu.memref_slice %arg7[%dma_start3A_154, %add3A_153] : memref<32x1024xf32, #tpu.memory_space<vmem>> -> memref<1x16xf32, #tpu.memory_space<vmem>>
    %dma_start3A_156 = tpu.memref_squeeze %dma_start3A_155 : memref<1x16xf32, #tpu.memory_space<vmem>> -> memref<16xf32, #tpu.memory_space<vmem>>
    %dma_start3A_157 = arith.constant 0 : i32
    %dma_start3A_158 = tpu.memref_slice %arg2[%dma_start3A_157] : memref<33554432xf32, #tpu.memory_space<hbm>> -> memref<33554432xf32, #tpu.memory_space<hbm>>
    tpu.enqueue_indirect_dma source(%dma_start3A_156 : memref<16xf32, #tpu.memory_space<vmem>>) target(%dma_start3A_158 : memref<33554432xf32, #tpu.memory_space<hbm>>) offsets(%add3A_151 : vector<16xi32>) semaphore(%arg8 : memref<!tpu.dma_semaphore, #tpu.memory_space<semaphore_mem>>)
    %add3A_159 = arith.constant 15360 : i32
    %add3A_160 = vector.broadcast %add3A_159 : i32 to vector<16xi32>
    %add3A_161 = arith.addi %mul3A_9, %add3A_160 : vector<16xi32>
    %add3A_162 = arith.constant 0 : i32
    %add3A_163 = arith.addi %mul3A_2, %add3A_162 : i32
    %dma_start3A_164 = arith.constant 15 : i32
    %dma_start3A_165 = tpu.memref_slice %arg7[%dma_start3A_164, %add3A_163] : memref<32x1024xf32, #tpu.memory_space<vmem>> -> memref<1x16xf32, #tpu.memory_space<vmem>>
    %dma_start3A_166 = tpu.memref_squeeze %dma_start3A_165 : memref<1x16xf32, #tpu.memory_space<vmem>> -> memref<16xf32, #tpu.memory_space<vmem>>
    %dma_start3A_167 = arith.constant 0 : i32
    %dma_start3A_168 = tpu.memref_slice %arg2[%dma_start3A_167] : memref<33554432xf32, #tpu.memory_space<hbm>> -> memref<33554432xf32, #tpu.memory_space<hbm>>
    tpu.enqueue_indirect_dma source(%dma_start3A_166 : memref<16xf32, #tpu.memory_space<vmem>>) target(%dma_start3A_168 : memref<33554432xf32, #tpu.memory_space<hbm>>) offsets(%add3A_161 : vector<16xi32>) semaphore(%arg8 : memref<!tpu.dma_semaphore, #tpu.memory_space<semaphore_mem>>)
    %add3A_169 = arith.constant 16777216 : i32
    %add3A_170 = vector.broadcast %add3A_169 : i32 to vector<16xi32>
    %add3A_171 = arith.addi %mul3A_9, %add3A_170 : vector<16xi32>
    %add3A_172 = arith.constant 0 : i32
    %add3A_173 = arith.addi %mul3A_2, %add3A_172 : i32
    %dma_start3A_174 = arith.constant 16 : i32
    %dma_start3A_175 = tpu.memref_slice %arg7[%dma_start3A_174, %add3A_173] : memref<32x1024xf32, #tpu.memory_space<vmem>> -> memref<1x16xf32, #tpu.memory_space<vmem>>
    %dma_start3A_176 = tpu.memref_squeeze %dma_start3A_175 : memref<1x16xf32, #tpu.memory_space<vmem>> -> memref<16xf32, #tpu.memory_space<vmem>>
    %dma_start3A_177 = arith.constant 0 : i32
    %dma_start3A_178 = tpu.memref_slice %arg2[%dma_start3A_177] : memref<33554432xf32, #tpu.memory_space<hbm>> -> memref<33554432xf32, #tpu.memory_space<hbm>>
    tpu.enqueue_indirect_dma source(%dma_start3A_176 : memref<16xf32, #tpu.memory_space<vmem>>) target(%dma_start3A_178 : memref<33554432xf32, #tpu.memory_space<hbm>>) offsets(%add3A_171 : vector<16xi32>) semaphore(%arg8 : memref<!tpu.dma_semaphore, #tpu.memory_space<semaphore_mem>>)
    %add3A_179 = arith.constant 16778240 : i32
    %add3A_180 = vector.broadcast %add3A_179 : i32 to vector<16xi32>
    %add3A_181 = arith.addi %mul3A_9, %add3A_180 : vector<16xi32>
    %add3A_182 = arith.constant 0 : i32
    %add3A_183 = arith.addi %mul3A_2, %add3A_182 : i32
    %dma_start3A_184 = arith.constant 17 : i32
    %dma_start3A_185 = tpu.memref_slice %arg7[%dma_start3A_184, %add3A_183] : memref<32x1024xf32, #tpu.memory_space<vmem>> -> memref<1x16xf32, #tpu.memory_space<vmem>>
    %dma_start3A_186 = tpu.memref_squeeze %dma_start3A_185 : memref<1x16xf32, #tpu.memory_space<vmem>> -> memref<16xf32, #tpu.memory_space<vmem>>
    %dma_start3A_187 = arith.constant 0 : i32
    %dma_start3A_188 = tpu.memref_slice %arg2[%dma_start3A_187] : memref<33554432xf32, #tpu.memory_space<hbm>> -> memref<33554432xf32, #tpu.memory_space<hbm>>
    tpu.enqueue_indirect_dma source(%dma_start3A_186 : memref<16xf32, #tpu.memory_space<vmem>>) target(%dma_start3A_188 : memref<33554432xf32, #tpu.memory_space<hbm>>) offsets(%add3A_181 : vector<16xi32>) semaphore(%arg8 : memref<!tpu.dma_semaphore, #tpu.memory_space<semaphore_mem>>)
    %add3A_189 = arith.constant 16779264 : i32
    %add3A_190 = vector.broadcast %add3A_189 : i32 to vector<16xi32>
    %add3A_191 = arith.addi %mul3A_9, %add3A_190 : vector<16xi32>
    %add3A_192 = arith.constant 0 : i32
    %add3A_193 = arith.addi %mul3A_2, %add3A_192 : i32
    %dma_start3A_194 = arith.constant 18 : i32
    %dma_start3A_195 = tpu.memref_slice %arg7[%dma_start3A_194, %add3A_193] : memref<32x1024xf32, #tpu.memory_space<vmem>> -> memref<1x16xf32, #tpu.memory_space<vmem>>
    %dma_start3A_196 = tpu.memref_squeeze %dma_start3A_195 : memref<1x16xf32, #tpu.memory_space<vmem>> -> memref<16xf32, #tpu.memory_space<vmem>>
    %dma_start3A_197 = arith.constant 0 : i32
    %dma_start3A_198 = tpu.memref_slice %arg2[%dma_start3A_197] : memref<33554432xf32, #tpu.memory_space<hbm>> -> memref<33554432xf32, #tpu.memory_space<hbm>>
    tpu.enqueue_indirect_dma source(%dma_start3A_196 : memref<16xf32, #tpu.memory_space<vmem>>) target(%dma_start3A_198 : memref<33554432xf32, #tpu.memory_space<hbm>>) offsets(%add3A_191 : vector<16xi32>) semaphore(%arg8 : memref<!tpu.dma_semaphore, #tpu.memory_space<semaphore_mem>>)
    %add3A_199 = arith.constant 16780288 : i32
    %add3A_200 = vector.broadcast %add3A_199 : i32 to vector<16xi32>
    %add3A_201 = arith.addi %mul3A_9, %add3A_200 : vector<16xi32>
    %add3A_202 = arith.constant 0 : i32
    %add3A_203 = arith.addi %mul3A_2, %add3A_202 : i32
    %dma_start3A_204 = arith.constant 19 : i32
    %dma_start3A_205 = tpu.memref_slice %arg7[%dma_start3A_204, %add3A_203] : memref<32x1024xf32, #tpu.memory_space<vmem>> -> memref<1x16xf32, #tpu.memory_space<vmem>>
    %dma_start3A_206 = tpu.memref_squeeze %dma_start3A_205 : memref<1x16xf32, #tpu.memory_space<vmem>> -> memref<16xf32, #tpu.memory_space<vmem>>
    %dma_start3A_207 = arith.constant 0 : i32
    %dma_start3A_208 = tpu.memref_slice %arg2[%dma_start3A_207] : memref<33554432xf32, #tpu.memory_space<hbm>> -> memref<33554432xf32, #tpu.memory_space<hbm>>
    tpu.enqueue_indirect_dma source(%dma_start3A_206 : memref<16xf32, #tpu.memory_space<vmem>>) target(%dma_start3A_208 : memref<33554432xf32, #tpu.memory_space<hbm>>) offsets(%add3A_201 : vector<16xi32>) semaphore(%arg8 : memref<!tpu.dma_semaphore, #tpu.memory_space<semaphore_mem>>)
    %add3A_209 = arith.constant 16781312 : i32
    %add3A_210 = vector.broadcast %add3A_209 : i32 to vector<16xi32>
    %add3A_211 = arith.addi %mul3A_9, %add3A_210 : vector<16xi32>
    %add3A_212 = arith.constant 0 : i32
    %add3A_213 = arith.addi %mul3A_2, %add3A_212 : i32
    %dma_start3A_214 = arith.constant 20 : i32
    %dma_start3A_215 = tpu.memref_slice %arg7[%dma_start3A_214, %add3A_213] : memref<32x1024xf32, #tpu.memory_space<vmem>> -> memref<1x16xf32, #tpu.memory_space<vmem>>
    %dma_start3A_216 = tpu.memref_squeeze %dma_start3A_215 : memref<1x16xf32, #tpu.memory_space<vmem>> -> memref<16xf32, #tpu.memory_space<vmem>>
    %dma_start3A_217 = arith.constant 0 : i32
    %dma_start3A_218 = tpu.memref_slice %arg2[%dma_start3A_217] : memref<33554432xf32, #tpu.memory_space<hbm>> -> memref<33554432xf32, #tpu.memory_space<hbm>>
    tpu.enqueue_indirect_dma source(%dma_start3A_216 : memref<16xf32, #tpu.memory_space<vmem>>) target(%dma_start3A_218 : memref<33554432xf32, #tpu.memory_space<hbm>>) offsets(%add3A_211 : vector<16xi32>) semaphore(%arg8 : memref<!tpu.dma_semaphore, #tpu.memory_space<semaphore_mem>>)
    %add3A_219 = arith.constant 16782336 : i32
    %add3A_220 = vector.broadcast %add3A_219 : i32 to vector<16xi32>
    %add3A_221 = arith.addi %mul3A_9, %add3A_220 : vector<16xi32>
    %add3A_222 = arith.constant 0 : i32
    %add3A_223 = arith.addi %mul3A_2, %add3A_222 : i32
    %dma_start3A_224 = arith.constant 21 : i32
    %dma_start3A_225 = tpu.memref_slice %arg7[%dma_start3A_224, %add3A_223] : memref<32x1024xf32, #tpu.memory_space<vmem>> -> memref<1x16xf32, #tpu.memory_space<vmem>>
    %dma_start3A_226 = tpu.memref_squeeze %dma_start3A_225 : memref<1x16xf32, #tpu.memory_space<vmem>> -> memref<16xf32, #tpu.memory_space<vmem>>
    %dma_start3A_227 = arith.constant 0 : i32
    %dma_start3A_228 = tpu.memref_slice %arg2[%dma_start3A_227] : memref<33554432xf32, #tpu.memory_space<hbm>> -> memref<33554432xf32, #tpu.memory_space<hbm>>
    tpu.enqueue_indirect_dma source(%dma_start3A_226 : memref<16xf32, #tpu.memory_space<vmem>>) target(%dma_start3A_228 : memref<33554432xf32, #tpu.memory_space<hbm>>) offsets(%add3A_221 : vector<16xi32>) semaphore(%arg8 : memref<!tpu.dma_semaphore, #tpu.memory_space<semaphore_mem>>)
    %add3A_229 = arith.constant 16783360 : i32
    %add3A_230 = vector.broadcast %add3A_229 : i32 to vector<16xi32>
    %add3A_231 = arith.addi %mul3A_9, %add3A_230 : vector<16xi32>
    %add3A_232 = arith.constant 0 : i32
    %add3A_233 = arith.addi %mul3A_2, %add3A_232 : i32
    %dma_start3A_234 = arith.constant 22 : i32
    %dma_start3A_235 = tpu.memref_slice %arg7[%dma_start3A_234, %add3A_233] : memref<32x1024xf32, #tpu.memory_space<vmem>> -> memref<1x16xf32, #tpu.memory_space<vmem>>
    %dma_start3A_236 = tpu.memref_squeeze %dma_start3A_235 : memref<1x16xf32, #tpu.memory_space<vmem>> -> memref<16xf32, #tpu.memory_space<vmem>>
    %dma_start3A_237 = arith.constant 0 : i32
    %dma_start3A_238 = tpu.memref_slice %arg2[%dma_start3A_237] : memref<33554432xf32, #tpu.memory_space<hbm>> -> memref<33554432xf32, #tpu.memory_space<hbm>>
    tpu.enqueue_indirect_dma source(%dma_start3A_236 : memref<16xf32, #tpu.memory_space<vmem>>) target(%dma_start3A_238 : memref<33554432xf32, #tpu.memory_space<hbm>>) offsets(%add3A_231 : vector<16xi32>) semaphore(%arg8 : memref<!tpu.dma_semaphore, #tpu.memory_space<semaphore_mem>>)
    %add3A_239 = arith.constant 16784384 : i32
    %add3A_240 = vector.broadcast %add3A_239 : i32 to vector<16xi32>
    %add3A_241 = arith.addi %mul3A_9, %add3A_240 : vector<16xi32>
    %add3A_242 = arith.constant 0 : i32
    %add3A_243 = arith.addi %mul3A_2, %add3A_242 : i32
    %dma_start3A_244 = arith.constant 23 : i32
    %dma_start3A_245 = tpu.memref_slice %arg7[%dma_start3A_244, %add3A_243] : memref<32x1024xf32, #tpu.memory_space<vmem>> -> memref<1x16xf32, #tpu.memory_space<vmem>>
    %dma_start3A_246 = tpu.memref_squeeze %dma_start3A_245 : memref<1x16xf32, #tpu.memory_space<vmem>> -> memref<16xf32, #tpu.memory_space<vmem>>
    %dma_start3A_247 = arith.constant 0 : i32
    %dma_start3A_248 = tpu.memref_slice %arg2[%dma_start3A_247] : memref<33554432xf32, #tpu.memory_space<hbm>> -> memref<33554432xf32, #tpu.memory_space<hbm>>
    tpu.enqueue_indirect_dma source(%dma_start3A_246 : memref<16xf32, #tpu.memory_space<vmem>>) target(%dma_start3A_248 : memref<33554432xf32, #tpu.memory_space<hbm>>) offsets(%add3A_241 : vector<16xi32>) semaphore(%arg8 : memref<!tpu.dma_semaphore, #tpu.memory_space<semaphore_mem>>)
    %add3A_249 = arith.constant 16785408 : i32
    %add3A_250 = vector.broadcast %add3A_249 : i32 to vector<16xi32>
    %add3A_251 = arith.addi %mul3A_9, %add3A_250 : vector<16xi32>
    %add3A_252 = arith.constant 0 : i32
    %add3A_253 = arith.addi %mul3A_2, %add3A_252 : i32
    %dma_start3A_254 = arith.constant 24 : i32
    %dma_start3A_255 = tpu.memref_slice %arg7[%dma_start3A_254, %add3A_253] : memref<32x1024xf32, #tpu.memory_space<vmem>> -> memref<1x16xf32, #tpu.memory_space<vmem>>
    %dma_start3A_256 = tpu.memref_squeeze %dma_start3A_255 : memref<1x16xf32, #tpu.memory_space<vmem>> -> memref<16xf32, #tpu.memory_space<vmem>>
    %dma_start3A_257 = arith.constant 0 : i32
    %dma_start3A_258 = tpu.memref_slice %arg2[%dma_start3A_257] : memref<33554432xf32, #tpu.memory_space<hbm>> -> memref<33554432xf32, #tpu.memory_space<hbm>>
    tpu.enqueue_indirect_dma source(%dma_start3A_256 : memref<16xf32, #tpu.memory_space<vmem>>) target(%dma_start3A_258 : memref<33554432xf32, #tpu.memory_space<hbm>>) offsets(%add3A_251 : vector<16xi32>) semaphore(%arg8 : memref<!tpu.dma_semaphore, #tpu.memory_space<semaphore_mem>>)
    %add3A_259 = arith.constant 16786432 : i32
    %add3A_260 = vector.broadcast %add3A_259 : i32 to vector<16xi32>
    %add3A_261 = arith.addi %mul3A_9, %add3A_260 : vector<16xi32>
    %add3A_262 = arith.constant 0 : i32
    %add3A_263 = arith.addi %mul3A_2, %add3A_262 : i32
    %dma_start3A_264 = arith.constant 25 : i32
    %dma_start3A_265 = tpu.memref_slice %arg7[%dma_start3A_264, %add3A_263] : memref<32x1024xf32, #tpu.memory_space<vmem>> -> memref<1x16xf32, #tpu.memory_space<vmem>>
    %dma_start3A_266 = tpu.memref_squeeze %dma_start3A_265 : memref<1x16xf32, #tpu.memory_space<vmem>> -> memref<16xf32, #tpu.memory_space<vmem>>
    %dma_start3A_267 = arith.constant 0 : i32
    %dma_start3A_268 = tpu.memref_slice %arg2[%dma_start3A_267] : memref<33554432xf32, #tpu.memory_space<hbm>> -> memref<33554432xf32, #tpu.memory_space<hbm>>
    tpu.enqueue_indirect_dma source(%dma_start3A_266 : memref<16xf32, #tpu.memory_space<vmem>>) target(%dma_start3A_268 : memref<33554432xf32, #tpu.memory_space<hbm>>) offsets(%add3A_261 : vector<16xi32>) semaphore(%arg8 : memref<!tpu.dma_semaphore, #tpu.memory_space<semaphore_mem>>)
    %add3A_269 = arith.constant 16787456 : i32
    %add3A_270 = vector.broadcast %add3A_269 : i32 to vector<16xi32>
    %add3A_271 = arith.addi %mul3A_9, %add3A_270 : vector<16xi32>
    %add3A_272 = arith.constant 0 : i32
    %add3A_273 = arith.addi %mul3A_2, %add3A_272 : i32
    %dma_start3A_274 = arith.constant 26 : i32
    %dma_start3A_275 = tpu.memref_slice %arg7[%dma_start3A_274, %add3A_273] : memref<32x1024xf32, #tpu.memory_space<vmem>> -> memref<1x16xf32, #tpu.memory_space<vmem>>
    %dma_start3A_276 = tpu.memref_squeeze %dma_start3A_275 : memref<1x16xf32, #tpu.memory_space<vmem>> -> memref<16xf32, #tpu.memory_space<vmem>>
    %dma_start3A_277 = arith.constant 0 : i32
    %dma_start3A_278 = tpu.memref_slice %arg2[%dma_start3A_277] : memref<33554432xf32, #tpu.memory_space<hbm>> -> memref<33554432xf32, #tpu.memory_space<hbm>>
    tpu.enqueue_indirect_dma source(%dma_start3A_276 : memref<16xf32, #tpu.memory_space<vmem>>) target(%dma_start3A_278 : memref<33554432xf32, #tpu.memory_space<hbm>>) offsets(%add3A_271 : vector<16xi32>) semaphore(%arg8 : memref<!tpu.dma_semaphore, #tpu.memory_space<semaphore_mem>>)
    %add3A_279 = arith.constant 16788480 : i32
    %add3A_280 = vector.broadcast %add3A_279 : i32 to vector<16xi32>
    %add3A_281 = arith.addi %mul3A_9, %add3A_280 : vector<16xi32>
    %add3A_282 = arith.constant 0 : i32
    %add3A_283 = arith.addi %mul3A_2, %add3A_282 : i32
    %dma_start3A_284 = arith.constant 27 : i32
    %dma_start3A_285 = tpu.memref_slice %arg7[%dma_start3A_284, %add3A_283] : memref<32x1024xf32, #tpu.memory_space<vmem>> -> memref<1x16xf32, #tpu.memory_space<vmem>>
    %dma_start3A_286 = tpu.memref_squeeze %dma_start3A_285 : memref<1x16xf32, #tpu.memory_space<vmem>> -> memref<16xf32, #tpu.memory_space<vmem>>
    %dma_start3A_287 = arith.constant 0 : i32
    %dma_start3A_288 = tpu.memref_slice %arg2[%dma_start3A_287] : memref<33554432xf32, #tpu.memory_space<hbm>> -> memref<33554432xf32, #tpu.memory_space<hbm>>
    tpu.enqueue_indirect_dma source(%dma_start3A_286 : memref<16xf32, #tpu.memory_space<vmem>>) target(%dma_start3A_288 : memref<33554432xf32, #tpu.memory_space<hbm>>) offsets(%add3A_281 : vector<16xi32>) semaphore(%arg8 : memref<!tpu.dma_semaphore, #tpu.memory_space<semaphore_mem>>)
    %add3A_289 = arith.constant 16789504 : i32
    %add3A_290 = vector.broadcast %add3A_289 : i32 to vector<16xi32>
    %add3A_291 = arith.addi %mul3A_9, %add3A_290 : vector<16xi32>
    %add3A_292 = arith.constant 0 : i32
    %add3A_293 = arith.addi %mul3A_2, %add3A_292 : i32
    %dma_start3A_294 = arith.constant 28 : i32
    %dma_start3A_295 = tpu.memref_slice %arg7[%dma_start3A_294, %add3A_293] : memref<32x1024xf32, #tpu.memory_space<vmem>> -> memref<1x16xf32, #tpu.memory_space<vmem>>
    %dma_start3A_296 = tpu.memref_squeeze %dma_start3A_295 : memref<1x16xf32, #tpu.memory_space<vmem>> -> memref<16xf32, #tpu.memory_space<vmem>>
    %dma_start3A_297 = arith.constant 0 : i32
    %dma_start3A_298 = tpu.memref_slice %arg2[%dma_start3A_297] : memref<33554432xf32, #tpu.memory_space<hbm>> -> memref<33554432xf32, #tpu.memory_space<hbm>>
    tpu.enqueue_indirect_dma source(%dma_start3A_296 : memref<16xf32, #tpu.memory_space<vmem>>) target(%dma_start3A_298 : memref<33554432xf32, #tpu.memory_space<hbm>>) offsets(%add3A_291 : vector<16xi32>) semaphore(%arg8 : memref<!tpu.dma_semaphore, #tpu.memory_space<semaphore_mem>>)
    %add3A_299 = arith.constant 16790528 : i32
    %add3A_300 = vector.broadcast %add3A_299 : i32 to vector<16xi32>
    %add3A_301 = arith.addi %mul3A_9, %add3A_300 : vector<16xi32>
    %add3A_302 = arith.constant 0 : i32
    %add3A_303 = arith.addi %mul3A_2, %add3A_302 : i32
    %dma_start3A_304 = arith.constant 29 : i32
    %dma_start3A_305 = tpu.memref_slice %arg7[%dma_start3A_304, %add3A_303] : memref<32x1024xf32, #tpu.memory_space<vmem>> -> memref<1x16xf32, #tpu.memory_space<vmem>>
    %dma_start3A_306 = tpu.memref_squeeze %dma_start3A_305 : memref<1x16xf32, #tpu.memory_space<vmem>> -> memref<16xf32, #tpu.memory_space<vmem>>
    %dma_start3A_307 = arith.constant 0 : i32
    %dma_start3A_308 = tpu.memref_slice %arg2[%dma_start3A_307] : memref<33554432xf32, #tpu.memory_space<hbm>> -> memref<33554432xf32, #tpu.memory_space<hbm>>
    tpu.enqueue_indirect_dma source(%dma_start3A_306 : memref<16xf32, #tpu.memory_space<vmem>>) target(%dma_start3A_308 : memref<33554432xf32, #tpu.memory_space<hbm>>) offsets(%add3A_301 : vector<16xi32>) semaphore(%arg8 : memref<!tpu.dma_semaphore, #tpu.memory_space<semaphore_mem>>)
    %add3A_309 = arith.constant 16791552 : i32
    %add3A_310 = vector.broadcast %add3A_309 : i32 to vector<16xi32>
    %add3A_311 = arith.addi %mul3A_9, %add3A_310 : vector<16xi32>
    %add3A_312 = arith.constant 0 : i32
    %add3A_313 = arith.addi %mul3A_2, %add3A_312 : i32
    %dma_start3A_314 = arith.constant 30 : i32
    %dma_start3A_315 = tpu.memref_slice %arg7[%dma_start3A_314, %add3A_313] : memref<32x1024xf32, #tpu.memory_space<vmem>> -> memref<1x16xf32, #tpu.memory_space<vmem>>
    %dma_start3A_316 = tpu.memref_squeeze %dma_start3A_315 : memref<1x16xf32, #tpu.memory_space<vmem>> -> memref<16xf32, #tpu.memory_space<vmem>>
    %dma_start3A_317 = arith.constant 0 : i32
    %dma_start3A_318 = tpu.memref_slice %arg2[%dma_start3A_317] : memref<33554432xf32, #tpu.memory_space<hbm>> -> memref<33554432xf32, #tpu.memory_space<hbm>>
    tpu.enqueue_indirect_dma source(%dma_start3A_316 : memref<16xf32, #tpu.memory_space<vmem>>) target(%dma_start3A_318 : memref<33554432xf32, #tpu.memory_space<hbm>>) offsets(%add3A_311 : vector<16xi32>) semaphore(%arg8 : memref<!tpu.dma_semaphore, #tpu.memory_space<semaphore_mem>>)
    %add3A_319 = arith.constant 16792576 : i32
    %add3A_320 = vector.broadcast %add3A_319 : i32 to vector<16xi32>
    %add3A_321 = arith.addi %mul3A_9, %add3A_320 : vector<16xi32>
    %add3A_322 = arith.constant 0 : i32
    %add3A_323 = arith.addi %mul3A_2, %add3A_322 : i32
    %dma_start3A_324 = arith.constant 31 : i32
    %dma_start3A_325 = tpu.memref_slice %arg7[%dma_start3A_324, %add3A_323] : memref<32x1024xf32, #tpu.memory_space<vmem>> -> memref<1x16xf32, #tpu.memory_space<vmem>>
    %dma_start3A_326 = tpu.memref_squeeze %dma_start3A_325 : memref<1x16xf32, #tpu.memory_space<vmem>> -> memref<16xf32, #tpu.memory_space<vmem>>
    %dma_start3A_327 = arith.constant 0 : i32
    %dma_start3A_328 = tpu.memref_slice %arg2[%dma_start3A_327] : memref<33554432xf32, #tpu.memory_space<hbm>> -> memref<33554432xf32, #tpu.memory_space<hbm>>
    tpu.enqueue_indirect_dma source(%dma_start3A_326 : memref<16xf32, #tpu.memory_space<vmem>>) target(%dma_start3A_328 : memref<33554432xf32, #tpu.memory_space<hbm>>) offsets(%add3A_321 : vector<16xi32>) semaphore(%arg8 : memref<!tpu.dma_semaphore, #tpu.memory_space<semaphore_mem>>)
    %add3A_329 = arith.constant 16 : i32
    %add3A_330 = arith.addi %mul3A_2, %add3A_329 : i32
    %get3A_331 = arith.index_cast %add3A_330 : i32 to index
    %get3A_332 = tpu.vector_load %arg6[%get3A_331] {strides = array<i32>} : memref<1024xi32, #tpu.memory_space<vmem>>, vector<16xi32>,
    %get3A_333 = vector.shape_cast %get3A_332 : vector<16xi32> to vector<16xi32>
    %mul3A_334 = arith.constant 16385 : i32
    %mul3A_335 = vector.broadcast %mul3A_334 : i32 to vector<16xi32>
    %mul3A_336 = arith.muli %get3A_333, %mul3A_335 : vector<16xi32>
    %add3A_337 = arith.constant 0 : i32
    %add3A_338 = vector.broadcast %add3A_337 : i32 to vector<16xi32>
    %add3A_339 = arith.addi %mul3A_336, %add3A_338 : vector<16xi32>
    %add3A_340 = arith.constant 16 : i32
    %add3A_341 = arith.addi %mul3A_2, %add3A_340 : i32
    %dma_start3A_342 = arith.constant 0 : i32
    %dma_start3A_343 = tpu.memref_slice %arg7[%dma_start3A_342, %add3A_341] : memref<32x1024xf32, #tpu.memory_space<vmem>> -> memref<1x16xf32, #tpu.memory_space<vmem>>
    %dma_start3A_344 = tpu.memref_squeeze %dma_start3A_343 : memref<1x16xf32, #tpu.memory_space<vmem>> -> memref<16xf32, #tpu.memory_space<vmem>>
    %dma_start3A_345 = arith.constant 0 : i32
    %dma_start3A_346 = tpu.memref_slice %arg2[%dma_start3A_345] : memref<33554432xf32, #tpu.memory_space<hbm>> -> memref<33554432xf32, #tpu.memory_space<hbm>>
    tpu.enqueue_indirect_dma source(%dma_start3A_344 : memref<16xf32, #tpu.memory_space<vmem>>) target(%dma_start3A_346 : memref<33554432xf32, #tpu.memory_space<hbm>>) offsets(%add3A_339 : vector<16xi32>) semaphore(%arg8 : memref<!tpu.dma_semaphore, #tpu.memory_space<semaphore_mem>>)
    %add3A_347 = arith.constant 1024 : i32
    %add3A_348 = vector.broadcast %add3A_347 : i32 to vector<16xi32>
    %add3A_349 = arith.addi %mul3A_336, %add3A_348 : vector<16xi32>
    %add3A_350 = arith.constant 16 : i32
    %add3A_351 = arith.addi %mul3A_2, %add3A_350 : i32
    %dma_start3A_352 = arith.constant 1 : i32
    %dma_start3A_353 = tpu.memref_slice %arg7[%dma_start3A_352, %add3A_351] : memref<32x1024xf32, #tpu.memory_space<vmem>> -> memref<1x16xf32, #tpu.memory_space<vmem>>
    %dma_start3A_354 = tpu.memref_squeeze %dma_start3A_353 : memref<1x16xf32, #tpu.memory_space<vmem>> -> memref<16xf32, #tpu.memory_space<vmem>>
    %dma_start3A_355 = arith.constant 0 : i32
    %dma_start3A_356 = tpu.memref_slice %arg2[%dma_start3A_355] : memref<33554432xf32, #tpu.memory_space<hbm>> -> memref<33554432xf32, #tpu.memory_space<hbm>>
    tpu.enqueue_indirect_dma source(%dma_start3A_354 : memref<16xf32, #tpu.memory_space<vmem>>) target(%dma_start3A_356 : memref<33554432xf32, #tpu.memory_space<hbm>>) offsets(%add3A_349 : vector<16xi32>) semaphore(%arg8 : memref<!tpu.dma_semaphore, #tpu.memory_space<semaphore_mem>>)
    %add3A_357 = arith.constant 2048 : i32
    %add3A_358 = vector.broadcast %add3A_357 : i32 to vector<16xi32>
    %add3A_359 = arith.addi %mul3A_336, %add3A_358 : vector<16xi32>
    %add3A_360 = arith.constant 16 : i32
    %add3A_361 = arith.addi %mul3A_2, %add3A_360 : i32
    %dma_start3A_362 = arith.constant 2 : i32
    %dma_start3A_363 = tpu.memref_slice %arg7[%dma_start3A_362, %add3A_361] : memref<32x1024xf32, #tpu.memory_space<vmem>> -> memref<1x16xf32, #tpu.memory_space<vmem>>
    %dma_start3A_364 = tpu.memref_squeeze %dma_start3A_363 : memref<1x16xf32, #tpu.memory_space<vmem>> -> memref<16xf32, #tpu.memory_space<vmem>>
    %dma_start3A_365 = arith.constant 0 : i32
    %dma_start3A_366 = tpu.memref_slice %arg2[%dma_start3A_365] : memref<33554432xf32, #tpu.memory_space<hbm>> -> memref<33554432xf32, #tpu.memory_space<hbm>>
    tpu.enqueue_indirect_dma source(%dma_start3A_364 : memref<16xf32, #tpu.memory_space<vmem>>) target(%dma_start3A_366 : memref<33554432xf32, #tpu.memory_space<hbm>>) offsets(%add3A_359 : vector<16xi32>) semaphore(%arg8 : memref<!tpu.dma_semaphore, #tpu.memory_space<semaphore_mem>>)
    %add3A_367 = arith.constant 3072 : i32
    %add3A_368 = vector.broadcast %add3A_367 : i32 to vector<16xi32>
    %add3A_369 = arith.addi %mul3A_336, %add3A_368 : vector<16xi32>
    %add3A_370 = arith.constant 16 : i32
    %add3A_371 = arith.addi %mul3A_2, %add3A_370 : i32
    %dma_start3A_372 = arith.constant 3 : i32
    %dma_start3A_373 = tpu.memref_slice %arg7[%dma_start3A_372, %add3A_371] : memref<32x1024xf32, #tpu.memory_space<vmem>> -> memref<1x16xf32, #tpu.memory_space<vmem>>
    %dma_start3A_374 = tpu.memref_squeeze %dma_start3A_373 : memref<1x16xf32, #tpu.memory_space<vmem>> -> memref<16xf32, #tpu.memory_space<vmem>>
    %dma_start3A_375 = arith.constant 0 : i32
    %dma_start3A_376 = tpu.memref_slice %arg2[%dma_start3A_375] : memref<33554432xf32, #tpu.memory_space<hbm>> -> memref<33554432xf32, #tpu.memory_space<hbm>>
    tpu.enqueue_indirect_dma source(%dma_start3A_374 : memref<16xf32, #tpu.memory_space<vmem>>) target(%dma_start3A_376 : memref<33554432xf32, #tpu.memory_space<hbm>>) offsets(%add3A_369 : vector<16xi32>) semaphore(%arg8 : memref<!tpu.dma_semaphore, #tpu.memory_space<semaphore_mem>>)
    %add3A_377 = arith.constant 4096 : i32
    %add3A_378 = vector.broadcast %add3A_377 : i32 to vector<16xi32>
    %add3A_379 = arith.addi %mul3A_336, %add3A_378 : vector<16xi32>
    %add3A_380 = arith.constant 16 : i32
    %add3A_381 = arith.addi %mul3A_2, %add3A_380 : i32
    %dma_start3A_382 = arith.constant 4 : i32
    %dma_start3A_383 = tpu.memref_slice %arg7[%dma_start3A_382, %add3A_381] : memref<32x1024xf32, #tpu.memory_space<vmem>> -> memref<1x16xf32, #tpu.memory_space<vmem>>
    %dma_start3A_384 = tpu.memref_squeeze %dma_start3A_383 : memref<1x16xf32, #tpu.memory_space<vmem>> -> memref<16xf32, #tpu.memory_space<vmem>>
    %dma_start3A_385 = arith.constant 0 : i32
    %dma_start3A_386 = tpu.memref_slice %arg2[%dma_start3A_385] : memref<33554432xf32, #tpu.memory_space<hbm>> -> memref<33554432xf32, #tpu.memory_space<hbm>>
    tpu.enqueue_indirect_dma source(%dma_start3A_384 : memref<16xf32, #tpu.memory_space<vmem>>) target(%dma_start3A_386 : memref<33554432xf32, #tpu.memory_space<hbm>>) offsets(%add3A_379 : vector<16xi32>) semaphore(%arg8 : memref<!tpu.dma_semaphore, #tpu.memory_space<semaphore_mem>>)
    %add3A_387 = arith.constant 5120 : i32
    %add3A_388 = vector.broadcast %add3A_387 : i32 to vector<16xi32>
    %add3A_389 = arith.addi %mul3A_336, %add3A_388 : vector<16xi32>
    %add3A_390 = arith.constant 16 : i32
    %add3A_391 = arith.addi %mul3A_2, %add3A_390 : i32
    %dma_start3A_392 = arith.constant 5 : i32
    %dma_start3A_393 = tpu.memref_slice %arg7[%dma_start3A_392, %add3A_391] : memref<32x1024xf32, #tpu.memory_space<vmem>> -> memref<1x16xf32, #tpu.memory_space<vmem>>
    %dma_start3A_394 = tpu.memref_squeeze %dma_start3A_393 : memref<1x16xf32, #tpu.memory_space<vmem>> -> memref<16xf32, #tpu.memory_space<vmem>>
    %dma_start3A_395 = arith.constant 0 : i32
    %dma_start3A_396 = tpu.memref_slice %arg2[%dma_start3A_395] : memref<33554432xf32, #tpu.memory_space<hbm>> -> memref<33554432xf32, #tpu.memory_space<hbm>>
    tpu.enqueue_indirect_dma source(%dma_start3A_394 : memref<16xf32, #tpu.memory_space<vmem>>) target(%dma_start3A_396 : memref<33554432xf32, #tpu.memory_space<hbm>>) offsets(%add3A_389 : vector<16xi32>) semaphore(%arg8 : memref<!tpu.dma_semaphore, #tpu.memory_space<semaphore_mem>>)
    %add3A_397 = arith.constant 6144 : i32
    %add3A_398 = vector.broadcast %add3A_397 : i32 to vector<16xi32>
    %add3A_399 = arith.addi %mul3A_336, %add3A_398 : vector<16xi32>
    %add3A_400 = arith.constant 16 : i32
    %add3A_401 = arith.addi %mul3A_2, %add3A_400 : i32
    %dma_start3A_402 = arith.constant 6 : i32
    %dma_start3A_403 = tpu.memref_slice %arg7[%dma_start3A_402, %add3A_401] : memref<32x1024xf32, #tpu.memory_space<vmem>> -> memref<1x16xf32, #tpu.memory_space<vmem>>
    %dma_start3A_404 = tpu.memref_squeeze %dma_start3A_403 : memref<1x16xf32, #tpu.memory_space<vmem>> -> memref<16xf32, #tpu.memory_space<vmem>>
    %dma_start3A_405 = arith.constant 0 : i32
    %dma_start3A_406 = tpu.memref_slice %arg2[%dma_start3A_405] : memref<33554432xf32, #tpu.memory_space<hbm>> -> memref<33554432xf32, #tpu.memory_space<hbm>>
    tpu.enqueue_indirect_dma source(%dma_start3A_404 : memref<16xf32, #tpu.memory_space<vmem>>) target(%dma_start3A_406 : memref<33554432xf32, #tpu.memory_space<hbm>>) offsets(%add3A_399 : vector<16xi32>) semaphore(%arg8 : memref<!tpu.dma_semaphore, #tpu.memory_space<semaphore_mem>>)
    %add3A_407 = arith.constant 7168 : i32
    %add3A_408 = vector.broadcast %add3A_407 : i32 to vector<16xi32>
    %add3A_409 = arith.addi %mul3A_336, %add3A_408 : vector<16xi32>
    %add3A_410 = arith.constant 16 : i32
    %add3A_411 = arith.addi %mul3A_2, %add3A_410 : i32
    %dma_start3A_412 = arith.constant 7 : i32
    %dma_start3A_413 = tpu.memref_slice %arg7[%dma_start3A_412, %add3A_411] : memref<32x1024xf32, #tpu.memory_space<vmem>> -> memref<1x16xf32, #tpu.memory_space<vmem>>
    %dma_start3A_414 = tpu.memref_squeeze %dma_start3A_413 : memref<1x16xf32, #tpu.memory_space<vmem>> -> memref<16xf32, #tpu.memory_space<vmem>>
    %dma_start3A_415 = arith.constant 0 : i32
    %dma_start3A_416 = tpu.memref_slice %arg2[%dma_start3A_415] : memref<33554432xf32, #tpu.memory_space<hbm>> -> memref<33554432xf32, #tpu.memory_space<hbm>>
    tpu.enqueue_indirect_dma source(%dma_start3A_414 : memref<16xf32, #tpu.memory_space<vmem>>) target(%dma_start3A_416 : memref<33554432xf32, #tpu.memory_space<hbm>>) offsets(%add3A_409 : vector<16xi32>) semaphore(%arg8 : memref<!tpu.dma_semaphore, #tpu.memory_space<semaphore_mem>>)
    %add3A_417 = arith.constant 8192 : i32
    %add3A_418 = vector.broadcast %add3A_417 : i32 to vector<16xi32>
    %add3A_419 = arith.addi %mul3A_336, %add3A_418 : vector<16xi32>
    %add3A_420 = arith.constant 16 : i32
    %add3A_421 = arith.addi %mul3A_2, %add3A_420 : i32
    %dma_start3A_422 = arith.constant 8 : i32
    %dma_start3A_423 = tpu.memref_slice %arg7[%dma_start3A_422, %add3A_421] : memref<32x1024xf32, #tpu.memory_space<vmem>> -> memref<1x16xf32, #tpu.memory_space<vmem>>
    %dma_start3A_424 = tpu.memref_squeeze %dma_start3A_423 : memref<1x16xf32, #tpu.memory_space<vmem>> -> memref<16xf32, #tpu.memory_space<vmem>>
    %dma_start3A_425 = arith.constant 0 : i32
    %dma_start3A_426 = tpu.memref_slice %arg2[%dma_start3A_425] : memref<33554432xf32, #tpu.memory_space<hbm>> -> memref<33554432xf32, #tpu.memory_space<hbm>>
    tpu.enqueue_indirect_dma source(%dma_start3A_424 : memref<16xf32, #tpu.memory_space<vmem>>) target(%dma_start3A_426 : memref<33554432xf32, #tpu.memory_space<hbm>>) offsets(%add3A_419 : vector<16xi32>) semaphore(%arg8 : memref<!tpu.dma_semaphore, #tpu.memory_space<semaphore_mem>>)
    %add3A_427 = arith.constant 9216 : i32
    %add3A_428 = vector.broadcast %add3A_427 : i32 to vector<16xi32>
    %add3A_429 = arith.addi %mul3A_336, %add3A_428 : vector<16xi32>
    %add3A_430 = arith.constant 16 : i32
    %add3A_431 = arith.addi %mul3A_2, %add3A_430 : i32
    %dma_start3A_432 = arith.constant 9 : i32
    %dma_start3A_433 = tpu.memref_slice %arg7[%dma_start3A_432, %add3A_431] : memref<32x1024xf32, #tpu.memory_space<vmem>> -> memref<1x16xf32, #tpu.memory_space<vmem>>
    %dma_start3A_434 = tpu.memref_squeeze %dma_start3A_433 : memref<1x16xf32, #tpu.memory_space<vmem>> -> memref<16xf32, #tpu.memory_space<vmem>>
    %dma_start3A_435 = arith.constant 0 : i32
    %dma_start3A_436 = tpu.memref_slice %arg2[%dma_start3A_435] : memref<33554432xf32, #tpu.memory_space<hbm>> -> memref<33554432xf32, #tpu.memory_space<hbm>>
    tpu.enqueue_indirect_dma source(%dma_start3A_434 : memref<16xf32, #tpu.memory_space<vmem>>) target(%dma_start3A_436 : memref<33554432xf32, #tpu.memory_space<hbm>>) offsets(%add3A_429 : vector<16xi32>) semaphore(%arg8 : memref<!tpu.dma_semaphore, #tpu.memory_space<semaphore_mem>>)
    %add3A_437 = arith.constant 10240 : i32
    %add3A_438 = vector.broadcast %add3A_437 : i32 to vector<16xi32>
    %add3A_439 = arith.addi %mul3A_336, %add3A_438 : vector<16xi32>
    %add3A_440 = arith.constant 16 : i32
    %add3A_441 = arith.addi %mul3A_2, %add3A_440 : i32
    %dma_start3A_442 = arith.constant 10 : i32
    %dma_start3A_443 = tpu.memref_slice %arg7[%dma_start3A_442, %add3A_441] : memref<32x1024xf32, #tpu.memory_space<vmem>> -> memref<1x16xf32, #tpu.memory_space<vmem>>
    %dma_start3A_444 = tpu.memref_squeeze %dma_start3A_443 : memref<1x16xf32, #tpu.memory_space<vmem>> -> memref<16xf32, #tpu.memory_space<vmem>>
    %dma_start3A_445 = arith.constant 0 : i32
    %dma_start3A_446 = tpu.memref_slice %arg2[%dma_start3A_445] : memref<33554432xf32, #tpu.memory_space<hbm>> -> memref<33554432xf32, #tpu.memory_space<hbm>>
    tpu.enqueue_indirect_dma source(%dma_start3A_444 : memref<16xf32, #tpu.memory_space<vmem>>) target(%dma_start3A_446 : memref<33554432xf32, #tpu.memory_space<hbm>>) offsets(%add3A_439 : vector<16xi32>) semaphore(%arg8 : memref<!tpu.dma_semaphore, #tpu.memory_space<semaphore_mem>>)
    %add3A_447 = arith.constant 11264 : i32
    %add3A_448 = vector.broadcast %add3A_447 : i32 to vector<16xi32>
    %add3A_449 = arith.addi %mul3A_336, %add3A_448 : vector<16xi32>
    %add3A_450 = arith.constant 16 : i32
    %add3A_451 = arith.addi %mul3A_2, %add3A_450 : i32
    %dma_start3A_452 = arith.constant 11 : i32
    %dma_start3A_453 = tpu.memref_slice %arg7[%dma_start3A_452, %add3A_451] : memref<32x1024xf32, #tpu.memory_space<vmem>> -> memref<1x16xf32, #tpu.memory_space<vmem>>
    %dma_start3A_454 = tpu.memref_squeeze %dma_start3A_453 : memref<1x16xf32, #tpu.memory_space<vmem>> -> memref<16xf32, #tpu.memory_space<vmem>>
    %dma_start3A_455 = arith.constant 0 : i32
    %dma_start3A_456 = tpu.memref_slice %arg2[%dma_start3A_455] : memref<33554432xf32, #tpu.memory_space<hbm>> -> memref<33554432xf32, #tpu.memory_space<hbm>>
    tpu.enqueue_indirect_dma source(%dma_start3A_454 : memref<16xf32, #tpu.memory_space<vmem>>) target(%dma_start3A_456 : memref<33554432xf32, #tpu.memory_space<hbm>>) offsets(%add3A_449 : vector<16xi32>) semaphore(%arg8 : memref<!tpu.dma_semaphore, #tpu.memory_space<semaphore_mem>>)
    %add3A_457 = arith.constant 12288 : i32
    %add3A_458 = vector.broadcast %add3A_457 : i32 to vector<16xi32>
    %add3A_459 = arith.addi %mul3A_336, %add3A_458 : vector<16xi32>
    %add3A_460 = arith.constant 16 : i32
    %add3A_461 = arith.addi %mul3A_2, %add3A_460 : i32
    %dma_start3A_462 = arith.constant 12 : i32
    %dma_start3A_463 = tpu.memref_slice %arg7[%dma_start3A_462, %add3A_461] : memref<32x1024xf32, #tpu.memory_space<vmem>> -> memref<1x16xf32, #tpu.memory_space<vmem>>
    %dma_start3A_464 = tpu.memref_squeeze %dma_start3A_463 : memref<1x16xf32, #tpu.memory_space<vmem>> -> memref<16xf32, #tpu.memory_space<vmem>>
    %dma_start3A_465 = arith.constant 0 : i32
    %dma_start3A_466 = tpu.memref_slice %arg2[%dma_start3A_465] : memref<33554432xf32, #tpu.memory_space<hbm>> -> memref<33554432xf32, #tpu.memory_space<hbm>>
    tpu.enqueue_indirect_dma source(%dma_start3A_464 : memref<16xf32, #tpu.memory_space<vmem>>) target(%dma_start3A_466 : memref<33554432xf32, #tpu.memory_space<hbm>>) offsets(%add3A_459 : vector<16xi32>) semaphore(%arg8 : memref<!tpu.dma_semaphore, #tpu.memory_space<semaphore_mem>>)
    %add3A_467 = arith.constant 13312 : i32
    %add3A_468 = vector.broadcast %add3A_467 : i32 to vector<16xi32>
    %add3A_469 = arith.addi %mul3A_336, %add3A_468 : vector<16xi32>
    %add3A_470 = arith.constant 16 : i32
    %add3A_471 = arith.addi %mul3A_2, %add3A_470 : i32
    %dma_start3A_472 = arith.constant 13 : i32
    %dma_start3A_473 = tpu.memref_slice %arg7[%dma_start3A_472, %add3A_471] : memref<32x1024xf32, #tpu.memory_space<vmem>> -> memref<1x16xf32, #tpu.memory_space<vmem>>
    %dma_start3A_474 = tpu.memref_squeeze %dma_start3A_473 : memref<1x16xf32, #tpu.memory_space<vmem>> -> memref<16xf32, #tpu.memory_space<vmem>>
    %dma_start3A_475 = arith.constant 0 : i32
    %dma_start3A_476 = tpu.memref_slice %arg2[%dma_start3A_475] : memref<33554432xf32, #tpu.memory_space<hbm>> -> memref<33554432xf32, #tpu.memory_space<hbm>>
    tpu.enqueue_indirect_dma source(%dma_start3A_474 : memref<16xf32, #tpu.memory_space<vmem>>) target(%dma_start3A_476 : memref<33554432xf32, #tpu.memory_space<hbm>>) offsets(%add3A_469 : vector<16xi32>) semaphore(%arg8 : memref<!tpu.dma_semaphore, #tpu.memory_space<semaphore_mem>>)
    %add3A_477 = arith.constant 14336 : i32
    %add3A_478 = vector.broadcast %add3A_477 : i32 to vector<16xi32>
    %add3A_479 = arith.addi %mul3A_336, %add3A_478 : vector<16xi32>
    %add3A_480 = arith.constant 16 : i32
    %add3A_481 = arith.addi %mul3A_2, %add3A_480 : i32
    %dma_start3A_482 = arith.constant 14 : i32
    %dma_start3A_483 = tpu.memref_slice %arg7[%dma_start3A_482, %add3A_481] : memref<32x1024xf32, #tpu.memory_space<vmem>> -> memref<1x16xf32, #tpu.memory_space<vmem>>
    %dma_start3A_484 = tpu.memref_squeeze %dma_start3A_483 : memref<1x16xf32, #tpu.memory_space<vmem>> -> memref<16xf32, #tpu.memory_space<vmem>>
    %dma_start3A_485 = arith.constant 0 : i32
    %dma_start3A_486 = tpu.memref_slice %arg2[%dma_start3A_485] : memref<33554432xf32, #tpu.memory_space<hbm>> -> memref<33554432xf32, #tpu.memory_space<hbm>>
    tpu.enqueue_indirect_dma source(%dma_start3A_484 : memref<16xf32, #tpu.memory_space<vmem>>) target(%dma_start3A_486 : memref<33554432xf32, #tpu.memory_space<hbm>>) offsets(%add3A_479 : vector<16xi32>) semaphore(%arg8 : memref<!tpu.dma_semaphore, #tpu.memory_space<semaphore_mem>>)
    %add3A_487 = arith.constant 15360 : i32
    %add3A_488 = vector.broadcast %add3A_487 : i32 to vector<16xi32>
    %add3A_489 = arith.addi %mul3A_336, %add3A_488 : vector<16xi32>
    %add3A_490 = arith.constant 16 : i32
    %add3A_491 = arith.addi %mul3A_2, %add3A_490 : i32
    %dma_start3A_492 = arith.constant 15 : i32
    %dma_start3A_493 = tpu.memref_slice %arg7[%dma_start3A_492, %add3A_491] : memref<32x1024xf32, #tpu.memory_space<vmem>> -> memref<1x16xf32, #tpu.memory_space<vmem>>
    %dma_start3A_494 = tpu.memref_squeeze %dma_start3A_493 : memref<1x16xf32, #tpu.memory_space<vmem>> -> memref<16xf32, #tpu.memory_space<vmem>>
    %dma_start3A_495 = arith.constant 0 : i32
    %dma_start3A_496 = tpu.memref_slice %arg2[%dma_start3A_495] : memref<33554432xf32, #tpu.memory_space<hbm>> -> memref<33554432xf32, #tpu.memory_space<hbm>>
    tpu.enqueue_indirect_dma source(%dma_start3A_494 : memref<16xf32, #tpu.memory_space<vmem>>) target(%dma_start3A_496 : memref<33554432xf32, #tpu.memory_space<hbm>>) offsets(%add3A_489 : vector<16xi32>) semaphore(%arg8 : memref<!tpu.dma_semaphore, #tpu.memory_space<semaphore_mem>>)
    %add3A_497 = arith.constant 16777216 : i32
    %add3A_498 = vector.broadcast %add3A_497 : i32 to vector<16xi32>
    %add3A_499 = arith.addi %mul3A_336, %add3A_498 : vector<16xi32>
    %add3A_500 = arith.constant 16 : i32
    %add3A_501 = arith.addi %mul3A_2, %add3A_500 : i32
    %dma_start3A_502 = arith.constant 16 : i32
    %dma_start3A_503 = tpu.memref_slice %arg7[%dma_start3A_502, %add3A_501] : memref<32x1024xf32, #tpu.memory_space<vmem>> -> memref<1x16xf32, #tpu.memory_space<vmem>>
    %dma_start3A_504 = tpu.memref_squeeze %dma_start3A_503 : memref<1x16xf32, #tpu.memory_space<vmem>> -> memref<16xf32, #tpu.memory_space<vmem>>
    %dma_start3A_505 = arith.constant 0 : i32
    %dma_start3A_506 = tpu.memref_slice %arg2[%dma_start3A_505] : memref<33554432xf32, #tpu.memory_space<hbm>> -> memref<33554432xf32, #tpu.memory_space<hbm>>
    tpu.enqueue_indirect_dma source(%dma_start3A_504 : memref<16xf32, #tpu.memory_space<vmem>>) target(%dma_start3A_506 : memref<33554432xf32, #tpu.memory_space<hbm>>) offsets(%add3A_499 : vector<16xi32>) semaphore(%arg8 : memref<!tpu.dma_semaphore, #tpu.memory_space<semaphore_mem>>)
    %add3A_507 = arith.constant 16778240 : i32
    %add3A_508 = vector.broadcast %add3A_507 : i32 to vector<16xi32>
    %add3A_509 = arith.addi %mul3A_336, %add3A_508 : vector<16xi32>
    %add3A_510 = arith.constant 16 : i32
    %add3A_511 = arith.addi %mul3A_2, %add3A_510 : i32
    %dma_start3A_512 = arith.constant 17 : i32
    %dma_start3A_513 = tpu.memref_slice %arg7[%dma_start3A_512, %add3A_511] : memref<32x1024xf32, #tpu.memory_space<vmem>> -> memref<1x16xf32, #tpu.memory_space<vmem>>
    %dma_start3A_514 = tpu.memref_squeeze %dma_start3A_513 : memref<1x16xf32, #tpu.memory_space<vmem>> -> memref<16xf32, #tpu.memory_space<vmem>>
    %dma_start3A_515 = arith.constant 0 : i32
    %dma_start3A_516 = tpu.memref_slice %arg2[%dma_start3A_515] : memref<33554432xf32, #tpu.memory_space<hbm>> -> memref<33554432xf32, #tpu.memory_space<hbm>>
    tpu.enqueue_indirect_dma source(%dma_start3A_514 : memref<16xf32, #tpu.memory_space<vmem>>) target(%dma_start3A_516 : memref<33554432xf32, #tpu.memory_space<hbm>>) offsets(%add3A_509 : vector<16xi32>) semaphore(%arg8 : memref<!tpu.dma_semaphore, #tpu.memory_space<semaphore_mem>>)
    %add3A_517 = arith.constant 16779264 : i32
    %add3A_518 = vector.broadcast %add3A_517 : i32 to vector<16xi32>
    %add3A_519 = arith.addi %mul3A_336, %add3A_518 : vector<16xi32>
    %add3A_520 = arith.constant 16 : i32
    %add3A_521 = arith.addi %mul3A_2, %add3A_520 : i32
    %dma_start3A_522 = arith.constant 18 : i32
    %dma_start3A_523 = tpu.memref_slice %arg7[%dma_start3A_522, %add3A_521] : memref<32x1024xf32, #tpu.memory_space<vmem>> -> memref<1x16xf32, #tpu.memory_space<vmem>>
    %dma_start3A_524 = tpu.memref_squeeze %dma_start3A_523 : memref<1x16xf32, #tpu.memory_space<vmem>> -> memref<16xf32, #tpu.memory_space<vmem>>
    %dma_start3A_525 = arith.constant 0 : i32
    %dma_start3A_526 = tpu.memref_slice %arg2[%dma_start3A_525] : memref<33554432xf32, #tpu.memory_space<hbm>> -> memref<33554432xf32, #tpu.memory_space<hbm>>
    tpu.enqueue_indirect_dma source(%dma_start3A_524 : memref<16xf32, #tpu.memory_space<vmem>>) target(%dma_start3A_526 : memref<33554432xf32, #tpu.memory_space<hbm>>) offsets(%add3A_519 : vector<16xi32>) semaphore(%arg8 : memref<!tpu.dma_semaphore, #tpu.memory_space<semaphore_mem>>)
    %add3A_527 = arith.constant 16780288 : i32
    %add3A_528 = vector.broadcast %add3A_527 : i32 to vector<16xi32>
    %add3A_529 = arith.addi %mul3A_336, %add3A_528 : vector<16xi32>
    %add3A_530 = arith.constant 16 : i32
    %add3A_531 = arith.addi %mul3A_2, %add3A_530 : i32
    %dma_start3A_532 = arith.constant 19 : i32
    %dma_start3A_533 = tpu.memref_slice %arg7[%dma_start3A_532, %add3A_531] : memref<32x1024xf32, #tpu.memory_space<vmem>> -> memref<1x16xf32, #tpu.memory_space<vmem>>
    %dma_start3A_534 = tpu.memref_squeeze %dma_start3A_533 : memref<1x16xf32, #tpu.memory_space<vmem>> -> memref<16xf32, #tpu.memory_space<vmem>>
    %dma_start3A_535 = arith.constant 0 : i32
    %dma_start3A_536 = tpu.memref_slice %arg2[%dma_start3A_535] : memref<33554432xf32, #tpu.memory_space<hbm>> -> memref<33554432xf32, #tpu.memory_space<hbm>>
    tpu.enqueue_indirect_dma source(%dma_start3A_534 : memref<16xf32, #tpu.memory_space<vmem>>) target(%dma_start3A_536 : memref<33554432xf32, #tpu.memory_space<hbm>>) offsets(%add3A_529 : vector<16xi32>) semaphore(%arg8 : memref<!tpu.dma_semaphore, #tpu.memory_space<semaphore_mem>>)
    %add3A_537 = arith.constant 16781312 : i32
    %add3A_538 = vector.broadcast %add3A_537 : i32 to vector<16xi32>
    %add3A_539 = arith.addi %mul3A_336, %add3A_538 : vector<16xi32>
    %add3A_540 = arith.constant 16 : i32
    %add3A_541 = arith.addi %mul3A_2, %add3A_540 : i32
    %dma_start3A_542 = arith.constant 20 : i32
    %dma_start3A_543 = tpu.memref_slice %arg7[%dma_start3A_542, %add3A_541] : memref<32x1024xf32, #tpu.memory_space<vmem>> -> memref<1x16xf32, #tpu.memory_space<vmem>>
    %dma_start3A_544 = tpu.memref_squeeze %dma_start3A_543 : memref<1x16xf32, #tpu.memory_space<vmem>> -> memref<16xf32, #tpu.memory_space<vmem>>
    %dma_start3A_545 = arith.constant 0 : i32
    %dma_start3A_546 = tpu.memref_slice %arg2[%dma_start3A_545] : memref<33554432xf32, #tpu.memory_space<hbm>> -> memref<33554432xf32, #tpu.memory_space<hbm>>
    tpu.enqueue_indirect_dma source(%dma_start3A_544 : memref<16xf32, #tpu.memory_space<vmem>>) target(%dma_start3A_546 : memref<33554432xf32, #tpu.memory_space<hbm>>) offsets(%add3A_539 : vector<16xi32>) semaphore(%arg8 : memref<!tpu.dma_semaphore, #tpu.memory_space<semaphore_mem>>)
    %add3A_547 = arith.constant 16782336 : i32
    %add3A_548 = vector.broadcast %add3A_547 : i32 to vector<16xi32>
    %add3A_549 = arith.addi %mul3A_336, %add3A_548 : vector<16xi32>
    %add3A_550 = arith.constant 16 : i32
    %add3A_551 = arith.addi %mul3A_2, %add3A_550 : i32
    %dma_start3A_552 = arith.constant 21 : i32
    %dma_start3A_553 = tpu.memref_slice %arg7[%dma_start3A_552, %add3A_551] : memref<32x1024xf32, #tpu.memory_space<vmem>> -> memref<1x16xf32, #tpu.memory_space<vmem>>
    %dma_start3A_554 = tpu.memref_squeeze %dma_start3A_553 : memref<1x16xf32, #tpu.memory_space<vmem>> -> memref<16xf32, #tpu.memory_space<vmem>>
    %dma_start3A_555 = arith.constant 0 : i32
    %dma_start3A_556 = tpu.memref_slice %arg2[%dma_start3A_555] : memref<33554432xf32, #tpu.memory_space<hbm>> -> memref<33554432xf32, #tpu.memory_space<hbm>>
    tpu.enqueue_indirect_dma source(%dma_start3A_554 : memref<16xf32, #tpu.memory_space<vmem>>) target(%dma_start3A_556 : memref<33554432xf32, #tpu.memory_space<hbm>>) offsets(%add3A_549 : vector<16xi32>) semaphore(%arg8 : memref<!tpu.dma_semaphore, #tpu.memory_space<semaphore_mem>>)
    %add3A_557 = arith.constant 16783360 : i32
    %add3A_558 = vector.broadcast %add3A_557 : i32 to vector<16xi32>
    %add3A_559 = arith.addi %mul3A_336, %add3A_558 : vector<16xi32>
    %add3A_560 = arith.constant 16 : i32
    %add3A_561 = arith.addi %mul3A_2, %add3A_560 : i32
    %dma_start3A_562 = arith.constant 22 : i32
    %dma_start3A_563 = tpu.memref_slice %arg7[%dma_start3A_562, %add3A_561] : memref<32x1024xf32, #tpu.memory_space<vmem>> -> memref<1x16xf32, #tpu.memory_space<vmem>>
    %dma_start3A_564 = tpu.memref_squeeze %dma_start3A_563 : memref<1x16xf32, #tpu.memory_space<vmem>> -> memref<16xf32, #tpu.memory_space<vmem>>
    %dma_start3A_565 = arith.constant 0 : i32
    %dma_start3A_566 = tpu.memref_slice %arg2[%dma_start3A_565] : memref<33554432xf32, #tpu.memory_space<hbm>> -> memref<33554432xf32, #tpu.memory_space<hbm>>
    tpu.enqueue_indirect_dma source(%dma_start3A_564 : memref<16xf32, #tpu.memory_space<vmem>>) target(%dma_start3A_566 : memref<33554432xf32, #tpu.memory_space<hbm>>) offsets(%add3A_559 : vector<16xi32>) semaphore(%arg8 : memref<!tpu.dma_semaphore, #tpu.memory_space<semaphore_mem>>)
    %add3A_567 = arith.constant 16784384 : i32
    %add3A_568 = vector.broadcast %add3A_567 : i32 to vector<16xi32>
    %add3A_569 = arith.addi %mul3A_336, %add3A_568 : vector<16xi32>
    %add3A_570 = arith.constant 16 : i32
    %add3A_571 = arith.addi %mul3A_2, %add3A_570 : i32
    %dma_start3A_572 = arith.constant 23 : i32
    %dma_start3A_573 = tpu.memref_slice %arg7[%dma_start3A_572, %add3A_571] : memref<32x1024xf32, #tpu.memory_space<vmem>> -> memref<1x16xf32, #tpu.memory_space<vmem>>
    %dma_start3A_574 = tpu.memref_squeeze %dma_start3A_573 : memref<1x16xf32, #tpu.memory_space<vmem>> -> memref<16xf32, #tpu.memory_space<vmem>>
    %dma_start3A_575 = arith.constant 0 : i32
    %dma_start3A_576 = tpu.memref_slice %arg2[%dma_start3A_575] : memref<33554432xf32, #tpu.memory_space<hbm>> -> memref<33554432xf32, #tpu.memory_space<hbm>>
    tpu.enqueue_indirect_dma source(%dma_start3A_574 : memref<16xf32, #tpu.memory_space<vmem>>) target(%dma_start3A_576 : memref<33554432xf32, #tpu.memory_space<hbm>>) offsets(%add3A_569 : vector<16xi32>) semaphore(%arg8 : memref<!tpu.dma_semaphore, #tpu.memory_space<semaphore_mem>>)
    %add3A_577 = arith.constant 16785408 : i32
    %add3A_578 = vector.broadcast %add3A_577 : i32 to vector<16xi32>
    %add3A_579 = arith.addi %mul3A_336, %add3A_578 : vector<16xi32>
    %add3A_580 = arith.constant 16 : i32
    %add3A_581 = arith.addi %mul3A_2, %add3A_580 : i32
    %dma_start3A_582 = arith.constant 24 : i32
    %dma_start3A_583 = tpu.memref_slice %arg7[%dma_start3A_582, %add3A_581] : memref<32x1024xf32, #tpu.memory_space<vmem>> -> memref<1x16xf32, #tpu.memory_space<vmem>>
    %dma_start3A_584 = tpu.memref_squeeze %dma_start3A_583 : memref<1x16xf32, #tpu.memory_space<vmem>> -> memref<16xf32, #tpu.memory_space<vmem>>
    %dma_start3A_585 = arith.constant 0 : i32
    %dma_start3A_586 = tpu.memref_slice %arg2[%dma_start3A_585] : memref<33554432xf32, #tpu.memory_space<hbm>> -> memref<33554432xf32, #tpu.memory_space<hbm>>
    tpu.enqueue_indirect_dma source(%dma_start3A_584 : memref<16xf32, #tpu.memory_space<vmem>>) target(%dma_start3A_586 : memref<33554432xf32, #tpu.memory_space<hbm>>) offsets(%add3A_579 : vector<16xi32>) semaphore(%arg8 : memref<!tpu.dma_semaphore, #tpu.memory_space<semaphore_mem>>)
    %add3A_587 = arith.constant 16786432 : i32
    %add3A_588 = vector.broadcast %add3A_587 : i32 to vector<16xi32>
    %add3A_589 = arith.addi %mul3A_336, %add3A_588 : vector<16xi32>
    %add3A_590 = arith.constant 16 : i32
    %add3A_591 = arith.addi %mul3A_2, %add3A_590 : i32
    %dma_start3A_592 = arith.constant 25 : i32
    %dma_start3A_593 = tpu.memref_slice %arg7[%dma_start3A_592, %add3A_591] : memref<32x1024xf32, #tpu.memory_space<vmem>> -> memref<1x16xf32, #tpu.memory_space<vmem>>
    %dma_start3A_594 = tpu.memref_squeeze %dma_start3A_593 : memref<1x16xf32, #tpu.memory_space<vmem>> -> memref<16xf32, #tpu.memory_space<vmem>>
    %dma_start3A_595 = arith.constant 0 : i32
    %dma_start3A_596 = tpu.memref_slice %arg2[%dma_start3A_595] : memref<33554432xf32, #tpu.memory_space<hbm>> -> memref<33554432xf32, #tpu.memory_space<hbm>>
    tpu.enqueue_indirect_dma source(%dma_start3A_594 : memref<16xf32, #tpu.memory_space<vmem>>) target(%dma_start3A_596 : memref<33554432xf32, #tpu.memory_space<hbm>>) offsets(%add3A_589 : vector<16xi32>) semaphore(%arg8 : memref<!tpu.dma_semaphore, #tpu.memory_space<semaphore_mem>>)
    %add3A_597 = arith.constant 16787456 : i32
    %add3A_598 = vector.broadcast %add3A_597 : i32 to vector<16xi32>
    %add3A_599 = arith.addi %mul3A_336, %add3A_598 : vector<16xi32>
    %add3A_600 = arith.constant 16 : i32
    %add3A_601 = arith.addi %mul3A_2, %add3A_600 : i32
    %dma_start3A_602 = arith.constant 26 : i32
    %dma_start3A_603 = tpu.memref_slice %arg7[%dma_start3A_602, %add3A_601] : memref<32x1024xf32, #tpu.memory_space<vmem>> -> memref<1x16xf32, #tpu.memory_space<vmem>>
    %dma_start3A_604 = tpu.memref_squeeze %dma_start3A_603 : memref<1x16xf32, #tpu.memory_space<vmem>> -> memref<16xf32, #tpu.memory_space<vmem>>
    %dma_start3A_605 = arith.constant 0 : i32
    %dma_start3A_606 = tpu.memref_slice %arg2[%dma_start3A_605] : memref<33554432xf32, #tpu.memory_space<hbm>> -> memref<33554432xf32, #tpu.memory_space<hbm>>
    tpu.enqueue_indirect_dma source(%dma_start3A_604 : memref<16xf32, #tpu.memory_space<vmem>>) target(%dma_start3A_606 : memref<33554432xf32, #tpu.memory_space<hbm>>) offsets(%add3A_599 : vector<16xi32>) semaphore(%arg8 : memref<!tpu.dma_semaphore, #tpu.memory_space<semaphore_mem>>)
    %add3A_607 = arith.constant 16788480 : i32
    %add3A_608 = vector.broadcast %add3A_607 : i32 to vector<16xi32>
    %add3A_609 = arith.addi %mul3A_336, %add3A_608 : vector<16xi32>
    %add3A_610 = arith.constant 16 : i32
    %add3A_611 = arith.addi %mul3A_2, %add3A_610 : i32
    %dma_start3A_612 = arith.constant 27 : i32
    %dma_start3A_613 = tpu.memref_slice %arg7[%dma_start3A_612, %add3A_611] : memref<32x1024xf32, #tpu.memory_space<vmem>> -> memref<1x16xf32, #tpu.memory_space<vmem>>
    %dma_start3A_614 = tpu.memref_squeeze %dma_start3A_613 : memref<1x16xf32, #tpu.memory_space<vmem>> -> memref<16xf32, #tpu.memory_space<vmem>>
    %dma_start3A_615 = arith.constant 0 : i32
    %dma_start3A_616 = tpu.memref_slice %arg2[%dma_start3A_615] : memref<33554432xf32, #tpu.memory_space<hbm>> -> memref<33554432xf32, #tpu.memory_space<hbm>>
    tpu.enqueue_indirect_dma source(%dma_start3A_614 : memref<16xf32, #tpu.memory_space<vmem>>) target(%dma_start3A_616 : memref<33554432xf32, #tpu.memory_space<hbm>>) offsets(%add3A_609 : vector<16xi32>) semaphore(%arg8 : memref<!tpu.dma_semaphore, #tpu.memory_space<semaphore_mem>>)
    %add3A_617 = arith.constant 16789504 : i32
    %add3A_618 = vector.broadcast %add3A_617 : i32 to vector<16xi32>
    %add3A_619 = arith.addi %mul3A_336, %add3A_618 : vector<16xi32>
    %add3A_620 = arith.constant 16 : i32
    %add3A_621 = arith.addi %mul3A_2, %add3A_620 : i32
    %dma_start3A_622 = arith.constant 28 : i32
    %dma_start3A_623 = tpu.memref_slice %arg7[%dma_start3A_622, %add3A_621] : memref<32x1024xf32, #tpu.memory_space<vmem>> -> memref<1x16xf32, #tpu.memory_space<vmem>>
    %dma_start3A_624 = tpu.memref_squeeze %dma_start3A_623 : memref<1x16xf32, #tpu.memory_space<vmem>> -> memref<16xf32, #tpu.memory_space<vmem>>
    %dma_start3A_625 = arith.constant 0 : i32
    %dma_start3A_626 = tpu.memref_slice %arg2[%dma_start3A_625] : memref<33554432xf32, #tpu.memory_space<hbm>> -> memref<33554432xf32, #tpu.memory_space<hbm>>
    tpu.enqueue_indirect_dma source(%dma_start3A_624 : memref<16xf32, #tpu.memory_space<vmem>>) target(%dma_start3A_626 : memref<33554432xf32, #tpu.memory_space<hbm>>) offsets(%add3A_619 : vector<16xi32>) semaphore(%arg8 : memref<!tpu.dma_semaphore, #tpu.memory_space<semaphore_mem>>)
    %add3A_627 = arith.constant 16790528 : i32
    %add3A_628 = vector.broadcast %add3A_627 : i32 to vector<16xi32>
    %add3A_629 = arith.addi %mul3A_336, %add3A_628 : vector<16xi32>
    %add3A_630 = arith.constant 16 : i32
    %add3A_631 = arith.addi %mul3A_2, %add3A_630 : i32
    %dma_start3A_632 = arith.constant 29 : i32
    %dma_start3A_633 = tpu.memref_slice %arg7[%dma_start3A_632, %add3A_631] : memref<32x1024xf32, #tpu.memory_space<vmem>> -> memref<1x16xf32, #tpu.memory_space<vmem>>
    %dma_start3A_634 = tpu.memref_squeeze %dma_start3A_633 : memref<1x16xf32, #tpu.memory_space<vmem>> -> memref<16xf32, #tpu.memory_space<vmem>>
    %dma_start3A_635 = arith.constant 0 : i32
    %dma_start3A_636 = tpu.memref_slice %arg2[%dma_start3A_635] : memref<33554432xf32, #tpu.memory_space<hbm>> -> memref<33554432xf32, #tpu.memory_space<hbm>>
    tpu.enqueue_indirect_dma source(%dma_start3A_634 : memref<16xf32, #tpu.memory_space<vmem>>) target(%dma_start3A_636 : memref<33554432xf32, #tpu.memory_space<hbm>>) offsets(%add3A_629 : vector<16xi32>) semaphore(%arg8 : memref<!tpu.dma_semaphore, #tpu.memory_space<semaphore_mem>>)
    %add3A_637 = arith.constant 16791552 : i32
    %add3A_638 = vector.broadcast %add3A_637 : i32 to vector<16xi32>
    %add3A_639 = arith.addi %mul3A_336, %add3A_638 : vector<16xi32>
    %add3A_640 = arith.constant 16 : i32
    %add3A_641 = arith.addi %mul3A_2, %add3A_640 : i32
    %dma_start3A_642 = arith.constant 30 : i32
    %dma_start3A_643 = tpu.memref_slice %arg7[%dma_start3A_642, %add3A_641] : memref<32x1024xf32, #tpu.memory_space<vmem>> -> memref<1x16xf32, #tpu.memory_space<vmem>>
    %dma_start3A_644 = tpu.memref_squeeze %dma_start3A_643 : memref<1x16xf32, #tpu.memory_space<vmem>> -> memref<16xf32, #tpu.memory_space<vmem>>
    %dma_start3A_645 = arith.constant 0 : i32
    %dma_start3A_646 = tpu.memref_slice %arg2[%dma_start3A_645] : memref<33554432xf32, #tpu.memory_space<hbm>> -> memref<33554432xf32, #tpu.memory_space<hbm>>
    tpu.enqueue_indirect_dma source(%dma_start3A_644 : memref<16xf32, #tpu.memory_space<vmem>>) target(%dma_start3A_646 : memref<33554432xf32, #tpu.memory_space<hbm>>) offsets(%add3A_639 : vector<16xi32>) semaphore(%arg8 : memref<!tpu.dma_semaphore, #tpu.memory_space<semaphore_mem>>)
    %add3A_647 = arith.constant 16792576 : i32
    %add3A_648 = vector.broadcast %add3A_647 : i32 to vector<16xi32>
    %add3A_649 = arith.addi %mul3A_336, %add3A_648 : vector<16xi32>
    %add3A_650 = arith.constant 16 : i32
    %add3A_651 = arith.addi %mul3A_2, %add3A_650 : i32
    %dma_start3A_652 = arith.constant 31 : i32
    %dma_start3A_653 = tpu.memref_slice %arg7[%dma_start3A_652, %add3A_651] : memref<32x1024xf32, #tpu.memory_space<vmem>> -> memref<1x16xf32, #tpu.memory_space<vmem>>
    %dma_start3A_654 = tpu.memref_squeeze %dma_start3A_653 : memref<1x16xf32, #tpu.memory_space<vmem>> -> memref<16xf32, #tpu.memory_space<vmem>>
    %dma_start3A_655 = arith.constant 0 : i32
    %dma_start3A_656 = tpu.memref_slice %arg2[%dma_start3A_655] : memref<33554432xf32, #tpu.memory_space<hbm>> -> memref<33554432xf32, #tpu.memory_space<hbm>>
    tpu.enqueue_indirect_dma source(%dma_start3A_654 : memref<16xf32, #tpu.memory_space<vmem>>) target(%dma_start3A_656 : memref<33554432xf32, #tpu.memory_space<hbm>>) offsets(%add3A_649 : vector<16xi32>) semaphore(%arg8 : memref<!tpu.dma_semaphore, #tpu.memory_space<semaphore_mem>>)
    %dma_wait3A = arith.constant 0 : i32
    %dma_wait3A_657 = tpu.memref_slice %arg7[%dma_wait3A, %add3A_14] : memref<32x1024xf32, #tpu.memory_space<vmem>> -> memref<1x16xf32, #tpu.memory_space<vmem>>
    %dma_wait3A_658 = tpu.memref_squeeze %dma_wait3A_657 : memref<1x16xf32, #tpu.memory_space<vmem>> -> memref<16xf32, #tpu.memory_space<vmem>>
    %dma_wait3A_659 = arith.constant 0 : i32
    %dma_wait3A_660 = tpu.memref_slice %arg2[%dma_wait3A_659] : memref<33554432xf32, #tpu.memory_space<hbm>> -> memref<33554432xf32, #tpu.memory_space<hbm>>
    tpu.wait_indirect_dma semaphore(%arg8 : memref<!tpu.dma_semaphore, #tpu.memory_space<semaphore_mem>>) src(%dma_wait3A_658 : memref<16xf32, #tpu.memory_space<vmem>>) dst(%dma_wait3A_660 : memref<33554432xf32, #tpu.memory_space<hbm>>)
    %dma_wait3A_661 = arith.constant 1 : i32
    %dma_wait3A_662 = tpu.memref_slice %arg7[%dma_wait3A_661, %add3A_23] : memref<32x1024xf32, #tpu.memory_space<vmem>> -> memref<1x16xf32, #tpu.memory_space<vmem>>
    %dma_wait3A_663 = tpu.memref_squeeze %dma_wait3A_662 : memref<1x16xf32, #tpu.memory_space<vmem>> -> memref<16xf32, #tpu.memory_space<vmem>>
    %dma_wait3A_664 = arith.constant 0 : i32
    %dma_wait3A_665 = tpu.memref_slice %arg2[%dma_wait3A_664] : memref<33554432xf32, #tpu.memory_space<hbm>> -> memref<33554432xf32, #tpu.memory_space<hbm>>
    tpu.wait_indirect_dma semaphore(%arg8 : memref<!tpu.dma_semaphore, #tpu.memory_space<semaphore_mem>>) src(%dma_wait3A_663 : memref<16xf32, #tpu.memory_space<vmem>>) dst(%dma_wait3A_665 : memref<33554432xf32, #tpu.memory_space<hbm>>)
    %dma_wait3A_666 = arith.constant 2 : i32
    %dma_wait3A_667 = tpu.memref_slice %arg7[%dma_wait3A_666, %add3A_33] : memref<32x1024xf32, #tpu.memory_space<vmem>> -> memref<1x16xf32, #tpu.memory_space<vmem>>
    %dma_wait3A_668 = tpu.memref_squeeze %dma_wait3A_667 : memref<1x16xf32, #tpu.memory_space<vmem>> -> memref<16xf32, #tpu.memory_space<vmem>>
    %dma_wait3A_669 = arith.constant 0 : i32
    %dma_wait3A_670 = tpu.memref_slice %arg2[%dma_wait3A_669] : memref<33554432xf32, #tpu.memory_space<hbm>> -> memref<33554432xf32, #tpu.memory_space<hbm>>
    tpu.wait_indirect_dma semaphore(%arg8 : memref<!tpu.dma_semaphore, #tpu.memory_space<semaphore_mem>>) src(%dma_wait3A_668 : memref<16xf32, #tpu.memory_space<vmem>>) dst(%dma_wait3A_670 : memref<33554432xf32, #tpu.memory_space<hbm>>)
    %dma_wait3A_671 = arith.constant 3 : i32
    %dma_wait3A_672 = tpu.memref_slice %arg7[%dma_wait3A_671, %add3A_43] : memref<32x1024xf32, #tpu.memory_space<vmem>> -> memref<1x16xf32, #tpu.memory_space<vmem>>
    %dma_wait3A_673 = tpu.memref_squeeze %dma_wait3A_672 : memref<1x16xf32, #tpu.memory_space<vmem>> -> memref<16xf32, #tpu.memory_space<vmem>>
    %dma_wait3A_674 = arith.constant 0 : i32
    %dma_wait3A_675 = tpu.memref_slice %arg2[%dma_wait3A_674] : memref<33554432xf32, #tpu.memory_space<hbm>> -> memref<33554432xf32, #tpu.memory_space<hbm>>
    tpu.wait_indirect_dma semaphore(%arg8 : memref<!tpu.dma_semaphore, #tpu.memory_space<semaphore_mem>>) src(%dma_wait3A_673 : memref<16xf32, #tpu.memory_space<vmem>>) dst(%dma_wait3A_675 : memref<33554432xf32, #tpu.memory_space<hbm>>)
    %dma_wait3A_676 = arith.constant 4 : i32
    %dma_wait3A_677 = tpu.memref_slice %arg7[%dma_wait3A_676, %add3A_53] : memref<32x1024xf32, #tpu.memory_space<vmem>> -> memref<1x16xf32, #tpu.memory_space<vmem>>
    %dma_wait3A_678 = tpu.memref_squeeze %dma_wait3A_677 : memref<1x16xf32, #tpu.memory_space<vmem>> -> memref<16xf32, #tpu.memory_space<vmem>>
    %dma_wait3A_679 = arith.constant 0 : i32
    %dma_wait3A_680 = tpu.memref_slice %arg2[%dma_wait3A_679] : memref<33554432xf32, #tpu.memory_space<hbm>> -> memref<33554432xf32, #tpu.memory_space<hbm>>
    tpu.wait_indirect_dma semaphore(%arg8 : memref<!tpu.dma_semaphore, #tpu.memory_space<semaphore_mem>>) src(%dma_wait3A_678 : memref<16xf32, #tpu.memory_space<vmem>>) dst(%dma_wait3A_680 : memref<33554432xf32, #tpu.memory_space<hbm>>)
    %dma_wait3A_681 = arith.constant 5 : i32
    %dma_wait3A_682 = tpu.memref_slice %arg7[%dma_wait3A_681, %add3A_63] : memref<32x1024xf32, #tpu.memory_space<vmem>> -> memref<1x16xf32, #tpu.memory_space<vmem>>
    %dma_wait3A_683 = tpu.memref_squeeze %dma_wait3A_682 : memref<1x16xf32, #tpu.memory_space<vmem>> -> memref<16xf32, #tpu.memory_space<vmem>>
    %dma_wait3A_684 = arith.constant 0 : i32
    %dma_wait3A_685 = tpu.memref_slice %arg2[%dma_wait3A_684] : memref<33554432xf32, #tpu.memory_space<hbm>> -> memref<33554432xf32, #tpu.memory_space<hbm>>
    tpu.wait_indirect_dma semaphore(%arg8 : memref<!tpu.dma_semaphore, #tpu.memory_space<semaphore_mem>>) src(%dma_wait3A_683 : memref<16xf32, #tpu.memory_space<vmem>>) dst(%dma_wait3A_685 : memref<33554432xf32, #tpu.memory_space<hbm>>)
    %dma_wait3A_686 = arith.constant 6 : i32
    %dma_wait3A_687 = tpu.memref_slice %arg7[%dma_wait3A_686, %add3A_73] : memref<32x1024xf32, #tpu.memory_space<vmem>> -> memref<1x16xf32, #tpu.memory_space<vmem>>
    %dma_wait3A_688 = tpu.memref_squeeze %dma_wait3A_687 : memref<1x16xf32, #tpu.memory_space<vmem>> -> memref<16xf32, #tpu.memory_space<vmem>>
    %dma_wait3A_689 = arith.constant 0 : i32
    %dma_wait3A_690 = tpu.memref_slice %arg2[%dma_wait3A_689] : memref<33554432xf32, #tpu.memory_space<hbm>> -> memref<33554432xf32, #tpu.memory_space<hbm>>
    tpu.wait_indirect_dma semaphore(%arg8 : memref<!tpu.dma_semaphore, #tpu.memory_space<semaphore_mem>>) src(%dma_wait3A_688 : memref<16xf32, #tpu.memory_space<vmem>>) dst(%dma_wait3A_690 : memref<33554432xf32, #tpu.memory_space<hbm>>)
    %dma_wait3A_691 = arith.constant 7 : i32
    %dma_wait3A_692 = tpu.memref_slice %arg7[%dma_wait3A_691, %add3A_83] : memref<32x1024xf32, #tpu.memory_space<vmem>> -> memref<1x16xf32, #tpu.memory_space<vmem>>
    %dma_wait3A_693 = tpu.memref_squeeze %dma_wait3A_692 : memref<1x16xf32, #tpu.memory_space<vmem>> -> memref<16xf32, #tpu.memory_space<vmem>>
    %dma_wait3A_694 = arith.constant 0 : i32
    %dma_wait3A_695 = tpu.memref_slice %arg2[%dma_wait3A_694] : memref<33554432xf32, #tpu.memory_space<hbm>> -> memref<33554432xf32, #tpu.memory_space<hbm>>
    tpu.wait_indirect_dma semaphore(%arg8 : memref<!tpu.dma_semaphore, #tpu.memory_space<semaphore_mem>>) src(%dma_wait3A_693 : memref<16xf32, #tpu.memory_space<vmem>>) dst(%dma_wait3A_695 : memref<33554432xf32, #tpu.memory_space<hbm>>)
    %dma_wait3A_696 = arith.constant 8 : i32
    %dma_wait3A_697 = tpu.memref_slice %arg7[%dma_wait3A_696, %add3A_93] : memref<32x1024xf32, #tpu.memory_space<vmem>> -> memref<1x16xf32, #tpu.memory_space<vmem>>
    %dma_wait3A_698 = tpu.memref_squeeze %dma_wait3A_697 : memref<1x16xf32, #tpu.memory_space<vmem>> -> memref<16xf32, #tpu.memory_space<vmem>>
    %dma_wait3A_699 = arith.constant 0 : i32
    %dma_wait3A_700 = tpu.memref_slice %arg2[%dma_wait3A_699] : memref<33554432xf32, #tpu.memory_space<hbm>> -> memref<33554432xf32, #tpu.memory_space<hbm>>
    tpu.wait_indirect_dma semaphore(%arg8 : memref<!tpu.dma_semaphore, #tpu.memory_space<semaphore_mem>>) src(%dma_wait3A_698 : memref<16xf32, #tpu.memory_space<vmem>>) dst(%dma_wait3A_700 : memref<33554432xf32, #tpu.memory_space<hbm>>)
    %dma_wait3A_701 = arith.constant 9 : i32
    %dma_wait3A_702 = tpu.memref_slice %arg7[%dma_wait3A_701, %add3A_103] : memref<32x1024xf32, #tpu.memory_space<vmem>> -> memref<1x16xf32, #tpu.memory_space<vmem>>
    %dma_wait3A_703 = tpu.memref_squeeze %dma_wait3A_702 : memref<1x16xf32, #tpu.memory_space<vmem>> -> memref<16xf32, #tpu.memory_space<vmem>>
    %dma_wait3A_704 = arith.constant 0 : i32
    %dma_wait3A_705 = tpu.memref_slice %arg2[%dma_wait3A_704] : memref<33554432xf32, #tpu.memory_space<hbm>> -> memref<33554432xf32, #tpu.memory_space<hbm>>
    tpu.wait_indirect_dma semaphore(%arg8 : memref<!tpu.dma_semaphore, #tpu.memory_space<semaphore_mem>>) src(%dma_wait3A_703 : memref<16xf32, #tpu.memory_space<vmem>>) dst(%dma_wait3A_705 : memref<33554432xf32, #tpu.memory_space<hbm>>)
    %dma_wait3A_706 = arith.constant 10 : i32
    %dma_wait3A_707 = tpu.memref_slice %arg7[%dma_wait3A_706, %add3A_113] : memref<32x1024xf32, #tpu.memory_space<vmem>> -> memref<1x16xf32, #tpu.memory_space<vmem>>
    %dma_wait3A_708 = tpu.memref_squeeze %dma_wait3A_707 : memref<1x16xf32, #tpu.memory_space<vmem>> -> memref<16xf32, #tpu.memory_space<vmem>>
    %dma_wait3A_709 = arith.constant 0 : i32
    %dma_wait3A_710 = tpu.memref_slice %arg2[%dma_wait3A_709] : memref<33554432xf32, #tpu.memory_space<hbm>> -> memref<33554432xf32, #tpu.memory_space<hbm>>
    tpu.wait_indirect_dma semaphore(%arg8 : memref<!tpu.dma_semaphore, #tpu.memory_space<semaphore_mem>>) src(%dma_wait3A_708 : memref<16xf32, #tpu.memory_space<vmem>>) dst(%dma_wait3A_710 : memref<33554432xf32, #tpu.memory_space<hbm>>)
    %dma_wait3A_711 = arith.constant 11 : i32
    %dma_wait3A_712 = tpu.memref_slice %arg7[%dma_wait3A_711, %add3A_123] : memref<32x1024xf32, #tpu.memory_space<vmem>> -> memref<1x16xf32, #tpu.memory_space<vmem>>
    %dma_wait3A_713 = tpu.memref_squeeze %dma_wait3A_712 : memref<1x16xf32, #tpu.memory_space<vmem>> -> memref<16xf32, #tpu.memory_space<vmem>>
    %dma_wait3A_714 = arith.constant 0 : i32
    %dma_wait3A_715 = tpu.memref_slice %arg2[%dma_wait3A_714] : memref<33554432xf32, #tpu.memory_space<hbm>> -> memref<33554432xf32, #tpu.memory_space<hbm>>
    tpu.wait_indirect_dma semaphore(%arg8 : memref<!tpu.dma_semaphore, #tpu.memory_space<semaphore_mem>>) src(%dma_wait3A_713 : memref<16xf32, #tpu.memory_space<vmem>>) dst(%dma_wait3A_715 : memref<33554432xf32, #tpu.memory_space<hbm>>)
    %dma_wait3A_716 = arith.constant 12 : i32
    %dma_wait3A_717 = tpu.memref_slice %arg7[%dma_wait3A_716, %add3A_133] : memref<32x1024xf32, #tpu.memory_space<vmem>> -> memref<1x16xf32, #tpu.memory_space<vmem>>
    %dma_wait3A_718 = tpu.memref_squeeze %dma_wait3A_717 : memref<1x16xf32, #tpu.memory_space<vmem>> -> memref<16xf32, #tpu.memory_space<vmem>>
    %dma_wait3A_719 = arith.constant 0 : i32
    %dma_wait3A_720 = tpu.memref_slice %arg2[%dma_wait3A_719] : memref<33554432xf32, #tpu.memory_space<hbm>> -> memref<33554432xf32, #tpu.memory_space<hbm>>
    tpu.wait_indirect_dma semaphore(%arg8 : memref<!tpu.dma_semaphore, #tpu.memory_space<semaphore_mem>>) src(%dma_wait3A_718 : memref<16xf32, #tpu.memory_space<vmem>>) dst(%dma_wait3A_720 : memref<33554432xf32, #tpu.memory_space<hbm>>)
    %dma_wait3A_721 = arith.constant 13 : i32
    %dma_wait3A_722 = tpu.memref_slice %arg7[%dma_wait3A_721, %add3A_143] : memref<32x1024xf32, #tpu.memory_space<vmem>> -> memref<1x16xf32, #tpu.memory_space<vmem>>
    %dma_wait3A_723 = tpu.memref_squeeze %dma_wait3A_722 : memref<1x16xf32, #tpu.memory_space<vmem>> -> memref<16xf32, #tpu.memory_space<vmem>>
    %dma_wait3A_724 = arith.constant 0 : i32
    %dma_wait3A_725 = tpu.memref_slice %arg2[%dma_wait3A_724] : memref<33554432xf32, #tpu.memory_space<hbm>> -> memref<33554432xf32, #tpu.memory_space<hbm>>
    tpu.wait_indirect_dma semaphore(%arg8 : memref<!tpu.dma_semaphore, #tpu.memory_space<semaphore_mem>>) src(%dma_wait3A_723 : memref<16xf32, #tpu.memory_space<vmem>>) dst(%dma_wait3A_725 : memref<33554432xf32, #tpu.memory_space<hbm>>)
    %dma_wait3A_726 = arith.constant 14 : i32
    %dma_wait3A_727 = tpu.memref_slice %arg7[%dma_wait3A_726, %add3A_153] : memref<32x1024xf32, #tpu.memory_space<vmem>> -> memref<1x16xf32, #tpu.memory_space<vmem>>
    %dma_wait3A_728 = tpu.memref_squeeze %dma_wait3A_727 : memref<1x16xf32, #tpu.memory_space<vmem>> -> memref<16xf32, #tpu.memory_space<vmem>>
    %dma_wait3A_729 = arith.constant 0 : i32
    %dma_wait3A_730 = tpu.memref_slice %arg2[%dma_wait3A_729] : memref<33554432xf32, #tpu.memory_space<hbm>> -> memref<33554432xf32, #tpu.memory_space<hbm>>
    tpu.wait_indirect_dma semaphore(%arg8 : memref<!tpu.dma_semaphore, #tpu.memory_space<semaphore_mem>>) src(%dma_wait3A_728 : memref<16xf32, #tpu.memory_space<vmem>>) dst(%dma_wait3A_730 : memref<33554432xf32, #tpu.memory_space<hbm>>)
    %dma_wait3A_731 = arith.constant 15 : i32
    %dma_wait3A_732 = tpu.memref_slice %arg7[%dma_wait3A_731, %add3A_163] : memref<32x1024xf32, #tpu.memory_space<vmem>> -> memref<1x16xf32, #tpu.memory_space<vmem>>
    %dma_wait3A_733 = tpu.memref_squeeze %dma_wait3A_732 : memref<1x16xf32, #tpu.memory_space<vmem>> -> memref<16xf32, #tpu.memory_space<vmem>>
    %dma_wait3A_734 = arith.constant 0 : i32
    %dma_wait3A_735 = tpu.memref_slice %arg2[%dma_wait3A_734] : memref<33554432xf32, #tpu.memory_space<hbm>> -> memref<33554432xf32, #tpu.memory_space<hbm>>
    tpu.wait_indirect_dma semaphore(%arg8 : memref<!tpu.dma_semaphore, #tpu.memory_space<semaphore_mem>>) src(%dma_wait3A_733 : memref<16xf32, #tpu.memory_space<vmem>>) dst(%dma_wait3A_735 : memref<33554432xf32, #tpu.memory_space<hbm>>)
    %dma_wait3A_736 = arith.constant 16 : i32
    %dma_wait3A_737 = tpu.memref_slice %arg7[%dma_wait3A_736, %add3A_173] : memref<32x1024xf32, #tpu.memory_space<vmem>> -> memref<1x16xf32, #tpu.memory_space<vmem>>
    %dma_wait3A_738 = tpu.memref_squeeze %dma_wait3A_737 : memref<1x16xf32, #tpu.memory_space<vmem>> -> memref<16xf32, #tpu.memory_space<vmem>>
    %dma_wait3A_739 = arith.constant 0 : i32
    %dma_wait3A_740 = tpu.memref_slice %arg2[%dma_wait3A_739] : memref<33554432xf32, #tpu.memory_space<hbm>> -> memref<33554432xf32, #tpu.memory_space<hbm>>
    tpu.wait_indirect_dma semaphore(%arg8 : memref<!tpu.dma_semaphore, #tpu.memory_space<semaphore_mem>>) src(%dma_wait3A_738 : memref<16xf32, #tpu.memory_space<vmem>>) dst(%dma_wait3A_740 : memref<33554432xf32, #tpu.memory_space<hbm>>)
    %dma_wait3A_741 = arith.constant 17 : i32
    %dma_wait3A_742 = tpu.memref_slice %arg7[%dma_wait3A_741, %add3A_183] : memref<32x1024xf32, #tpu.memory_space<vmem>> -> memref<1x16xf32, #tpu.memory_space<vmem>>
    %dma_wait3A_743 = tpu.memref_squeeze %dma_wait3A_742 : memref<1x16xf32, #tpu.memory_space<vmem>> -> memref<16xf32, #tpu.memory_space<vmem>>
    %dma_wait3A_744 = arith.constant 0 : i32
    %dma_wait3A_745 = tpu.memref_slice %arg2[%dma_wait3A_744] : memref<33554432xf32, #tpu.memory_space<hbm>> -> memref<33554432xf32, #tpu.memory_space<hbm>>
    tpu.wait_indirect_dma semaphore(%arg8 : memref<!tpu.dma_semaphore, #tpu.memory_space<semaphore_mem>>) src(%dma_wait3A_743 : memref<16xf32, #tpu.memory_space<vmem>>) dst(%dma_wait3A_745 : memref<33554432xf32, #tpu.memory_space<hbm>>)
    %dma_wait3A_746 = arith.constant 18 : i32
    %dma_wait3A_747 = tpu.memref_slice %arg7[%dma_wait3A_746, %add3A_193] : memref<32x1024xf32, #tpu.memory_space<vmem>> -> memref<1x16xf32, #tpu.memory_space<vmem>>
    %dma_wait3A_748 = tpu.memref_squeeze %dma_wait3A_747 : memref<1x16xf32, #tpu.memory_space<vmem>> -> memref<16xf32, #tpu.memory_space<vmem>>
    %dma_wait3A_749 = arith.constant 0 : i32
    %dma_wait3A_750 = tpu.memref_slice %arg2[%dma_wait3A_749] : memref<33554432xf32, #tpu.memory_space<hbm>> -> memref<33554432xf32, #tpu.memory_space<hbm>>
    tpu.wait_indirect_dma semaphore(%arg8 : memref<!tpu.dma_semaphore, #tpu.memory_space<semaphore_mem>>) src(%dma_wait3A_748 : memref<16xf32, #tpu.memory_space<vmem>>) dst(%dma_wait3A_750 : memref<33554432xf32, #tpu.memory_space<hbm>>)
    %dma_wait3A_751 = arith.constant 19 : i32
    %dma_wait3A_752 = tpu.memref_slice %arg7[%dma_wait3A_751, %add3A_203] : memref<32x1024xf32, #tpu.memory_space<vmem>> -> memref<1x16xf32, #tpu.memory_space<vmem>>
    %dma_wait3A_753 = tpu.memref_squeeze %dma_wait3A_752 : memref<1x16xf32, #tpu.memory_space<vmem>> -> memref<16xf32, #tpu.memory_space<vmem>>
    %dma_wait3A_754 = arith.constant 0 : i32
    %dma_wait3A_755 = tpu.memref_slice %arg2[%dma_wait3A_754] : memref<33554432xf32, #tpu.memory_space<hbm>> -> memref<33554432xf32, #tpu.memory_space<hbm>>
    tpu.wait_indirect_dma semaphore(%arg8 : memref<!tpu.dma_semaphore, #tpu.memory_space<semaphore_mem>>) src(%dma_wait3A_753 : memref<16xf32, #tpu.memory_space<vmem>>) dst(%dma_wait3A_755 : memref<33554432xf32, #tpu.memory_space<hbm>>)
    %dma_wait3A_756 = arith.constant 20 : i32
    %dma_wait3A_757 = tpu.memref_slice %arg7[%dma_wait3A_756, %add3A_213] : memref<32x1024xf32, #tpu.memory_space<vmem>> -> memref<1x16xf32, #tpu.memory_space<vmem>>
    %dma_wait3A_758 = tpu.memref_squeeze %dma_wait3A_757 : memref<1x16xf32, #tpu.memory_space<vmem>> -> memref<16xf32, #tpu.memory_space<vmem>>
    %dma_wait3A_759 = arith.constant 0 : i32
    %dma_wait3A_760 = tpu.memref_slice %arg2[%dma_wait3A_759] : memref<33554432xf32, #tpu.memory_space<hbm>> -> memref<33554432xf32, #tpu.memory_space<hbm>>
    tpu.wait_indirect_dma semaphore(%arg8 : memref<!tpu.dma_semaphore, #tpu.memory_space<semaphore_mem>>) src(%dma_wait3A_758 : memref<16xf32, #tpu.memory_space<vmem>>) dst(%dma_wait3A_760 : memref<33554432xf32, #tpu.memory_space<hbm>>)
    %dma_wait3A_761 = arith.constant 21 : i32
    %dma_wait3A_762 = tpu.memref_slice %arg7[%dma_wait3A_761, %add3A_223] : memref<32x1024xf32, #tpu.memory_space<vmem>> -> memref<1x16xf32, #tpu.memory_space<vmem>>
    %dma_wait3A_763 = tpu.memref_squeeze %dma_wait3A_762 : memref<1x16xf32, #tpu.memory_space<vmem>> -> memref<16xf32, #tpu.memory_space<vmem>>
    %dma_wait3A_764 = arith.constant 0 : i32
    %dma_wait3A_765 = tpu.memref_slice %arg2[%dma_wait3A_764] : memref<33554432xf32, #tpu.memory_space<hbm>> -> memref<33554432xf32, #tpu.memory_space<hbm>>
    tpu.wait_indirect_dma semaphore(%arg8 : memref<!tpu.dma_semaphore, #tpu.memory_space<semaphore_mem>>) src(%dma_wait3A_763 : memref<16xf32, #tpu.memory_space<vmem>>) dst(%dma_wait3A_765 : memref<33554432xf32, #tpu.memory_space<hbm>>)
    %dma_wait3A_766 = arith.constant 22 : i32
    %dma_wait3A_767 = tpu.memref_slice %arg7[%dma_wait3A_766, %add3A_233] : memref<32x1024xf32, #tpu.memory_space<vmem>> -> memref<1x16xf32, #tpu.memory_space<vmem>>
    %dma_wait3A_768 = tpu.memref_squeeze %dma_wait3A_767 : memref<1x16xf32, #tpu.memory_space<vmem>> -> memref<16xf32, #tpu.memory_space<vmem>>
    %dma_wait3A_769 = arith.constant 0 : i32
    %dma_wait3A_770 = tpu.memref_slice %arg2[%dma_wait3A_769] : memref<33554432xf32, #tpu.memory_space<hbm>> -> memref<33554432xf32, #tpu.memory_space<hbm>>
    tpu.wait_indirect_dma semaphore(%arg8 : memref<!tpu.dma_semaphore, #tpu.memory_space<semaphore_mem>>) src(%dma_wait3A_768 : memref<16xf32, #tpu.memory_space<vmem>>) dst(%dma_wait3A_770 : memref<33554432xf32, #tpu.memory_space<hbm>>)
    %dma_wait3A_771 = arith.constant 23 : i32
    %dma_wait3A_772 = tpu.memref_slice %arg7[%dma_wait3A_771, %add3A_243] : memref<32x1024xf32, #tpu.memory_space<vmem>> -> memref<1x16xf32, #tpu.memory_space<vmem>>
    %dma_wait3A_773 = tpu.memref_squeeze %dma_wait3A_772 : memref<1x16xf32, #tpu.memory_space<vmem>> -> memref<16xf32, #tpu.memory_space<vmem>>
    %dma_wait3A_774 = arith.constant 0 : i32
    %dma_wait3A_775 = tpu.memref_slice %arg2[%dma_wait3A_774] : memref<33554432xf32, #tpu.memory_space<hbm>> -> memref<33554432xf32, #tpu.memory_space<hbm>>
    tpu.wait_indirect_dma semaphore(%arg8 : memref<!tpu.dma_semaphore, #tpu.memory_space<semaphore_mem>>) src(%dma_wait3A_773 : memref<16xf32, #tpu.memory_space<vmem>>) dst(%dma_wait3A_775 : memref<33554432xf32, #tpu.memory_space<hbm>>)
    %dma_wait3A_776 = arith.constant 24 : i32
    %dma_wait3A_777 = tpu.memref_slice %arg7[%dma_wait3A_776, %add3A_253] : memref<32x1024xf32, #tpu.memory_space<vmem>> -> memref<1x16xf32, #tpu.memory_space<vmem>>
    %dma_wait3A_778 = tpu.memref_squeeze %dma_wait3A_777 : memref<1x16xf32, #tpu.memory_space<vmem>> -> memref<16xf32, #tpu.memory_space<vmem>>
    %dma_wait3A_779 = arith.constant 0 : i32
    %dma_wait3A_780 = tpu.memref_slice %arg2[%dma_wait3A_779] : memref<33554432xf32, #tpu.memory_space<hbm>> -> memref<33554432xf32, #tpu.memory_space<hbm>>
    tpu.wait_indirect_dma semaphore(%arg8 : memref<!tpu.dma_semaphore, #tpu.memory_space<semaphore_mem>>) src(%dma_wait3A_778 : memref<16xf32, #tpu.memory_space<vmem>>) dst(%dma_wait3A_780 : memref<33554432xf32, #tpu.memory_space<hbm>>)
    %dma_wait3A_781 = arith.constant 25 : i32
    %dma_wait3A_782 = tpu.memref_slice %arg7[%dma_wait3A_781, %add3A_263] : memref<32x1024xf32, #tpu.memory_space<vmem>> -> memref<1x16xf32, #tpu.memory_space<vmem>>
    %dma_wait3A_783 = tpu.memref_squeeze %dma_wait3A_782 : memref<1x16xf32, #tpu.memory_space<vmem>> -> memref<16xf32, #tpu.memory_space<vmem>>
    %dma_wait3A_784 = arith.constant 0 : i32
    %dma_wait3A_785 = tpu.memref_slice %arg2[%dma_wait3A_784] : memref<33554432xf32, #tpu.memory_space<hbm>> -> memref<33554432xf32, #tpu.memory_space<hbm>>
    tpu.wait_indirect_dma semaphore(%arg8 : memref<!tpu.dma_semaphore, #tpu.memory_space<semaphore_mem>>) src(%dma_wait3A_783 : memref<16xf32, #tpu.memory_space<vmem>>) dst(%dma_wait3A_785 : memref<33554432xf32, #tpu.memory_space<hbm>>)
    %dma_wait3A_786 = arith.constant 26 : i32
    %dma_wait3A_787 = tpu.memref_slice %arg7[%dma_wait3A_786, %add3A_273] : memref<32x1024xf32, #tpu.memory_space<vmem>> -> memref<1x16xf32, #tpu.memory_space<vmem>>
    %dma_wait3A_788 = tpu.memref_squeeze %dma_wait3A_787 : memref<1x16xf32, #tpu.memory_space<vmem>> -> memref<16xf32, #tpu.memory_space<vmem>>
    %dma_wait3A_789 = arith.constant 0 : i32
    %dma_wait3A_790 = tpu.memref_slice %arg2[%dma_wait3A_789] : memref<33554432xf32, #tpu.memory_space<hbm>> -> memref<33554432xf32, #tpu.memory_space<hbm>>
    tpu.wait_indirect_dma semaphore(%arg8 : memref<!tpu.dma_semaphore, #tpu.memory_space<semaphore_mem>>) src(%dma_wait3A_788 : memref<16xf32, #tpu.memory_space<vmem>>) dst(%dma_wait3A_790 : memref<33554432xf32, #tpu.memory_space<hbm>>)
    %dma_wait3A_791 = arith.constant 27 : i32
    %dma_wait3A_792 = tpu.memref_slice %arg7[%dma_wait3A_791, %add3A_283] : memref<32x1024xf32, #tpu.memory_space<vmem>> -> memref<1x16xf32, #tpu.memory_space<vmem>>
    %dma_wait3A_793 = tpu.memref_squeeze %dma_wait3A_792 : memref<1x16xf32, #tpu.memory_space<vmem>> -> memref<16xf32, #tpu.memory_space<vmem>>
    %dma_wait3A_794 = arith.constant 0 : i32
    %dma_wait3A_795 = tpu.memref_slice %arg2[%dma_wait3A_794] : memref<33554432xf32, #tpu.memory_space<hbm>> -> memref<33554432xf32, #tpu.memory_space<hbm>>
    tpu.wait_indirect_dma semaphore(%arg8 : memref<!tpu.dma_semaphore, #tpu.memory_space<semaphore_mem>>) src(%dma_wait3A_793 : memref<16xf32, #tpu.memory_space<vmem>>) dst(%dma_wait3A_795 : memref<33554432xf32, #tpu.memory_space<hbm>>)
    %dma_wait3A_796 = arith.constant 28 : i32
    %dma_wait3A_797 = tpu.memref_slice %arg7[%dma_wait3A_796, %add3A_293] : memref<32x1024xf32, #tpu.memory_space<vmem>> -> memref<1x16xf32, #tpu.memory_space<vmem>>
    %dma_wait3A_798 = tpu.memref_squeeze %dma_wait3A_797 : memref<1x16xf32, #tpu.memory_space<vmem>> -> memref<16xf32, #tpu.memory_space<vmem>>
    %dma_wait3A_799 = arith.constant 0 : i32
    %dma_wait3A_800 = tpu.memref_slice %arg2[%dma_wait3A_799] : memref<33554432xf32, #tpu.memory_space<hbm>> -> memref<33554432xf32, #tpu.memory_space<hbm>>
    tpu.wait_indirect_dma semaphore(%arg8 : memref<!tpu.dma_semaphore, #tpu.memory_space<semaphore_mem>>) src(%dma_wait3A_798 : memref<16xf32, #tpu.memory_space<vmem>>) dst(%dma_wait3A_800 : memref<33554432xf32, #tpu.memory_space<hbm>>)
    %dma_wait3A_801 = arith.constant 29 : i32
    %dma_wait3A_802 = tpu.memref_slice %arg7[%dma_wait3A_801, %add3A_303] : memref<32x1024xf32, #tpu.memory_space<vmem>> -> memref<1x16xf32, #tpu.memory_space<vmem>>
    %dma_wait3A_803 = tpu.memref_squeeze %dma_wait3A_802 : memref<1x16xf32, #tpu.memory_space<vmem>> -> memref<16xf32, #tpu.memory_space<vmem>>
    %dma_wait3A_804 = arith.constant 0 : i32
    %dma_wait3A_805 = tpu.memref_slice %arg2[%dma_wait3A_804] : memref<33554432xf32, #tpu.memory_space<hbm>> -> memref<33554432xf32, #tpu.memory_space<hbm>>
    tpu.wait_indirect_dma semaphore(%arg8 : memref<!tpu.dma_semaphore, #tpu.memory_space<semaphore_mem>>) src(%dma_wait3A_803 : memref<16xf32, #tpu.memory_space<vmem>>) dst(%dma_wait3A_805 : memref<33554432xf32, #tpu.memory_space<hbm>>)
    %dma_wait3A_806 = arith.constant 30 : i32
    %dma_wait3A_807 = tpu.memref_slice %arg7[%dma_wait3A_806, %add3A_313] : memref<32x1024xf32, #tpu.memory_space<vmem>> -> memref<1x16xf32, #tpu.memory_space<vmem>>
    %dma_wait3A_808 = tpu.memref_squeeze %dma_wait3A_807 : memref<1x16xf32, #tpu.memory_space<vmem>> -> memref<16xf32, #tpu.memory_space<vmem>>
    %dma_wait3A_809 = arith.constant 0 : i32
    %dma_wait3A_810 = tpu.memref_slice %arg2[%dma_wait3A_809] : memref<33554432xf32, #tpu.memory_space<hbm>> -> memref<33554432xf32, #tpu.memory_space<hbm>>
    tpu.wait_indirect_dma semaphore(%arg8 : memref<!tpu.dma_semaphore, #tpu.memory_space<semaphore_mem>>) src(%dma_wait3A_808 : memref<16xf32, #tpu.memory_space<vmem>>) dst(%dma_wait3A_810 : memref<33554432xf32, #tpu.memory_space<hbm>>)
    %dma_wait3A_811 = arith.constant 31 : i32
    %dma_wait3A_812 = tpu.memref_slice %arg7[%dma_wait3A_811, %add3A_323] : memref<32x1024xf32, #tpu.memory_space<vmem>> -> memref<1x16xf32, #tpu.memory_space<vmem>>
    %dma_wait3A_813 = tpu.memref_squeeze %dma_wait3A_812 : memref<1x16xf32, #tpu.memory_space<vmem>> -> memref<16xf32, #tpu.memory_space<vmem>>
    %dma_wait3A_814 = arith.constant 0 : i32
    %dma_wait3A_815 = tpu.memref_slice %arg2[%dma_wait3A_814] : memref<33554432xf32, #tpu.memory_space<hbm>> -> memref<33554432xf32, #tpu.memory_space<hbm>>
    tpu.wait_indirect_dma semaphore(%arg8 : memref<!tpu.dma_semaphore, #tpu.memory_space<semaphore_mem>>) src(%dma_wait3A_813 : memref<16xf32, #tpu.memory_space<vmem>>) dst(%dma_wait3A_815 : memref<33554432xf32, #tpu.memory_space<hbm>>)
    %dma_wait3A_816 = arith.constant 0 : i32
    %dma_wait3A_817 = tpu.memref_slice %arg7[%dma_wait3A_816, %add3A_341] : memref<32x1024xf32, #tpu.memory_space<vmem>> -> memref<1x16xf32, #tpu.memory_space<vmem>>
    %dma_wait3A_818 = tpu.memref_squeeze %dma_wait3A_817 : memref<1x16xf32, #tpu.memory_space<vmem>> -> memref<16xf32, #tpu.memory_space<vmem>>
    %dma_wait3A_819 = arith.constant 0 : i32
    %dma_wait3A_820 = tpu.memref_slice %arg2[%dma_wait3A_819] : memref<33554432xf32, #tpu.memory_space<hbm>> -> memref<33554432xf32, #tpu.memory_space<hbm>>
    tpu.wait_indirect_dma semaphore(%arg8 : memref<!tpu.dma_semaphore, #tpu.memory_space<semaphore_mem>>) src(%dma_wait3A_818 : memref<16xf32, #tpu.memory_space<vmem>>) dst(%dma_wait3A_820 : memref<33554432xf32, #tpu.memory_space<hbm>>)
    %dma_wait3A_821 = arith.constant 1 : i32
    %dma_wait3A_822 = tpu.memref_slice %arg7[%dma_wait3A_821, %add3A_351] : memref<32x1024xf32, #tpu.memory_space<vmem>> -> memref<1x16xf32, #tpu.memory_space<vmem>>
    %dma_wait3A_823 = tpu.memref_squeeze %dma_wait3A_822 : memref<1x16xf32, #tpu.memory_space<vmem>> -> memref<16xf32, #tpu.memory_space<vmem>>
    %dma_wait3A_824 = arith.constant 0 : i32
    %dma_wait3A_825 = tpu.memref_slice %arg2[%dma_wait3A_824] : memref<33554432xf32, #tpu.memory_space<hbm>> -> memref<33554432xf32, #tpu.memory_space<hbm>>
    tpu.wait_indirect_dma semaphore(%arg8 : memref<!tpu.dma_semaphore, #tpu.memory_space<semaphore_mem>>) src(%dma_wait3A_823 : memref<16xf32, #tpu.memory_space<vmem>>) dst(%dma_wait3A_825 : memref<33554432xf32, #tpu.memory_space<hbm>>)
    %dma_wait3A_826 = arith.constant 2 : i32
    %dma_wait3A_827 = tpu.memref_slice %arg7[%dma_wait3A_826, %add3A_361] : memref<32x1024xf32, #tpu.memory_space<vmem>> -> memref<1x16xf32, #tpu.memory_space<vmem>>
    %dma_wait3A_828 = tpu.memref_squeeze %dma_wait3A_827 : memref<1x16xf32, #tpu.memory_space<vmem>> -> memref<16xf32, #tpu.memory_space<vmem>>
    %dma_wait3A_829 = arith.constant 0 : i32
    %dma_wait3A_830 = tpu.memref_slice %arg2[%dma_wait3A_829] : memref<33554432xf32, #tpu.memory_space<hbm>> -> memref<33554432xf32, #tpu.memory_space<hbm>>
    tpu.wait_indirect_dma semaphore(%arg8 : memref<!tpu.dma_semaphore, #tpu.memory_space<semaphore_mem>>) src(%dma_wait3A_828 : memref<16xf32, #tpu.memory_space<vmem>>) dst(%dma_wait3A_830 : memref<33554432xf32, #tpu.memory_space<hbm>>)
    %dma_wait3A_831 = arith.constant 3 : i32
    %dma_wait3A_832 = tpu.memref_slice %arg7[%dma_wait3A_831, %add3A_371] : memref<32x1024xf32, #tpu.memory_space<vmem>> -> memref<1x16xf32, #tpu.memory_space<vmem>>
    %dma_wait3A_833 = tpu.memref_squeeze %dma_wait3A_832 : memref<1x16xf32, #tpu.memory_space<vmem>> -> memref<16xf32, #tpu.memory_space<vmem>>
    %dma_wait3A_834 = arith.constant 0 : i32
    %dma_wait3A_835 = tpu.memref_slice %arg2[%dma_wait3A_834] : memref<33554432xf32, #tpu.memory_space<hbm>> -> memref<33554432xf32, #tpu.memory_space<hbm>>
    tpu.wait_indirect_dma semaphore(%arg8 : memref<!tpu.dma_semaphore, #tpu.memory_space<semaphore_mem>>) src(%dma_wait3A_833 : memref<16xf32, #tpu.memory_space<vmem>>) dst(%dma_wait3A_835 : memref<33554432xf32, #tpu.memory_space<hbm>>)
    %dma_wait3A_836 = arith.constant 4 : i32
    %dma_wait3A_837 = tpu.memref_slice %arg7[%dma_wait3A_836, %add3A_381] : memref<32x1024xf32, #tpu.memory_space<vmem>> -> memref<1x16xf32, #tpu.memory_space<vmem>>
    %dma_wait3A_838 = tpu.memref_squeeze %dma_wait3A_837 : memref<1x16xf32, #tpu.memory_space<vmem>> -> memref<16xf32, #tpu.memory_space<vmem>>
    %dma_wait3A_839 = arith.constant 0 : i32
    %dma_wait3A_840 = tpu.memref_slice %arg2[%dma_wait3A_839] : memref<33554432xf32, #tpu.memory_space<hbm>> -> memref<33554432xf32, #tpu.memory_space<hbm>>
    tpu.wait_indirect_dma semaphore(%arg8 : memref<!tpu.dma_semaphore, #tpu.memory_space<semaphore_mem>>) src(%dma_wait3A_838 : memref<16xf32, #tpu.memory_space<vmem>>) dst(%dma_wait3A_840 : memref<33554432xf32, #tpu.memory_space<hbm>>)
    %dma_wait3A_841 = arith.constant 5 : i32
    %dma_wait3A_842 = tpu.memref_slice %arg7[%dma_wait3A_841, %add3A_391] : memref<32x1024xf32, #tpu.memory_space<vmem>> -> memref<1x16xf32, #tpu.memory_space<vmem>>
    %dma_wait3A_843 = tpu.memref_squeeze %dma_wait3A_842 : memref<1x16xf32, #tpu.memory_space<vmem>> -> memref<16xf32, #tpu.memory_space<vmem>>
    %dma_wait3A_844 = arith.constant 0 : i32
    %dma_wait3A_845 = tpu.memref_slice %arg2[%dma_wait3A_844] : memref<33554432xf32, #tpu.memory_space<hbm>> -> memref<33554432xf32, #tpu.memory_space<hbm>>
    tpu.wait_indirect_dma semaphore(%arg8 : memref<!tpu.dma_semaphore, #tpu.memory_space<semaphore_mem>>) src(%dma_wait3A_843 : memref<16xf32, #tpu.memory_space<vmem>>) dst(%dma_wait3A_845 : memref<33554432xf32, #tpu.memory_space<hbm>>)
    %dma_wait3A_846 = arith.constant 6 : i32
    %dma_wait3A_847 = tpu.memref_slice %arg7[%dma_wait3A_846, %add3A_401] : memref<32x1024xf32, #tpu.memory_space<vmem>> -> memref<1x16xf32, #tpu.memory_space<vmem>>
    %dma_wait3A_848 = tpu.memref_squeeze %dma_wait3A_847 : memref<1x16xf32, #tpu.memory_space<vmem>> -> memref<16xf32, #tpu.memory_space<vmem>>
    %dma_wait3A_849 = arith.constant 0 : i32
    %dma_wait3A_850 = tpu.memref_slice %arg2[%dma_wait3A_849] : memref<33554432xf32, #tpu.memory_space<hbm>> -> memref<33554432xf32, #tpu.memory_space<hbm>>
    tpu.wait_indirect_dma semaphore(%arg8 : memref<!tpu.dma_semaphore, #tpu.memory_space<semaphore_mem>>) src(%dma_wait3A_848 : memref<16xf32, #tpu.memory_space<vmem>>) dst(%dma_wait3A_850 : memref<33554432xf32, #tpu.memory_space<hbm>>)
    %dma_wait3A_851 = arith.constant 7 : i32
    %dma_wait3A_852 = tpu.memref_slice %arg7[%dma_wait3A_851, %add3A_411] : memref<32x1024xf32, #tpu.memory_space<vmem>> -> memref<1x16xf32, #tpu.memory_space<vmem>>
    %dma_wait3A_853 = tpu.memref_squeeze %dma_wait3A_852 : memref<1x16xf32, #tpu.memory_space<vmem>> -> memref<16xf32, #tpu.memory_space<vmem>>
    %dma_wait3A_854 = arith.constant 0 : i32
    %dma_wait3A_855 = tpu.memref_slice %arg2[%dma_wait3A_854] : memref<33554432xf32, #tpu.memory_space<hbm>> -> memref<33554432xf32, #tpu.memory_space<hbm>>
    tpu.wait_indirect_dma semaphore(%arg8 : memref<!tpu.dma_semaphore, #tpu.memory_space<semaphore_mem>>) src(%dma_wait3A_853 : memref<16xf32, #tpu.memory_space<vmem>>) dst(%dma_wait3A_855 : memref<33554432xf32, #tpu.memory_space<hbm>>)
    %dma_wait3A_856 = arith.constant 8 : i32
    %dma_wait3A_857 = tpu.memref_slice %arg7[%dma_wait3A_856, %add3A_421] : memref<32x1024xf32, #tpu.memory_space<vmem>> -> memref<1x16xf32, #tpu.memory_space<vmem>>
    %dma_wait3A_858 = tpu.memref_squeeze %dma_wait3A_857 : memref<1x16xf32, #tpu.memory_space<vmem>> -> memref<16xf32, #tpu.memory_space<vmem>>
    %dma_wait3A_859 = arith.constant 0 : i32
    %dma_wait3A_860 = tpu.memref_slice %arg2[%dma_wait3A_859] : memref<33554432xf32, #tpu.memory_space<hbm>> -> memref<33554432xf32, #tpu.memory_space<hbm>>
    tpu.wait_indirect_dma semaphore(%arg8 : memref<!tpu.dma_semaphore, #tpu.memory_space<semaphore_mem>>) src(%dma_wait3A_858 : memref<16xf32, #tpu.memory_space<vmem>>) dst(%dma_wait3A_860 : memref<33554432xf32, #tpu.memory_space<hbm>>)
    %dma_wait3A_861 = arith.constant 9 : i32
    %dma_wait3A_862 = tpu.memref_slice %arg7[%dma_wait3A_861, %add3A_431] : memref<32x1024xf32, #tpu.memory_space<vmem>> -> memref<1x16xf32, #tpu.memory_space<vmem>>
    %dma_wait3A_863 = tpu.memref_squeeze %dma_wait3A_862 : memref<1x16xf32, #tpu.memory_space<vmem>> -> memref<16xf32, #tpu.memory_space<vmem>>
    %dma_wait3A_864 = arith.constant 0 : i32
    %dma_wait3A_865 = tpu.memref_slice %arg2[%dma_wait3A_864] : memref<33554432xf32, #tpu.memory_space<hbm>> -> memref<33554432xf32, #tpu.memory_space<hbm>>
    tpu.wait_indirect_dma semaphore(%arg8 : memref<!tpu.dma_semaphore, #tpu.memory_space<semaphore_mem>>) src(%dma_wait3A_863 : memref<16xf32, #tpu.memory_space<vmem>>) dst(%dma_wait3A_865 : memref<33554432xf32, #tpu.memory_space<hbm>>)
    %dma_wait3A_866 = arith.constant 10 : i32
    %dma_wait3A_867 = tpu.memref_slice %arg7[%dma_wait3A_866, %add3A_441] : memref<32x1024xf32, #tpu.memory_space<vmem>> -> memref<1x16xf32, #tpu.memory_space<vmem>>
    %dma_wait3A_868 = tpu.memref_squeeze %dma_wait3A_867 : memref<1x16xf32, #tpu.memory_space<vmem>> -> memref<16xf32, #tpu.memory_space<vmem>>
    %dma_wait3A_869 = arith.constant 0 : i32
    %dma_wait3A_870 = tpu.memref_slice %arg2[%dma_wait3A_869] : memref<33554432xf32, #tpu.memory_space<hbm>> -> memref<33554432xf32, #tpu.memory_space<hbm>>
    tpu.wait_indirect_dma semaphore(%arg8 : memref<!tpu.dma_semaphore, #tpu.memory_space<semaphore_mem>>) src(%dma_wait3A_868 : memref<16xf32, #tpu.memory_space<vmem>>) dst(%dma_wait3A_870 : memref<33554432xf32, #tpu.memory_space<hbm>>)
    %dma_wait3A_871 = arith.constant 11 : i32
    %dma_wait3A_872 = tpu.memref_slice %arg7[%dma_wait3A_871, %add3A_451] : memref<32x1024xf32, #tpu.memory_space<vmem>> -> memref<1x16xf32, #tpu.memory_space<vmem>>
    %dma_wait3A_873 = tpu.memref_squeeze %dma_wait3A_872 : memref<1x16xf32, #tpu.memory_space<vmem>> -> memref<16xf32, #tpu.memory_space<vmem>>
    %dma_wait3A_874 = arith.constant 0 : i32
    %dma_wait3A_875 = tpu.memref_slice %arg2[%dma_wait3A_874] : memref<33554432xf32, #tpu.memory_space<hbm>> -> memref<33554432xf32, #tpu.memory_space<hbm>>
    tpu.wait_indirect_dma semaphore(%arg8 : memref<!tpu.dma_semaphore, #tpu.memory_space<semaphore_mem>>) src(%dma_wait3A_873 : memref<16xf32, #tpu.memory_space<vmem>>) dst(%dma_wait3A_875 : memref<33554432xf32, #tpu.memory_space<hbm>>)
    %dma_wait3A_876 = arith.constant 12 : i32
    %dma_wait3A_877 = tpu.memref_slice %arg7[%dma_wait3A_876, %add3A_461] : memref<32x1024xf32, #tpu.memory_space<vmem>> -> memref<1x16xf32, #tpu.memory_space<vmem>>
    %dma_wait3A_878 = tpu.memref_squeeze %dma_wait3A_877 : memref<1x16xf32, #tpu.memory_space<vmem>> -> memref<16xf32, #tpu.memory_space<vmem>>
    %dma_wait3A_879 = arith.constant 0 : i32
    %dma_wait3A_880 = tpu.memref_slice %arg2[%dma_wait3A_879] : memref<33554432xf32, #tpu.memory_space<hbm>> -> memref<33554432xf32, #tpu.memory_space<hbm>>
    tpu.wait_indirect_dma semaphore(%arg8 : memref<!tpu.dma_semaphore, #tpu.memory_space<semaphore_mem>>) src(%dma_wait3A_878 : memref<16xf32, #tpu.memory_space<vmem>>) dst(%dma_wait3A_880 : memref<33554432xf32, #tpu.memory_space<hbm>>)
    %dma_wait3A_881 = arith.constant 13 : i32
    %dma_wait3A_882 = tpu.memref_slice %arg7[%dma_wait3A_881, %add3A_471] : memref<32x1024xf32, #tpu.memory_space<vmem>> -> memref<1x16xf32, #tpu.memory_space<vmem>>
    %dma_wait3A_883 = tpu.memref_squeeze %dma_wait3A_882 : memref<1x16xf32, #tpu.memory_space<vmem>> -> memref<16xf32, #tpu.memory_space<vmem>>
    %dma_wait3A_884 = arith.constant 0 : i32
    %dma_wait3A_885 = tpu.memref_slice %arg2[%dma_wait3A_884] : memref<33554432xf32, #tpu.memory_space<hbm>> -> memref<33554432xf32, #tpu.memory_space<hbm>>
    tpu.wait_indirect_dma semaphore(%arg8 : memref<!tpu.dma_semaphore, #tpu.memory_space<semaphore_mem>>) src(%dma_wait3A_883 : memref<16xf32, #tpu.memory_space<vmem>>) dst(%dma_wait3A_885 : memref<33554432xf32, #tpu.memory_space<hbm>>)
    %dma_wait3A_886 = arith.constant 14 : i32
    %dma_wait3A_887 = tpu.memref_slice %arg7[%dma_wait3A_886, %add3A_481] : memref<32x1024xf32, #tpu.memory_space<vmem>> -> memref<1x16xf32, #tpu.memory_space<vmem>>
    %dma_wait3A_888 = tpu.memref_squeeze %dma_wait3A_887 : memref<1x16xf32, #tpu.memory_space<vmem>> -> memref<16xf32, #tpu.memory_space<vmem>>
    %dma_wait3A_889 = arith.constant 0 : i32
    %dma_wait3A_890 = tpu.memref_slice %arg2[%dma_wait3A_889] : memref<33554432xf32, #tpu.memory_space<hbm>> -> memref<33554432xf32, #tpu.memory_space<hbm>>
    tpu.wait_indirect_dma semaphore(%arg8 : memref<!tpu.dma_semaphore, #tpu.memory_space<semaphore_mem>>) src(%dma_wait3A_888 : memref<16xf32, #tpu.memory_space<vmem>>) dst(%dma_wait3A_890 : memref<33554432xf32, #tpu.memory_space<hbm>>)
    %dma_wait3A_891 = arith.constant 15 : i32
    %dma_wait3A_892 = tpu.memref_slice %arg7[%dma_wait3A_891, %add3A_491] : memref<32x1024xf32, #tpu.memory_space<vmem>> -> memref<1x16xf32, #tpu.memory_space<vmem>>
    %dma_wait3A_893 = tpu.memref_squeeze %dma_wait3A_892 : memref<1x16xf32, #tpu.memory_space<vmem>> -> memref<16xf32, #tpu.memory_space<vmem>>
    %dma_wait3A_894 = arith.constant 0 : i32
    %dma_wait3A_895 = tpu.memref_slice %arg2[%dma_wait3A_894] : memref<33554432xf32, #tpu.memory_space<hbm>> -> memref<33554432xf32, #tpu.memory_space<hbm>>
    tpu.wait_indirect_dma semaphore(%arg8 : memref<!tpu.dma_semaphore, #tpu.memory_space<semaphore_mem>>) src(%dma_wait3A_893 : memref<16xf32, #tpu.memory_space<vmem>>) dst(%dma_wait3A_895 : memref<33554432xf32, #tpu.memory_space<hbm>>)
    %dma_wait3A_896 = arith.constant 16 : i32
    %dma_wait3A_897 = tpu.memref_slice %arg7[%dma_wait3A_896, %add3A_501] : memref<32x1024xf32, #tpu.memory_space<vmem>> -> memref<1x16xf32, #tpu.memory_space<vmem>>
    %dma_wait3A_898 = tpu.memref_squeeze %dma_wait3A_897 : memref<1x16xf32, #tpu.memory_space<vmem>> -> memref<16xf32, #tpu.memory_space<vmem>>
    %dma_wait3A_899 = arith.constant 0 : i32
    %dma_wait3A_900 = tpu.memref_slice %arg2[%dma_wait3A_899] : memref<33554432xf32, #tpu.memory_space<hbm>> -> memref<33554432xf32, #tpu.memory_space<hbm>>
    tpu.wait_indirect_dma semaphore(%arg8 : memref<!tpu.dma_semaphore, #tpu.memory_space<semaphore_mem>>) src(%dma_wait3A_898 : memref<16xf32, #tpu.memory_space<vmem>>) dst(%dma_wait3A_900 : memref<33554432xf32, #tpu.memory_space<hbm>>)
    %dma_wait3A_901 = arith.constant 17 : i32
    %dma_wait3A_902 = tpu.memref_slice %arg7[%dma_wait3A_901, %add3A_511] : memref<32x1024xf32, #tpu.memory_space<vmem>> -> memref<1x16xf32, #tpu.memory_space<vmem>>
    %dma_wait3A_903 = tpu.memref_squeeze %dma_wait3A_902 : memref<1x16xf32, #tpu.memory_space<vmem>> -> memref<16xf32, #tpu.memory_space<vmem>>
    %dma_wait3A_904 = arith.constant 0 : i32
    %dma_wait3A_905 = tpu.memref_slice %arg2[%dma_wait3A_904] : memref<33554432xf32, #tpu.memory_space<hbm>> -> memref<33554432xf32, #tpu.memory_space<hbm>>
    tpu.wait_indirect_dma semaphore(%arg8 : memref<!tpu.dma_semaphore, #tpu.memory_space<semaphore_mem>>) src(%dma_wait3A_903 : memref<16xf32, #tpu.memory_space<vmem>>) dst(%dma_wait3A_905 : memref<33554432xf32, #tpu.memory_space<hbm>>)
    %dma_wait3A_906 = arith.constant 18 : i32
    %dma_wait3A_907 = tpu.memref_slice %arg7[%dma_wait3A_906, %add3A_521] : memref<32x1024xf32, #tpu.memory_space<vmem>> -> memref<1x16xf32, #tpu.memory_space<vmem>>
    %dma_wait3A_908 = tpu.memref_squeeze %dma_wait3A_907 : memref<1x16xf32, #tpu.memory_space<vmem>> -> memref<16xf32, #tpu.memory_space<vmem>>
    %dma_wait3A_909 = arith.constant 0 : i32
    %dma_wait3A_910 = tpu.memref_slice %arg2[%dma_wait3A_909] : memref<33554432xf32, #tpu.memory_space<hbm>> -> memref<33554432xf32, #tpu.memory_space<hbm>>
    tpu.wait_indirect_dma semaphore(%arg8 : memref<!tpu.dma_semaphore, #tpu.memory_space<semaphore_mem>>) src(%dma_wait3A_908 : memref<16xf32, #tpu.memory_space<vmem>>) dst(%dma_wait3A_910 : memref<33554432xf32, #tpu.memory_space<hbm>>)
    %dma_wait3A_911 = arith.constant 19 : i32
    %dma_wait3A_912 = tpu.memref_slice %arg7[%dma_wait3A_911, %add3A_531] : memref<32x1024xf32, #tpu.memory_space<vmem>> -> memref<1x16xf32, #tpu.memory_space<vmem>>
    %dma_wait3A_913 = tpu.memref_squeeze %dma_wait3A_912 : memref<1x16xf32, #tpu.memory_space<vmem>> -> memref<16xf32, #tpu.memory_space<vmem>>
    %dma_wait3A_914 = arith.constant 0 : i32
    %dma_wait3A_915 = tpu.memref_slice %arg2[%dma_wait3A_914] : memref<33554432xf32, #tpu.memory_space<hbm>> -> memref<33554432xf32, #tpu.memory_space<hbm>>
    tpu.wait_indirect_dma semaphore(%arg8 : memref<!tpu.dma_semaphore, #tpu.memory_space<semaphore_mem>>) src(%dma_wait3A_913 : memref<16xf32, #tpu.memory_space<vmem>>) dst(%dma_wait3A_915 : memref<33554432xf32, #tpu.memory_space<hbm>>)
    %dma_wait3A_916 = arith.constant 20 : i32
    %dma_wait3A_917 = tpu.memref_slice %arg7[%dma_wait3A_916, %add3A_541] : memref<32x1024xf32, #tpu.memory_space<vmem>> -> memref<1x16xf32, #tpu.memory_space<vmem>>
    %dma_wait3A_918 = tpu.memref_squeeze %dma_wait3A_917 : memref<1x16xf32, #tpu.memory_space<vmem>> -> memref<16xf32, #tpu.memory_space<vmem>>
    %dma_wait3A_919 = arith.constant 0 : i32
    %dma_wait3A_920 = tpu.memref_slice %arg2[%dma_wait3A_919] : memref<33554432xf32, #tpu.memory_space<hbm>> -> memref<33554432xf32, #tpu.memory_space<hbm>>
    tpu.wait_indirect_dma semaphore(%arg8 : memref<!tpu.dma_semaphore, #tpu.memory_space<semaphore_mem>>) src(%dma_wait3A_918 : memref<16xf32, #tpu.memory_space<vmem>>) dst(%dma_wait3A_920 : memref<33554432xf32, #tpu.memory_space<hbm>>)
    %dma_wait3A_921 = arith.constant 21 : i32
    %dma_wait3A_922 = tpu.memref_slice %arg7[%dma_wait3A_921, %add3A_551] : memref<32x1024xf32, #tpu.memory_space<vmem>> -> memref<1x16xf32, #tpu.memory_space<vmem>>
    %dma_wait3A_923 = tpu.memref_squeeze %dma_wait3A_922 : memref<1x16xf32, #tpu.memory_space<vmem>> -> memref<16xf32, #tpu.memory_space<vmem>>
    %dma_wait3A_924 = arith.constant 0 : i32
    %dma_wait3A_925 = tpu.memref_slice %arg2[%dma_wait3A_924] : memref<33554432xf32, #tpu.memory_space<hbm>> -> memref<33554432xf32, #tpu.memory_space<hbm>>
    tpu.wait_indirect_dma semaphore(%arg8 : memref<!tpu.dma_semaphore, #tpu.memory_space<semaphore_mem>>) src(%dma_wait3A_923 : memref<16xf32, #tpu.memory_space<vmem>>) dst(%dma_wait3A_925 : memref<33554432xf32, #tpu.memory_space<hbm>>)
    %dma_wait3A_926 = arith.constant 22 : i32
    %dma_wait3A_927 = tpu.memref_slice %arg7[%dma_wait3A_926, %add3A_561] : memref<32x1024xf32, #tpu.memory_space<vmem>> -> memref<1x16xf32, #tpu.memory_space<vmem>>
    %dma_wait3A_928 = tpu.memref_squeeze %dma_wait3A_927 : memref<1x16xf32, #tpu.memory_space<vmem>> -> memref<16xf32, #tpu.memory_space<vmem>>
    %dma_wait3A_929 = arith.constant 0 : i32
    %dma_wait3A_930 = tpu.memref_slice %arg2[%dma_wait3A_929] : memref<33554432xf32, #tpu.memory_space<hbm>> -> memref<33554432xf32, #tpu.memory_space<hbm>>
    tpu.wait_indirect_dma semaphore(%arg8 : memref<!tpu.dma_semaphore, #tpu.memory_space<semaphore_mem>>) src(%dma_wait3A_928 : memref<16xf32, #tpu.memory_space<vmem>>) dst(%dma_wait3A_930 : memref<33554432xf32, #tpu.memory_space<hbm>>)
    %dma_wait3A_931 = arith.constant 23 : i32
    %dma_wait3A_932 = tpu.memref_slice %arg7[%dma_wait3A_931, %add3A_571] : memref<32x1024xf32, #tpu.memory_space<vmem>> -> memref<1x16xf32, #tpu.memory_space<vmem>>
    %dma_wait3A_933 = tpu.memref_squeeze %dma_wait3A_932 : memref<1x16xf32, #tpu.memory_space<vmem>> -> memref<16xf32, #tpu.memory_space<vmem>>
    %dma_wait3A_934 = arith.constant 0 : i32
    %dma_wait3A_935 = tpu.memref_slice %arg2[%dma_wait3A_934] : memref<33554432xf32, #tpu.memory_space<hbm>> -> memref<33554432xf32, #tpu.memory_space<hbm>>
    tpu.wait_indirect_dma semaphore(%arg8 : memref<!tpu.dma_semaphore, #tpu.memory_space<semaphore_mem>>) src(%dma_wait3A_933 : memref<16xf32, #tpu.memory_space<vmem>>) dst(%dma_wait3A_935 : memref<33554432xf32, #tpu.memory_space<hbm>>)
    %dma_wait3A_936 = arith.constant 24 : i32
    %dma_wait3A_937 = tpu.memref_slice %arg7[%dma_wait3A_936, %add3A_581] : memref<32x1024xf32, #tpu.memory_space<vmem>> -> memref<1x16xf32, #tpu.memory_space<vmem>>
    %dma_wait3A_938 = tpu.memref_squeeze %dma_wait3A_937 : memref<1x16xf32, #tpu.memory_space<vmem>> -> memref<16xf32, #tpu.memory_space<vmem>>
    %dma_wait3A_939 = arith.constant 0 : i32
    %dma_wait3A_940 = tpu.memref_slice %arg2[%dma_wait3A_939] : memref<33554432xf32, #tpu.memory_space<hbm>> -> memref<33554432xf32, #tpu.memory_space<hbm>>
    tpu.wait_indirect_dma semaphore(%arg8 : memref<!tpu.dma_semaphore, #tpu.memory_space<semaphore_mem>>) src(%dma_wait3A_938 : memref<16xf32, #tpu.memory_space<vmem>>) dst(%dma_wait3A_940 : memref<33554432xf32, #tpu.memory_space<hbm>>)
    %dma_wait3A_941 = arith.constant 25 : i32
    %dma_wait3A_942 = tpu.memref_slice %arg7[%dma_wait3A_941, %add3A_591] : memref<32x1024xf32, #tpu.memory_space<vmem>> -> memref<1x16xf32, #tpu.memory_space<vmem>>
    %dma_wait3A_943 = tpu.memref_squeeze %dma_wait3A_942 : memref<1x16xf32, #tpu.memory_space<vmem>> -> memref<16xf32, #tpu.memory_space<vmem>>
    %dma_wait3A_944 = arith.constant 0 : i32
    %dma_wait3A_945 = tpu.memref_slice %arg2[%dma_wait3A_944] : memref<33554432xf32, #tpu.memory_space<hbm>> -> memref<33554432xf32, #tpu.memory_space<hbm>>
    tpu.wait_indirect_dma semaphore(%arg8 : memref<!tpu.dma_semaphore, #tpu.memory_space<semaphore_mem>>) src(%dma_wait3A_943 : memref<16xf32, #tpu.memory_space<vmem>>) dst(%dma_wait3A_945 : memref<33554432xf32, #tpu.memory_space<hbm>>)
    %dma_wait3A_946 = arith.constant 26 : i32
    %dma_wait3A_947 = tpu.memref_slice %arg7[%dma_wait3A_946, %add3A_601] : memref<32x1024xf32, #tpu.memory_space<vmem>> -> memref<1x16xf32, #tpu.memory_space<vmem>>
    %dma_wait3A_948 = tpu.memref_squeeze %dma_wait3A_947 : memref<1x16xf32, #tpu.memory_space<vmem>> -> memref<16xf32, #tpu.memory_space<vmem>>
    %dma_wait3A_949 = arith.constant 0 : i32
    %dma_wait3A_950 = tpu.memref_slice %arg2[%dma_wait3A_949] : memref<33554432xf32, #tpu.memory_space<hbm>> -> memref<33554432xf32, #tpu.memory_space<hbm>>
    tpu.wait_indirect_dma semaphore(%arg8 : memref<!tpu.dma_semaphore, #tpu.memory_space<semaphore_mem>>) src(%dma_wait3A_948 : memref<16xf32, #tpu.memory_space<vmem>>) dst(%dma_wait3A_950 : memref<33554432xf32, #tpu.memory_space<hbm>>)
    %dma_wait3A_951 = arith.constant 27 : i32
    %dma_wait3A_952 = tpu.memref_slice %arg7[%dma_wait3A_951, %add3A_611] : memref<32x1024xf32, #tpu.memory_space<vmem>> -> memref<1x16xf32, #tpu.memory_space<vmem>>
    %dma_wait3A_953 = tpu.memref_squeeze %dma_wait3A_952 : memref<1x16xf32, #tpu.memory_space<vmem>> -> memref<16xf32, #tpu.memory_space<vmem>>
    %dma_wait3A_954 = arith.constant 0 : i32
    %dma_wait3A_955 = tpu.memref_slice %arg2[%dma_wait3A_954] : memref<33554432xf32, #tpu.memory_space<hbm>> -> memref<33554432xf32, #tpu.memory_space<hbm>>
    tpu.wait_indirect_dma semaphore(%arg8 : memref<!tpu.dma_semaphore, #tpu.memory_space<semaphore_mem>>) src(%dma_wait3A_953 : memref<16xf32, #tpu.memory_space<vmem>>) dst(%dma_wait3A_955 : memref<33554432xf32, #tpu.memory_space<hbm>>)
    %dma_wait3A_956 = arith.constant 28 : i32
    %dma_wait3A_957 = tpu.memref_slice %arg7[%dma_wait3A_956, %add3A_621] : memref<32x1024xf32, #tpu.memory_space<vmem>> -> memref<1x16xf32, #tpu.memory_space<vmem>>
    %dma_wait3A_958 = tpu.memref_squeeze %dma_wait3A_957 : memref<1x16xf32, #tpu.memory_space<vmem>> -> memref<16xf32, #tpu.memory_space<vmem>>
    %dma_wait3A_959 = arith.constant 0 : i32
    %dma_wait3A_960 = tpu.memref_slice %arg2[%dma_wait3A_959] : memref<33554432xf32, #tpu.memory_space<hbm>> -> memref<33554432xf32, #tpu.memory_space<hbm>>
    tpu.wait_indirect_dma semaphore(%arg8 : memref<!tpu.dma_semaphore, #tpu.memory_space<semaphore_mem>>) src(%dma_wait3A_958 : memref<16xf32, #tpu.memory_space<vmem>>) dst(%dma_wait3A_960 : memref<33554432xf32, #tpu.memory_space<hbm>>)
    %dma_wait3A_961 = arith.constant 29 : i32
    %dma_wait3A_962 = tpu.memref_slice %arg7[%dma_wait3A_961, %add3A_631] : memref<32x1024xf32, #tpu.memory_space<vmem>> -> memref<1x16xf32, #tpu.memory_space<vmem>>
    %dma_wait3A_963 = tpu.memref_squeeze %dma_wait3A_962 : memref<1x16xf32, #tpu.memory_space<vmem>> -> memref<16xf32, #tpu.memory_space<vmem>>
    %dma_wait3A_964 = arith.constant 0 : i32
    %dma_wait3A_965 = tpu.memref_slice %arg2[%dma_wait3A_964] : memref<33554432xf32, #tpu.memory_space<hbm>> -> memref<33554432xf32, #tpu.memory_space<hbm>>
    tpu.wait_indirect_dma semaphore(%arg8 : memref<!tpu.dma_semaphore, #tpu.memory_space<semaphore_mem>>) src(%dma_wait3A_963 : memref<16xf32, #tpu.memory_space<vmem>>) dst(%dma_wait3A_965 : memref<33554432xf32, #tpu.memory_space<hbm>>)
    %dma_wait3A_966 = arith.constant 30 : i32
    %dma_wait3A_967 = tpu.memref_slice %arg7[%dma_wait3A_966, %add3A_641] : memref<32x1024xf32, #tpu.memory_space<vmem>> -> memref<1x16xf32, #tpu.memory_space<vmem>>
    %dma_wait3A_968 = tpu.memref_squeeze %dma_wait3A_967 : memref<1x16xf32, #tpu.memory_space<vmem>> -> memref<16xf32, #tpu.memory_space<vmem>>
    %dma_wait3A_969 = arith.constant 0 : i32
    %dma_wait3A_970 = tpu.memref_slice %arg2[%dma_wait3A_969] : memref<33554432xf32, #tpu.memory_space<hbm>> -> memref<33554432xf32, #tpu.memory_space<hbm>>
    tpu.wait_indirect_dma semaphore(%arg8 : memref<!tpu.dma_semaphore, #tpu.memory_space<semaphore_mem>>) src(%dma_wait3A_968 : memref<16xf32, #tpu.memory_space<vmem>>) dst(%dma_wait3A_970 : memref<33554432xf32, #tpu.memory_space<hbm>>)
    %dma_wait3A_971 = arith.constant 31 : i32
    %dma_wait3A_972 = tpu.memref_slice %arg7[%dma_wait3A_971, %add3A_651] : memref<32x1024xf32, #tpu.memory_space<vmem>> -> memref<1x16xf32, #tpu.memory_space<vmem>>
    %dma_wait3A_973 = tpu.memref_squeeze %dma_wait3A_972 : memref<1x16xf32, #tpu.memory_space<vmem>> -> memref<16xf32, #tpu.memory_space<vmem>>
    %dma_wait3A_974 = arith.constant 0 : i32
    %dma_wait3A_975 = tpu.memref_slice %arg2[%dma_wait3A_974] : memref<33554432xf32, #tpu.memory_space<hbm>> -> memref<33554432xf32, #tpu.memory_space<hbm>>
    tpu.wait_indirect_dma semaphore(%arg8 : memref<!tpu.dma_semaphore, #tpu.memory_space<semaphore_mem>>) src(%dma_wait3A_973 : memref<16xf32, #tpu.memory_space<vmem>>) dst(%dma_wait3A_975 : memref<33554432xf32, #tpu.memory_space<hbm>>)
    return
  }
}

module attributes {stable_mosaic.version = 14 : i64} {
  func.func @new_body(%arg0: i32, %arg1: memref<33554432xf32, #tpu.memory_space<any>>, %arg2: memref<33554432xf32, #tpu.memory_space<hbm>>, %arg3: memref<33554432xf32, #tpu.memory_space<hbm>>, %arg4: memref<!tpu.dma_semaphore, #tpu.memory_space<semaphore_mem>>) attributes {dimension_semantics = [#tpu.dimension_semantics<parallel>], iteration_bounds = array<i64: 1>, scalar_prefetch = 0 : i64, scratch_operands = 1 : i64, tpu.core_type = #tpu.core_type<tc>, window_params = [{}, {}, {}]} {
    %dma_start3A = arith.constant 0 : i32
    %dma_start3A_0 = tpu.memref_slice %arg2[%dma_start3A] : memref<33554432xf32, #tpu.memory_space<hbm>> -> memref<2097152xf32, #tpu.memory_space<hbm>>
    %dma_start3A_1 = arith.constant 0 : i32
    %dma_start3A_2 = tpu.memref_slice %arg1[%dma_start3A_1] : memref<33554432xf32, #tpu.memory_space<any>> -> memref<2097152xf32, #tpu.memory_space<any>>
    tpu.enqueue_dma source(%dma_start3A_2 : memref<2097152xf32, #tpu.memory_space<any>>) target(%dma_start3A_0 : memref<2097152xf32, #tpu.memory_space<hbm>>) target_semaphore(%arg4 : memref<!tpu.dma_semaphore, #tpu.memory_space<semaphore_mem>>)
    %dma_start3A_3 = arith.constant 2097152 : i32
    %dma_start3A_4 = tpu.memref_slice %arg2[%dma_start3A_3] : memref<33554432xf32, #tpu.memory_space<hbm>> -> memref<2097152xf32, #tpu.memory_space<hbm>>
    %dma_start3A_5 = arith.constant 2097152 : i32
    %dma_start3A_6 = tpu.memref_slice %arg1[%dma_start3A_5] : memref<33554432xf32, #tpu.memory_space<any>> -> memref<2097152xf32, #tpu.memory_space<any>>
    tpu.enqueue_dma source(%dma_start3A_6 : memref<2097152xf32, #tpu.memory_space<any>>) target(%dma_start3A_4 : memref<2097152xf32, #tpu.memory_space<hbm>>) target_semaphore(%arg4 : memref<!tpu.dma_semaphore, #tpu.memory_space<semaphore_mem>>)
    %dma_start3A_7 = arith.constant 4194304 : i32
    %dma_start3A_8 = tpu.memref_slice %arg2[%dma_start3A_7] : memref<33554432xf32, #tpu.memory_space<hbm>> -> memref<2097152xf32, #tpu.memory_space<hbm>>
    %dma_start3A_9 = arith.constant 4194304 : i32
    %dma_start3A_10 = tpu.memref_slice %arg1[%dma_start3A_9] : memref<33554432xf32, #tpu.memory_space<any>> -> memref<2097152xf32, #tpu.memory_space<any>>
    tpu.enqueue_dma source(%dma_start3A_10 : memref<2097152xf32, #tpu.memory_space<any>>) target(%dma_start3A_8 : memref<2097152xf32, #tpu.memory_space<hbm>>) target_semaphore(%arg4 : memref<!tpu.dma_semaphore, #tpu.memory_space<semaphore_mem>>)
    %dma_start3A_11 = arith.constant 6291456 : i32
    %dma_start3A_12 = tpu.memref_slice %arg2[%dma_start3A_11] : memref<33554432xf32, #tpu.memory_space<hbm>> -> memref<2097152xf32, #tpu.memory_space<hbm>>
    %dma_start3A_13 = arith.constant 6291456 : i32
    %dma_start3A_14 = tpu.memref_slice %arg1[%dma_start3A_13] : memref<33554432xf32, #tpu.memory_space<any>> -> memref<2097152xf32, #tpu.memory_space<any>>
    tpu.enqueue_dma source(%dma_start3A_14 : memref<2097152xf32, #tpu.memory_space<any>>) target(%dma_start3A_12 : memref<2097152xf32, #tpu.memory_space<hbm>>) target_semaphore(%arg4 : memref<!tpu.dma_semaphore, #tpu.memory_space<semaphore_mem>>)
    %dma_start3A_15 = arith.constant 8388608 : i32
    %dma_start3A_16 = tpu.memref_slice %arg2[%dma_start3A_15] : memref<33554432xf32, #tpu.memory_space<hbm>> -> memref<2097152xf32, #tpu.memory_space<hbm>>
    %dma_start3A_17 = arith.constant 8388608 : i32
    %dma_start3A_18 = tpu.memref_slice %arg1[%dma_start3A_17] : memref<33554432xf32, #tpu.memory_space<any>> -> memref<2097152xf32, #tpu.memory_space<any>>
    tpu.enqueue_dma source(%dma_start3A_18 : memref<2097152xf32, #tpu.memory_space<any>>) target(%dma_start3A_16 : memref<2097152xf32, #tpu.memory_space<hbm>>) target_semaphore(%arg4 : memref<!tpu.dma_semaphore, #tpu.memory_space<semaphore_mem>>)
    %dma_start3A_19 = arith.constant 10485760 : i32
    %dma_start3A_20 = tpu.memref_slice %arg2[%dma_start3A_19] : memref<33554432xf32, #tpu.memory_space<hbm>> -> memref<2097152xf32, #tpu.memory_space<hbm>>
    %dma_start3A_21 = arith.constant 10485760 : i32
    %dma_start3A_22 = tpu.memref_slice %arg1[%dma_start3A_21] : memref<33554432xf32, #tpu.memory_space<any>> -> memref<2097152xf32, #tpu.memory_space<any>>
    tpu.enqueue_dma source(%dma_start3A_22 : memref<2097152xf32, #tpu.memory_space<any>>) target(%dma_start3A_20 : memref<2097152xf32, #tpu.memory_space<hbm>>) target_semaphore(%arg4 : memref<!tpu.dma_semaphore, #tpu.memory_space<semaphore_mem>>)
    %dma_start3A_23 = arith.constant 12582912 : i32
    %dma_start3A_24 = tpu.memref_slice %arg2[%dma_start3A_23] : memref<33554432xf32, #tpu.memory_space<hbm>> -> memref<2097152xf32, #tpu.memory_space<hbm>>
    %dma_start3A_25 = arith.constant 12582912 : i32
    %dma_start3A_26 = tpu.memref_slice %arg1[%dma_start3A_25] : memref<33554432xf32, #tpu.memory_space<any>> -> memref<2097152xf32, #tpu.memory_space<any>>
    tpu.enqueue_dma source(%dma_start3A_26 : memref<2097152xf32, #tpu.memory_space<any>>) target(%dma_start3A_24 : memref<2097152xf32, #tpu.memory_space<hbm>>) target_semaphore(%arg4 : memref<!tpu.dma_semaphore, #tpu.memory_space<semaphore_mem>>)
    %dma_start3A_27 = arith.constant 14680064 : i32
    %dma_start3A_28 = tpu.memref_slice %arg2[%dma_start3A_27] : memref<33554432xf32, #tpu.memory_space<hbm>> -> memref<2097152xf32, #tpu.memory_space<hbm>>
    %dma_start3A_29 = arith.constant 14680064 : i32
    %dma_start3A_30 = tpu.memref_slice %arg1[%dma_start3A_29] : memref<33554432xf32, #tpu.memory_space<any>> -> memref<2097152xf32, #tpu.memory_space<any>>
    tpu.enqueue_dma source(%dma_start3A_30 : memref<2097152xf32, #tpu.memory_space<any>>) target(%dma_start3A_28 : memref<2097152xf32, #tpu.memory_space<hbm>>) target_semaphore(%arg4 : memref<!tpu.dma_semaphore, #tpu.memory_space<semaphore_mem>>)
    %dma_start3A_31 = arith.constant 16777216 : i32
    %dma_start3A_32 = tpu.memref_slice %arg2[%dma_start3A_31] : memref<33554432xf32, #tpu.memory_space<hbm>> -> memref<2097152xf32, #tpu.memory_space<hbm>>
    %dma_start3A_33 = arith.constant 16777216 : i32
    %dma_start3A_34 = tpu.memref_slice %arg1[%dma_start3A_33] : memref<33554432xf32, #tpu.memory_space<any>> -> memref<2097152xf32, #tpu.memory_space<any>>
    tpu.enqueue_dma source(%dma_start3A_34 : memref<2097152xf32, #tpu.memory_space<any>>) target(%dma_start3A_32 : memref<2097152xf32, #tpu.memory_space<hbm>>) target_semaphore(%arg4 : memref<!tpu.dma_semaphore, #tpu.memory_space<semaphore_mem>>)
    %dma_start3A_35 = arith.constant 18874368 : i32
    %dma_start3A_36 = tpu.memref_slice %arg2[%dma_start3A_35] : memref<33554432xf32, #tpu.memory_space<hbm>> -> memref<2097152xf32, #tpu.memory_space<hbm>>
    %dma_start3A_37 = arith.constant 18874368 : i32
    %dma_start3A_38 = tpu.memref_slice %arg1[%dma_start3A_37] : memref<33554432xf32, #tpu.memory_space<any>> -> memref<2097152xf32, #tpu.memory_space<any>>
    tpu.enqueue_dma source(%dma_start3A_38 : memref<2097152xf32, #tpu.memory_space<any>>) target(%dma_start3A_36 : memref<2097152xf32, #tpu.memory_space<hbm>>) target_semaphore(%arg4 : memref<!tpu.dma_semaphore, #tpu.memory_space<semaphore_mem>>)
    %dma_start3A_39 = arith.constant 20971520 : i32
    %dma_start3A_40 = tpu.memref_slice %arg2[%dma_start3A_39] : memref<33554432xf32, #tpu.memory_space<hbm>> -> memref<2097152xf32, #tpu.memory_space<hbm>>
    %dma_start3A_41 = arith.constant 20971520 : i32
    %dma_start3A_42 = tpu.memref_slice %arg1[%dma_start3A_41] : memref<33554432xf32, #tpu.memory_space<any>> -> memref<2097152xf32, #tpu.memory_space<any>>
    tpu.enqueue_dma source(%dma_start3A_42 : memref<2097152xf32, #tpu.memory_space<any>>) target(%dma_start3A_40 : memref<2097152xf32, #tpu.memory_space<hbm>>) target_semaphore(%arg4 : memref<!tpu.dma_semaphore, #tpu.memory_space<semaphore_mem>>)
    %dma_start3A_43 = arith.constant 23068672 : i32
    %dma_start3A_44 = tpu.memref_slice %arg2[%dma_start3A_43] : memref<33554432xf32, #tpu.memory_space<hbm>> -> memref<2097152xf32, #tpu.memory_space<hbm>>
    %dma_start3A_45 = arith.constant 23068672 : i32
    %dma_start3A_46 = tpu.memref_slice %arg1[%dma_start3A_45] : memref<33554432xf32, #tpu.memory_space<any>> -> memref<2097152xf32, #tpu.memory_space<any>>
    tpu.enqueue_dma source(%dma_start3A_46 : memref<2097152xf32, #tpu.memory_space<any>>) target(%dma_start3A_44 : memref<2097152xf32, #tpu.memory_space<hbm>>) target_semaphore(%arg4 : memref<!tpu.dma_semaphore, #tpu.memory_space<semaphore_mem>>)
    %dma_start3A_47 = arith.constant 25165824 : i32
    %dma_start3A_48 = tpu.memref_slice %arg2[%dma_start3A_47] : memref<33554432xf32, #tpu.memory_space<hbm>> -> memref<2097152xf32, #tpu.memory_space<hbm>>
    %dma_start3A_49 = arith.constant 25165824 : i32
    %dma_start3A_50 = tpu.memref_slice %arg1[%dma_start3A_49] : memref<33554432xf32, #tpu.memory_space<any>> -> memref<2097152xf32, #tpu.memory_space<any>>
    tpu.enqueue_dma source(%dma_start3A_50 : memref<2097152xf32, #tpu.memory_space<any>>) target(%dma_start3A_48 : memref<2097152xf32, #tpu.memory_space<hbm>>) target_semaphore(%arg4 : memref<!tpu.dma_semaphore, #tpu.memory_space<semaphore_mem>>)
    %dma_start3A_51 = arith.constant 27262976 : i32
    %dma_start3A_52 = tpu.memref_slice %arg2[%dma_start3A_51] : memref<33554432xf32, #tpu.memory_space<hbm>> -> memref<2097152xf32, #tpu.memory_space<hbm>>
    %dma_start3A_53 = arith.constant 27262976 : i32
    %dma_start3A_54 = tpu.memref_slice %arg1[%dma_start3A_53] : memref<33554432xf32, #tpu.memory_space<any>> -> memref<2097152xf32, #tpu.memory_space<any>>
    tpu.enqueue_dma source(%dma_start3A_54 : memref<2097152xf32, #tpu.memory_space<any>>) target(%dma_start3A_52 : memref<2097152xf32, #tpu.memory_space<hbm>>) target_semaphore(%arg4 : memref<!tpu.dma_semaphore, #tpu.memory_space<semaphore_mem>>)
    %dma_start3A_55 = arith.constant 29360128 : i32
    %dma_start3A_56 = tpu.memref_slice %arg2[%dma_start3A_55] : memref<33554432xf32, #tpu.memory_space<hbm>> -> memref<2097152xf32, #tpu.memory_space<hbm>>
    %dma_start3A_57 = arith.constant 29360128 : i32
    %dma_start3A_58 = tpu.memref_slice %arg1[%dma_start3A_57] : memref<33554432xf32, #tpu.memory_space<any>> -> memref<2097152xf32, #tpu.memory_space<any>>
    tpu.enqueue_dma source(%dma_start3A_58 : memref<2097152xf32, #tpu.memory_space<any>>) target(%dma_start3A_56 : memref<2097152xf32, #tpu.memory_space<hbm>>) target_semaphore(%arg4 : memref<!tpu.dma_semaphore, #tpu.memory_space<semaphore_mem>>)
    %dma_start3A_59 = arith.constant 31457280 : i32
    %dma_start3A_60 = tpu.memref_slice %arg2[%dma_start3A_59] : memref<33554432xf32, #tpu.memory_space<hbm>> -> memref<2097152xf32, #tpu.memory_space<hbm>>
    %dma_start3A_61 = arith.constant 31457280 : i32
    %dma_start3A_62 = tpu.memref_slice %arg1[%dma_start3A_61] : memref<33554432xf32, #tpu.memory_space<any>> -> memref<2097152xf32, #tpu.memory_space<any>>
    tpu.enqueue_dma source(%dma_start3A_62 : memref<2097152xf32, #tpu.memory_space<any>>) target(%dma_start3A_60 : memref<2097152xf32, #tpu.memory_space<hbm>>) target_semaphore(%arg4 : memref<!tpu.dma_semaphore, #tpu.memory_space<semaphore_mem>>)
    %dma_wait3A = arith.constant 0 : i32
    %dma_wait3A_63 = tpu.memref_slice %arg2[%dma_wait3A] : memref<33554432xf32, #tpu.memory_space<hbm>> -> memref<2097152xf32, #tpu.memory_space<hbm>>
    %dma_wait3A_64 = arith.constant 0 : i32
    %dma_wait3A_65 = tpu.memref_slice %arg1[%dma_wait3A_64] : memref<33554432xf32, #tpu.memory_space<any>> -> memref<2097152xf32, #tpu.memory_space<any>>
    tpu.wait_dma2 semaphore(%arg4 : memref<!tpu.dma_semaphore, #tpu.memory_space<semaphore_mem>>) src(%dma_wait3A_65 : memref<2097152xf32, #tpu.memory_space<any>>) dst(%dma_wait3A_63 : memref<2097152xf32, #tpu.memory_space<hbm>>)
    %dma_wait3A_66 = arith.constant 2097152 : i32
    %dma_wait3A_67 = tpu.memref_slice %arg2[%dma_wait3A_66] : memref<33554432xf32, #tpu.memory_space<hbm>> -> memref<2097152xf32, #tpu.memory_space<hbm>>
    %dma_wait3A_68 = arith.constant 2097152 : i32
    %dma_wait3A_69 = tpu.memref_slice %arg1[%dma_wait3A_68] : memref<33554432xf32, #tpu.memory_space<any>> -> memref<2097152xf32, #tpu.memory_space<any>>
    tpu.wait_dma2 semaphore(%arg4 : memref<!tpu.dma_semaphore, #tpu.memory_space<semaphore_mem>>) src(%dma_wait3A_69 : memref<2097152xf32, #tpu.memory_space<any>>) dst(%dma_wait3A_67 : memref<2097152xf32, #tpu.memory_space<hbm>>)
    %dma_wait3A_70 = arith.constant 4194304 : i32
    %dma_wait3A_71 = tpu.memref_slice %arg2[%dma_wait3A_70] : memref<33554432xf32, #tpu.memory_space<hbm>> -> memref<2097152xf32, #tpu.memory_space<hbm>>
    %dma_wait3A_72 = arith.constant 4194304 : i32
    %dma_wait3A_73 = tpu.memref_slice %arg1[%dma_wait3A_72] : memref<33554432xf32, #tpu.memory_space<any>> -> memref<2097152xf32, #tpu.memory_space<any>>
    tpu.wait_dma2 semaphore(%arg4 : memref<!tpu.dma_semaphore, #tpu.memory_space<semaphore_mem>>) src(%dma_wait3A_73 : memref<2097152xf32, #tpu.memory_space<any>>) dst(%dma_wait3A_71 : memref<2097152xf32, #tpu.memory_space<hbm>>)
    %dma_wait3A_74 = arith.constant 6291456 : i32
    %dma_wait3A_75 = tpu.memref_slice %arg2[%dma_wait3A_74] : memref<33554432xf32, #tpu.memory_space<hbm>> -> memref<2097152xf32, #tpu.memory_space<hbm>>
    %dma_wait3A_76 = arith.constant 6291456 : i32
    %dma_wait3A_77 = tpu.memref_slice %arg1[%dma_wait3A_76] : memref<33554432xf32, #tpu.memory_space<any>> -> memref<2097152xf32, #tpu.memory_space<any>>
    tpu.wait_dma2 semaphore(%arg4 : memref<!tpu.dma_semaphore, #tpu.memory_space<semaphore_mem>>) src(%dma_wait3A_77 : memref<2097152xf32, #tpu.memory_space<any>>) dst(%dma_wait3A_75 : memref<2097152xf32, #tpu.memory_space<hbm>>)
    %dma_wait3A_78 = arith.constant 8388608 : i32
    %dma_wait3A_79 = tpu.memref_slice %arg2[%dma_wait3A_78] : memref<33554432xf32, #tpu.memory_space<hbm>> -> memref<2097152xf32, #tpu.memory_space<hbm>>
    %dma_wait3A_80 = arith.constant 8388608 : i32
    %dma_wait3A_81 = tpu.memref_slice %arg1[%dma_wait3A_80] : memref<33554432xf32, #tpu.memory_space<any>> -> memref<2097152xf32, #tpu.memory_space<any>>
    tpu.wait_dma2 semaphore(%arg4 : memref<!tpu.dma_semaphore, #tpu.memory_space<semaphore_mem>>) src(%dma_wait3A_81 : memref<2097152xf32, #tpu.memory_space<any>>) dst(%dma_wait3A_79 : memref<2097152xf32, #tpu.memory_space<hbm>>)
    %dma_wait3A_82 = arith.constant 10485760 : i32
    %dma_wait3A_83 = tpu.memref_slice %arg2[%dma_wait3A_82] : memref<33554432xf32, #tpu.memory_space<hbm>> -> memref<2097152xf32, #tpu.memory_space<hbm>>
    %dma_wait3A_84 = arith.constant 10485760 : i32
    %dma_wait3A_85 = tpu.memref_slice %arg1[%dma_wait3A_84] : memref<33554432xf32, #tpu.memory_space<any>> -> memref<2097152xf32, #tpu.memory_space<any>>
    tpu.wait_dma2 semaphore(%arg4 : memref<!tpu.dma_semaphore, #tpu.memory_space<semaphore_mem>>) src(%dma_wait3A_85 : memref<2097152xf32, #tpu.memory_space<any>>) dst(%dma_wait3A_83 : memref<2097152xf32, #tpu.memory_space<hbm>>)
    %dma_wait3A_86 = arith.constant 12582912 : i32
    %dma_wait3A_87 = tpu.memref_slice %arg2[%dma_wait3A_86] : memref<33554432xf32, #tpu.memory_space<hbm>> -> memref<2097152xf32, #tpu.memory_space<hbm>>
    %dma_wait3A_88 = arith.constant 12582912 : i32
    %dma_wait3A_89 = tpu.memref_slice %arg1[%dma_wait3A_88] : memref<33554432xf32, #tpu.memory_space<any>> -> memref<2097152xf32, #tpu.memory_space<any>>
    tpu.wait_dma2 semaphore(%arg4 : memref<!tpu.dma_semaphore, #tpu.memory_space<semaphore_mem>>) src(%dma_wait3A_89 : memref<2097152xf32, #tpu.memory_space<any>>) dst(%dma_wait3A_87 : memref<2097152xf32, #tpu.memory_space<hbm>>)
    %dma_wait3A_90 = arith.constant 14680064 : i32
    %dma_wait3A_91 = tpu.memref_slice %arg2[%dma_wait3A_90] : memref<33554432xf32, #tpu.memory_space<hbm>> -> memref<2097152xf32, #tpu.memory_space<hbm>>
    %dma_wait3A_92 = arith.constant 14680064 : i32
    %dma_wait3A_93 = tpu.memref_slice %arg1[%dma_wait3A_92] : memref<33554432xf32, #tpu.memory_space<any>> -> memref<2097152xf32, #tpu.memory_space<any>>
    tpu.wait_dma2 semaphore(%arg4 : memref<!tpu.dma_semaphore, #tpu.memory_space<semaphore_mem>>) src(%dma_wait3A_93 : memref<2097152xf32, #tpu.memory_space<any>>) dst(%dma_wait3A_91 : memref<2097152xf32, #tpu.memory_space<hbm>>)
    %dma_wait3A_94 = arith.constant 16777216 : i32
    %dma_wait3A_95 = tpu.memref_slice %arg2[%dma_wait3A_94] : memref<33554432xf32, #tpu.memory_space<hbm>> -> memref<2097152xf32, #tpu.memory_space<hbm>>
    %dma_wait3A_96 = arith.constant 16777216 : i32
    %dma_wait3A_97 = tpu.memref_slice %arg1[%dma_wait3A_96] : memref<33554432xf32, #tpu.memory_space<any>> -> memref<2097152xf32, #tpu.memory_space<any>>
    tpu.wait_dma2 semaphore(%arg4 : memref<!tpu.dma_semaphore, #tpu.memory_space<semaphore_mem>>) src(%dma_wait3A_97 : memref<2097152xf32, #tpu.memory_space<any>>) dst(%dma_wait3A_95 : memref<2097152xf32, #tpu.memory_space<hbm>>)
    %dma_wait3A_98 = arith.constant 18874368 : i32
    %dma_wait3A_99 = tpu.memref_slice %arg2[%dma_wait3A_98] : memref<33554432xf32, #tpu.memory_space<hbm>> -> memref<2097152xf32, #tpu.memory_space<hbm>>
    %dma_wait3A_100 = arith.constant 18874368 : i32
    %dma_wait3A_101 = tpu.memref_slice %arg1[%dma_wait3A_100] : memref<33554432xf32, #tpu.memory_space<any>> -> memref<2097152xf32, #tpu.memory_space<any>>
    tpu.wait_dma2 semaphore(%arg4 : memref<!tpu.dma_semaphore, #tpu.memory_space<semaphore_mem>>) src(%dma_wait3A_101 : memref<2097152xf32, #tpu.memory_space<any>>) dst(%dma_wait3A_99 : memref<2097152xf32, #tpu.memory_space<hbm>>)
    %dma_wait3A_102 = arith.constant 20971520 : i32
    %dma_wait3A_103 = tpu.memref_slice %arg2[%dma_wait3A_102] : memref<33554432xf32, #tpu.memory_space<hbm>> -> memref<2097152xf32, #tpu.memory_space<hbm>>
    %dma_wait3A_104 = arith.constant 20971520 : i32
    %dma_wait3A_105 = tpu.memref_slice %arg1[%dma_wait3A_104] : memref<33554432xf32, #tpu.memory_space<any>> -> memref<2097152xf32, #tpu.memory_space<any>>
    tpu.wait_dma2 semaphore(%arg4 : memref<!tpu.dma_semaphore, #tpu.memory_space<semaphore_mem>>) src(%dma_wait3A_105 : memref<2097152xf32, #tpu.memory_space<any>>) dst(%dma_wait3A_103 : memref<2097152xf32, #tpu.memory_space<hbm>>)
    %dma_wait3A_106 = arith.constant 23068672 : i32
    %dma_wait3A_107 = tpu.memref_slice %arg2[%dma_wait3A_106] : memref<33554432xf32, #tpu.memory_space<hbm>> -> memref<2097152xf32, #tpu.memory_space<hbm>>
    %dma_wait3A_108 = arith.constant 23068672 : i32
    %dma_wait3A_109 = tpu.memref_slice %arg1[%dma_wait3A_108] : memref<33554432xf32, #tpu.memory_space<any>> -> memref<2097152xf32, #tpu.memory_space<any>>
    tpu.wait_dma2 semaphore(%arg4 : memref<!tpu.dma_semaphore, #tpu.memory_space<semaphore_mem>>) src(%dma_wait3A_109 : memref<2097152xf32, #tpu.memory_space<any>>) dst(%dma_wait3A_107 : memref<2097152xf32, #tpu.memory_space<hbm>>)
    %dma_wait3A_110 = arith.constant 25165824 : i32
    %dma_wait3A_111 = tpu.memref_slice %arg2[%dma_wait3A_110] : memref<33554432xf32, #tpu.memory_space<hbm>> -> memref<2097152xf32, #tpu.memory_space<hbm>>
    %dma_wait3A_112 = arith.constant 25165824 : i32
    %dma_wait3A_113 = tpu.memref_slice %arg1[%dma_wait3A_112] : memref<33554432xf32, #tpu.memory_space<any>> -> memref<2097152xf32, #tpu.memory_space<any>>
    tpu.wait_dma2 semaphore(%arg4 : memref<!tpu.dma_semaphore, #tpu.memory_space<semaphore_mem>>) src(%dma_wait3A_113 : memref<2097152xf32, #tpu.memory_space<any>>) dst(%dma_wait3A_111 : memref<2097152xf32, #tpu.memory_space<hbm>>)
    %dma_wait3A_114 = arith.constant 27262976 : i32
    %dma_wait3A_115 = tpu.memref_slice %arg2[%dma_wait3A_114] : memref<33554432xf32, #tpu.memory_space<hbm>> -> memref<2097152xf32, #tpu.memory_space<hbm>>
    %dma_wait3A_116 = arith.constant 27262976 : i32
    %dma_wait3A_117 = tpu.memref_slice %arg1[%dma_wait3A_116] : memref<33554432xf32, #tpu.memory_space<any>> -> memref<2097152xf32, #tpu.memory_space<any>>
    tpu.wait_dma2 semaphore(%arg4 : memref<!tpu.dma_semaphore, #tpu.memory_space<semaphore_mem>>) src(%dma_wait3A_117 : memref<2097152xf32, #tpu.memory_space<any>>) dst(%dma_wait3A_115 : memref<2097152xf32, #tpu.memory_space<hbm>>)
    %dma_wait3A_118 = arith.constant 29360128 : i32
    %dma_wait3A_119 = tpu.memref_slice %arg2[%dma_wait3A_118] : memref<33554432xf32, #tpu.memory_space<hbm>> -> memref<2097152xf32, #tpu.memory_space<hbm>>
    %dma_wait3A_120 = arith.constant 29360128 : i32
    %dma_wait3A_121 = tpu.memref_slice %arg1[%dma_wait3A_120] : memref<33554432xf32, #tpu.memory_space<any>> -> memref<2097152xf32, #tpu.memory_space<any>>
    tpu.wait_dma2 semaphore(%arg4 : memref<!tpu.dma_semaphore, #tpu.memory_space<semaphore_mem>>) src(%dma_wait3A_121 : memref<2097152xf32, #tpu.memory_space<any>>) dst(%dma_wait3A_119 : memref<2097152xf32, #tpu.memory_space<hbm>>)
    %dma_wait3A_122 = arith.constant 31457280 : i32
    %dma_wait3A_123 = tpu.memref_slice %arg2[%dma_wait3A_122] : memref<33554432xf32, #tpu.memory_space<hbm>> -> memref<2097152xf32, #tpu.memory_space<hbm>>
    %dma_wait3A_124 = arith.constant 31457280 : i32
    %dma_wait3A_125 = tpu.memref_slice %arg1[%dma_wait3A_124] : memref<33554432xf32, #tpu.memory_space<any>> -> memref<2097152xf32, #tpu.memory_space<any>>
    tpu.wait_dma2 semaphore(%arg4 : memref<!tpu.dma_semaphore, #tpu.memory_space<semaphore_mem>>) src(%dma_wait3A_125 : memref<2097152xf32, #tpu.memory_space<any>>) dst(%dma_wait3A_123 : memref<2097152xf32, #tpu.memory_space<hbm>>)
    return
  }
}

</mosaic_0001>

<sc_bundles>
// kernel: kernel.4.cloned.1.call-start
scs
__scs_entry_jumppad:
0x0: {  	(pc) =	sbr.rel $0x88, $3  }
0x1: {  	(tag) =	ssettag $0x0;
	lr =	simm.s32 $0x1  }
0x2: {  	[smem:$0x3F9E] =	sst lr;
	_ =	strace $0xD0000000  }
0x3: {  	_ = 	snop  }
0x4: {  	_ = 	snop  }
0x5: {  	_ = 	snop  }
0x6: {  	_ = 	snop  }
0x7: {  	_ = 	snop  }
__scs_overlays_trampoline_lowered:
0x8: {  	[smem:$0x3FAD] =	sst s0  }
0x9: {  	[smem:$0x3FAE] =	sst s1  }
0xa: {  	[smem:$0x3FAF] =	sst s2  }
0xb: {  	[smem:$0x3FB0] =	sst s3  }
0xc: {  	[smem:$0x3FB1] =	sst s4  }
0xd: {  	[smem:$0x3FB2] =	sst s5  }
0xe: {  	[smem:$0x3FB3] =	sst s6  }
0xf: {  	[smem:$0x3FB4] =	sst s7  }
0x10: {  	[smem:$0x3FB5] =	sst s8  }
0x11: {  	[smem:$0x3FB6] =	sst s9;
	s0 =	simm.s32 @!p0 $0x0  }
0x12: {  	s1 =	sld [smem:$0x3F9C];
	s0 =	simm.s32 @p0 $0x1  }
0x13: {  	[smem:$0x3FB7] =	sst s0;
	s0 =	simm.s32 @!p1 $0x0  }
0x14: {  	s2 =	sld [smem:$0x3F9B];
	s0 =	simm.s32 @p1 $0x1  }
0x15: {  	[smem:$0x3FB8] =	sst s0;
	s0 =	simm.s32 @!p2 $0x0  }
0x16: {  	s3 =	sld [smem:$0x3FDB];
	s0 =	simm.s32 @p2 $0x1  }
0x17: {  	s4 =	simm.s32 $0x1BF5;
	[smem:$0x3FBA] =	sst s0  }
0x18: {  	s0 =	sld [smem:$0x3F9D];
	_ =	swait.ge [sflag:s4], $0x0  }
0x19: {  	s7 =	sld [smem:$0x3F9E]  }
0x1a: {  	s8 =	sadd.s32 $0xFFFFE003, lr  }
0x1b: {  	s9 =	sadd.s32 $0xFFFFFEF7, lr;
	s5 =	simm.s32 $0xFFFFFFFF;
	p2 =	slt.u32 s8, $0xFFFFF086  }
0x1c: {  	p1 =	slt.u32 s9, $0xF7A;
	s5 =	simm.s32 @!p2 $0x0  }
0x1d: {  	s5 =	simm.s32 @p1 $0x1;
	p0 =	seq.s32 s7, s2  }
0x1e: {  	s7 =	smul.u32 @!p0 $0xF7A, s2;
	p2 =	seq.s32 @!p0 s5, $0x0  }
0x1f: {  	s9 =	smul.u32 $0xF7A, s1;
	s8 =	simm.s32 @!p0 $0x1BF5;
	p2 =	por !p2, p0  }
0x20: {  	[sflag:s8] =	ssyncset.s32 @!p0 $0xFFFFF086;
	s6 =	sadd.s32 @!p0 s3, s7;
	s7 =	simm.s32 @!p0 $0x108  }
0x21: {  	s3 =	sadd.s32 s3, s9;
	s6 =	sadd.s32 @!p0 $0x88, s6;
	s7 =	simm.s32 @p2 $0x1082  }
0x22: {  	[simem:s7], [sflag:s8] =	dma.local @!p0 [hbm:s6], $0xF7A  }
0x23: {  	s9 =	sor.u32 $0xD0000000, s2;
	s6 =	simm.s32 $0x108;
	_ =	swait.ge @!p0 [sflag:s8], $0x0  }
0x24: {  	s3 =	sadd.s32 $0x88, s3;
	s6 =	simm.s32 @!p1 $0x1082;
	[sflag:s4] =	ssyncset.s32 $0xFFFFF086  }
0x25: {  	[simem:s6], [sflag:s4] =	dma.local [hbm:s3], $0xF7A  }
0x26: {  	[smem:$0x3F9E] =	sst s1;
	(tag) =	ssettag s2;
	_ =	strace s9  }
0x27: {  	s1 =	sld [smem:$0x3FAE]  }
0x28: {  	s2 =	sld [smem:$0x3FAF]  }
0x29: {  	s4 =	sld [smem:$0x3FB1]  }
0x2a: {  	p0 =	seq.s32 s5, $0x0;
	s5 =	sld [smem:$0x3FB2]  }
0x2b: {  	s6 =	sld [smem:$0x3FB3]  }
0x2c: {  	s7 =	sld [smem:$0x3FB4]  }
0x2d: {  	s3 =	simm.s32 $0x108;
	s8 =	sld [smem:$0x3FB5]  }
0x2e: {  	s3 =	simm.s32 @!p0 $0x1082;
	s9 =	sld [smem:$0x3FB6]  }
0x2f: {  	lr =	sadd.s32 s0, s3;
	s0 =	sld [smem:$0x3FAD]  }
0x30: {  	s3 =	sld [smem:$0x3FB0]  }
0x31: {  	[smem:$0x3FB9] =	sst s10  }
0x32: {  	s10 =	sld [smem:$0x3FB7];
	_ =	sdelay $0x3  }
0x33: {  	p0 =	seq.s32 s10, $0x1;
	s10 =	sld [smem:$0x3FB9];
	_ =	sdelay $0x3  }
0x34: {  	[smem:$0x3FB9] =	sst s10  }
0x35: {  	s10 =	sld [smem:$0x3FB8];
	_ =	sdelay $0x3  }
0x36: {  	p1 =	seq.s32 s10, $0x1;
	s10 =	sld [smem:$0x3FB9];
	_ =	sdelay $0x3  }
0x37: {  	[smem:$0x3FB9] =	sst s10  }
0x38: {  	s10 =	sld [smem:$0x3FBA]  }
0x39: {  	_ = 	snop;
	(pc) =	sbr.ind lr, $3  }
0x3a: {  	_ = 	snop  }
0x3b: {  	_ = 	snop  }
0x3c: {  	p2 =	seq.s32 s10, $0x1;
	s10 =	sld [smem:$0x3FB9]  }
0x3d: {  	_ =	shalt  }
0x3e: {  	_ =	shalt  }
0x3f: {  	_ =	shalt  }
0x40: {  	_ =	shalt  }
0x41: {  	_ =	shalt  }
0x42: {  	_ =	shalt  }
0x43: {  	_ =	shalt  }
0x44: {  	_ =	shalt  }
0x45: {  	_ =	shalt  }
0x46: {  	_ =	shalt  }
0x47: {  	_ =	shalt  }
0x48: {  	_ =	shalt  }
0x49: {  	_ =	shalt  }
0x4a: {  	_ =	shalt  }
0x4b: {  	_ =	shalt  }
0x4c: {  	_ =	shalt  }
0x4d: {  	_ =	shalt  }
0x4e: {  	_ =	shalt  }
0x4f: {  	_ =	shalt  }
0x50: {  	_ =	shalt  }
0x51: {  	_ =	shalt  }
0x52: {  	_ =	shalt  }
0x53: {  	_ =	shalt  }
0x54: {  	_ =	shalt  }
0x55: {  	_ =	shalt  }
0x56: {  	_ =	shalt  }
0x57: {  	_ =	shalt  }
0x58: {  	_ =	shalt  }
0x59: {  	_ =	shalt  }
0x5a: {  	_ =	shalt  }
0x5b: {  	_ =	shalt  }
0x5c: {  	_ =	shalt  }
0x5d: {  	_ =	shalt  }
0x5e: {  	_ =	shalt  }
0x5f: {  	_ =	shalt  }
0x60: {  	_ =	shalt  }
0x61: {  	_ =	shalt  }
0x62: {  	_ =	shalt  }
0x63: {  	_ =	shalt  }
0x64: {  	_ =	shalt  }
0x65: {  	_ =	shalt  }
0x66: {  	_ =	shalt  }
0x67: {  	_ =	shalt  }
0x68: {  	_ =	shalt  }
0x69: {  	_ =	shalt  }
0x6a: {  	_ =	shalt  }
0x6b: {  	_ =	shalt  }
0x6c: {  	_ =	shalt  }
0x6d: {  	_ =	shalt  }
0x6e: {  	_ =	shalt  }
0x6f: {  	_ =	shalt  }
0x70: {  	_ =	shalt  }
0x71: {  	_ =	shalt  }
0x72: {  	_ =	shalt  }
0x73: {  	_ =	shalt  }
0x74: {  	_ =	shalt  }
0x75: {  	_ =	shalt  }
0x76: {  	_ =	shalt  }
0x77: {  	_ =	shalt  }
0x78: {  	_ =	shalt  }
0x79: {  	_ =	shalt  }
0x7a: {  	_ =	shalt  }
0x7b: {  	_ =	shalt  }
0x7c: {  	_ =	shalt  }
0x7d: {  	_ =	shalt  }
0x7e: {  	_ =	shalt  }
0x7f: {  	_ =	shalt  }
0x80: {  	_ =	shalt  }
0x81: {  	_ =	shalt  }
0x82: {  	_ =	shalt  }
0x83: {  	_ =	shalt  }
0x84: {  	_ =	shalt  }
0x85: {  	_ =	shalt  }
0x86: {  	_ =	shalt  }
0x87: {  	_ =	shalt  }
.Lfunc_end0:
.L_simem_size_0:
called_computation.1_lowered:
.L_overlay_start_0:
0x88: {  	s2 =	sld [smem:$0x3FD9]  }
0x89: {  	s3 =	sld [smem:$0x3FFE];
	_ =	sdelay $0x1  }
0x8a: {  	s1 =	srdreg.scid  }
0x8b: {  	s0 =	sand.u32 $0x1, s1  }
0x8c: {  	s17 =	sshll.u32 s0, $0xA;
	s2 =	sadd.s32 s3, s2  }
0x8d: {  	s2 =	sadd.s32 s2, s17  }
0x8e: {  	[smem:$0x3FC5] =	sst s2  }
0x8f: {  	_ = 	snop  }
0x90: {  	s2 =	sld [smem:$0x3FC8]  }
0x91: {  	s18 =	sld [smem:$0x3FC7];
	(tm) =	ssettm $0x1  }
0x92: {  	s4 =	sld [smem:$0x3FFB];
	_ =	sdelay $0x3  }
0x93: {  	_ =	strace s4  }
0x94: {  	s4 =	sld [smem:$0x3FFC];
	_ =	sdelay $0x3  }
0x95: {  	_ =	strace s4  }
0x96: {  	s4 =	sld [smem:$0x3FFD];
	_ =	sdelay $0x3  }
0x97: {  	_ =	strace s4  }
0x98: {  	_ =	strace $0x8FFFFFFF  }
0x99: {  	s19 =	sld [smem:$0x3FDB];
	_ =	sdelay $0x1  }
0x9a: {  	s5 =	simm.s32 $_scs_section_size  }
0x9b: {  	s6 =	simm.s32 $_size__tile_overlayer_lowered;
	s7 =	simm.s32 $_tile_overlayer_lowered  }
0x9c: {  	s22 =	simm.s32 $0x1BFF;
	s21 =	sshll.u32 s7, $0x1;
	s4 =	sadd.s32 s5, s19  }
0x9d: {  	s8 =	simm.s32 $0x0;
	s20 =	sshll.u32 s6, $0x1;
	s6 =	sadd.s32 s21, s4  }
0x9e: {  	[timem:s8], [sflag:s22] =	dma.local [hbm:s6], s20  }
0x9f: {  	_ =	swait.ge [sflag:s22], s20  }
0xa0: {  	s5 =	ssub.s32 $0x0, s20;
	[sflag:s22] =	ssyncset.done $0x0  }
0xa1: {  	[sflag:s22] =	ssyncadd.s32 s5;
	_ =	sdelay $0x1  }
0xa2: {  	s23 =	simm.s32 $0x1B8B  }
0xa3: {  	_ =	swait.ge [sflag:s23], $0x1  }
0xa4: {  	[sflag:s23] =	ssyncset.done $0x0  }
0xa5: {  	s25 =	simm.s32 $0x1B8E;
	s24 =	sld [smem:$0x3FFE];
	[sflag:s23] =	ssyncadd.s32 $0xFFFFFFFF  }
0xa6: {  	s26 =	simm.s32 $execute0_lowered;
	[smem:$0x3FD2] =	sst s25  }
0xa7: {  	s6 =	sshll.u32 s26, $0x1;
	_ =	strace $0x80000049;
	[dreg:$0x1] =	wrdreg $0xFFFFFFFF  }
0xa8: {  	s28 =	simm.s32 $_size_execute0_lowered;
	s4 =	sadd.s32 s4, s6;
	[dreg:$0x0] =	wrdreg $0x0  }
0xa9: {  	s6 =	sshll.u32 s28, $0x1;
	[dreg:$0x2] =	wrdreg s4  }
0xaa: {  	[dreg:$0x3] =	wrdreg s6  }
0xab: {  	[dreg:$0x4] =	wrdreg $0xC0  }
0xac: {  	_ =	task [dreg:s8], $0x5FFFF  }
0xad: {  	[dreg:$0x1] =	wrdreg $0xFFFFFFFF  }
0xae: {  	[dreg:$0x0] =	wrdreg $0x60  }
0xaf: {  	[dreg:$0x2] =	wrdreg s24  }
0xb0: {  	[dreg:$0x3] =	wrdreg s2  }
0xb1: {  	[dreg:$0x4] =	wrdreg s18  }
0xb2: {  	[dreg:$0x5] =	wrdreg $0x9  }
0xb3: {  	_ =	task.clear_ibuf [dreg:s8], $0x6FFFF;
	_ =	strace $0x90000049  }
0xb4: {  	s29 =	simm.s32 $0x9;
	_ =	strace $0x8000004B  }
0xb5: {  	_ =	swait.ge [sflag:s29], $0x1  }
0xb6: {  	[sflag:s29] =	ssyncadd.s32 $0xFFFFFFFF  }
0xb7: {  	_ =	strace $0x9000004B  }
0xb8: {  	_ =	sfence  }
0xb9: {  	s30 =	sld [smem:$0x0];
	_ =	sdelay $0x2  }
0xba: {  	s31 =	sshll.u32 s1, $0xD;
	s1 =	sshrl.u32 s1, $0x2  }
0xbb: {  	s3 =	sand.u32 $0x4000, s31;
	s1 =	sadd.s32 s1, s30  }
0xbc: {  	s0 =	sor.u32 s3, s0;
	s1 =	sshll.u32 s1, $0x11  }
0xbd: {  	s0 =	sor.u32 s1, s0  }
0xbe: {  	s0 =	sadd.s32 $0x8F2B, s0  }
0xbf: {  	[sflag:s0] =	ssyncadd.remote.s32 $0x1  }
0xc0: {  	_ =	sfence.sel $0xFFFF  }
0xc1: {  	[dreg:$0x0] =	wrdreg $0xFFFFFFFF;
	(pc) =	sbr.abs _section_cstart, $3  }
0xc2: {  	[dreg:$0x1] =	wrdreg $0xFFFFFFFF  }
0xc3: {  	_ =	task.clear_ibuf [dreg:s8], $0x2FFFF;
	_ =	strace $0x9FFFFFFF  }
0xc4: {  	(tm) =	ssettm $0x7FFFFFFF  }
0xc5: {  	_ =	shalt  }
tec
execute0_lowered:
.L_overlay_start_1:
0x0: {  	(tag) =	ssettag $0x1  }
0x1: {  	s1 =	srdreg.scid;
	s3 =	rddreg [dreg:$0x1]  }
0x2: {  	s0 =	stileid.u32;
	s15 =	rddreg [dreg:$0x2];
	s1 =	sand.u32 $0x1, s1  }
0x3: {  	s0 =	sshll.u32 s0, $0x6;
	[smem:$0x7FB] =	sst s1;
	s1 =	sshll.u32 s1, $0x5  }
0x4: {  	[dreg:$0x4] =	wrdreg s3;
	s1 =	sor.u32 s1, s0  }
0x5: {  	[dreg:$0x5] =	wrdreg s15;
	s6 =	sshll.u32 s1, $0x3;
	s12 =	sand.u32 $0x60, s1  }
0x6: {  	[smem:$0x7F0] =	sst s0;
	s9 =	sor.u32 s12, s6  }
0x7: {  	_ =	strace $0x8000004A;
	s13 =	sand.u32 $0x1C00, s6;
	s10 =	sor.u32 $0x300, s9  }
0x8: {  	s4 =	sadd.s32 $0x400, s13;
	s9 =	sor.u32 $0x380, s9;
	s20 =	sadd.s32 $0x400, s10  }
0x9: {  	s5 =	sadd.s32 $0x2400, s13;
	s9 =	sadd.s32 $0x400, s9;
	[dreg:$0xb] =	wrdreg s20  }
0xa: {  	s2 =	sadd.s32 $0x2500, s13;
	s21 =	sor.u32 s12, s5;
	[dreg:$0xc] =	wrdreg s9  }
0xb: {  	s3 =	sor.u32 s12, s4;
	s14 =	sor.u32 s12, s2;
	[dreg:$0xd] =	wrdreg s21  }
0xc: {  	s8 =	sor.u32 $0x80, s3;
	[dreg:$0xf] =	wrdreg s14  }
0xd: {  	s16 =	sor.u32 $0x100, s3;
	[dreg:$0x6] =	wrdreg s8  }
0xe: {  	s17 =	sor.u32 $0x180, s3;
	[dreg:$0x7] =	wrdreg s16  }
0xf: {  	s18 =	sor.u32 $0x200, s3;
	[dreg:$0x8] =	wrdreg s17  }
0x10: {  	s10 =	sadd.s32 $0x2580, s13;
	s19 =	sor.u32 $0x280, s3;
	[dreg:$0x9] =	wrdreg s18  }
0x11: {  	s9 =	sadd.s32 $0x2480, s13;
	s15 =	sor.u32 s12, s10;
	[dreg:$0xa] =	wrdreg s19  }
0x12: {  	s7 =	sadd.s32 $0x2680, s13;
	s22 =	sor.u32 s12, s9;
	[dreg:$0x10] =	wrdreg s15  }
0x13: {  	s11 =	sadd.s32 $0x2700, s13;
	s17 =	sor.u32 s12, s7;
	[dreg:$0xe] =	wrdreg s22  }
0x14: {  	s14 =	sadd.s32 $0x4600, s13;
	s18 =	sor.u32 s12, s11;
	[dreg:$0x12] =	wrdreg s17  }
0x15: {  	s8 =	sadd.s32 $0x2600, s13;
	s24 =	sor.u32 s12, s14;
	[dreg:$0x13] =	wrdreg s18  }
0x16: {  	s15 =	sadd.s32 $0x4680, s13;
	s16 =	sor.u32 s12, s8;
	[dreg:$0x19] =	wrdreg s24  }
0x17: {  	s17 =	sadd.s32 $0x2780, s13;
	s25 =	sor.u32 s12, s15;
	[dreg:$0x11] =	wrdreg s16  }
0x18: {  	s18 =	sadd.s32 $0x4400, s13;
	s19 =	sor.u32 s12, s17;
	[dreg:$0x1a] =	wrdreg s25  }
0x19: {  	s20 =	sor.u32 s12, s18;
	s16 =	sadd.s32 $0x4700, s13;
	[dreg:$0x14] =	wrdreg s19  }
0x1a: {  	s25 =	sadd.s32 $0x4780, s13;
	[dreg:$0x15] =	wrdreg s20;
	s26 =	sor.u32 s12, s16  }
0x1b: {  	s19 =	sadd.s32 $0x4480, s13;
	s28 =	sor.u32 s12, s25;
	[dreg:$0x1b] =	wrdreg s26  }
0x1c: {  	s20 =	sadd.s32 $0x4500, s13;
	s21 =	sor.u32 s12, s19;
	[dreg:$0x1c] =	wrdreg s28  }
0x1d: {  	s22 =	sor.u32 s12, s20;
	s26 =	sadd.s32 $0x6400, s13;
	[dreg:$0x16] =	wrdreg s21  }
0x1e: {  	s28 =	sadd.s32 $0x6480, s13;
	[dreg:$0x17] =	wrdreg s22;
	s29 =	sor.u32 s12, s26  }
0x1f: {  	s21 =	sadd.s32 $0x4580, s13;
	s30 =	sor.u32 s12, s28;
	[dreg:$0x1d] =	wrdreg s29  }
0x20: {  	s22 =	sadd.s32 $0x6600, s13;
	s23 =	sor.u32 s12, s21;
	[dreg:$0x1e] =	wrdreg s30  }
0x21: {  	s30 =	sadd.s32 $0x6580, s13;
	s24 =	sor.u32 s12, s22;
	[dreg:$0x18] =	wrdreg s23  }
0x22: {  	s29 =	sadd.s32 $0x6500, s13;
	s23 =	sor.u32 s12, s30;
	[smem:$0x7ED] =	sst s24  }
0x23: {  	s31 =	sor.u32 s12, s29;
	[smem:$0x7EC] =	sst s23;
	s23 =	sadd.s32 $0x6680, s13  }
0x24: {  	[dreg:$0x1f] =	wrdreg s31;
	s31 =	sadd.s32 $0x6780, s13;
	s0 =	sor.u32 s12, s23  }
0x25: {  	s24 =	sadd.s32 $0x6700, s13;
	s13 =	sor.u32 s12, s31;
	[smem:$0x7EE] =	sst s0  }
0x26: {  	s0 =	sor.u32 s12, s24;
	[smem:$0x7F1] =	sst s13  }
0x27: {  	[smem:$0x7EF] =	sst s0;
	s0 =	sor.u32 $0x10, s12  }
0x28: {  	s12 =	sld [smem:$0x7F0];
	s4 =	sor.u32 s0, s4  }
0x29: {  	s6 =	sor.u32 s6, s0;
	s5 =	sor.u32 s0, s5;
	s9 =	sor.u32 s0, s9  }
0x2a: {  	s7 =	sor.u32 s0, s7;
	s14 =	sor.u32 s0, s14;
	[smem:$0x7FA] =	sst s5  }
0x2b: {  	s13 =	sor.u32 $0x80, s4;
	[smem:$0x7FC] =	sst s9;
	s9 =	sor.u32 s0, s17  }
0x2c: {  	s17 =	sor.u32 s0, s25;
	s25 =	sor.u32 s0, s31;
	s31 =	rddreg [dreg:$0x0]  }
0x2d: {  	s15 =	sor.u32 s0, s15;
	[smem:$0x7F3] =	sst s13;
	s13 =	sor.u32 $0x100, s4  }
0x2e: {  	s12 =	sand.u32 $0x380, s12;
	[smem:$0x7F4] =	sst s13;
	s13 =	sor.u32 $0x180, s4  }
0x2f: {  	s12 =	sor.u32 s0, s12;
	[smem:$0x7F5] =	sst s13;
	s13 =	sor.u32 $0x200, s4  }
0x30: {  	[smem:$0x7F6] =	sst s13;
	s13 =	sor.u32 $0x300, s6;
	s6 =	sor.u32 $0x380, s6  }
0x31: {  	s16 =	sor.u32 s0, s16;
	[smem:$0x7F2] =	sst s12;
	s6 =	sadd.s32 $0x400, s6  }
0x32: {  	s22 =	sor.u32 s0, s22;
	s23 =	sor.u32 s0, s23;
	[smem:$0x7F9] =	sst s6  }
0x33: {  	s24 =	sor.u32 s0, s24;
	s12 =	sor.u32 $0x280, s4;
	s6 =	sld [smem:$0x7FB]  }
0x34: {  	[smem:$0x7F7] =	sst s12;
	s12 =	sor.u32 s0, s2;
	s13 =	sadd.s32 $0x400, s13  }
0x35: {  	[smem:$0x7FD] =	sst s12;
	s12 =	sor.u32 s0, s20;
	s20 =	sor.u32 s0, s29  }
0x36: {  	s29 =	simm.s32 $0x0;
	[smem:$0x7F8] =	sst s13;
	s5 =	ssub.s32 $0x2, s6  }
0x37: {  	s6 =	sor.u32 s0, s8;
	s8 =	sor.u32 s0, s11;
	s13 =	sshrl.u32 s5, $0x1  }
0x38: {  	s11 =	sor.u32 s0, s19;
	s19 =	sor.u32 s0, s28;
	s2 =	ssub.s32 s5, s13  }
0x39: {  	s5 =	sor.u32 s0, s10;
	s10 =	sor.u32 s0, s18;
	s13 =	sor.u32 s0, s21  }
0x3a: {  	s18 =	sor.u32 s0, s26;
	s21 =	sor.u32 s0, s30;
	s26 =	sadd.s32 $0x800, s31  }
0x3b: {  	vm0 =	vmmov $0xffff;
	s30 =	simm.s32 $0x2;
	s28 =	smax.u32 s2, $0x1;
	s2 =	simm.s32 $0x1  }
.LBB2_1:
0x3c: {  	s0 =	rddreg [dreg:$0x4]  }
0x3d: {  	[tilespmem:s29], [sflag:$0x2] =	stream.linear.gather [hbm4b:s0+s29], $0x400, $0x38;
	[tilespmem:$0x8400] =	vst v63  }
0x3e: {  	_ =	swait.ge [sflag:s30], $0x400  }
0x3f: {  	[sflag:s30] =	ssyncset.done $0x0  }
0x40: {  	s31 =	simm.s32 $0x400;
	s0 =	rddreg [dreg:$0x5];
	[sflag:s30] =	ssyncadd.s32 $0xFFFFFC00  }
0x41: {  	[tilespmem:s31], [sflag:$0x2] =	stream.linear.gather [hbm4b:s0+s29], $0x8000, $0x38;
	[tilespmem:$0x8400] =	vst v63  }
0x42: {  	_ =	swait.ge [sflag:s30], $0x8000  }
0x43: {  	[sflag:s30] =	ssyncset.done $0x0  }
0x44: {  	[sflag:s30] =	ssyncadd.s32 $0xFFFF8000  }
0x45: {  	v0 =	vld [tilespmem:s1+$0x0];
	_ =	sdelay $0x4  }
0x46: {  	v0 =	vmul.u32 $0x4001, v0;
	_ =	sdelay $0x2  }
0x47: {  	v1 =	vadd.s32 $0x400, v0;
	_ =	sdelay $0x1  }
0x48: {  	s0 =	rddreg [dreg:$0x6];
	v2 =	vadd.s32 $0x800, v0  }
0x49: {  	[hbm4b:s26+s29] =	stream.indirect_vreg.scatter [tilespmem:s3], [sflag:$0x1], $0x1, v0, vm0, $0xb8;
	[tilespmem:$0x8400] =	vst v63  }
0x4a: {  	s31 =	rddreg [dreg:$0x7];
	v3 =	vadd.s32 $0xC00, v0  }
0x4b: {  	[hbm4b:s26+s29] =	stream.indirect_vreg.scatter [tilespmem:s0], [sflag:$0x1], $0x1, v1, vm0, $0xb8;
	[tilespmem:$0x8400] =	vst v63  }
0x4c: {  	v7 =	vadd.s32 $0x1000, v0;
	s0 =	rddreg [dreg:$0x8]  }
0x4d: {  	[hbm4b:s26+s29] =	stream.indirect_vreg.scatter [tilespmem:s31], [sflag:$0x1], $0x1, v2, vm0, $0xb8;
	[tilespmem:$0x8400] =	vst v63  }
0x4e: {  	v8 =	vadd.s32 $0x1400, v0;
	s31 =	rddreg [dreg:$0x9]  }
0x4f: {  	[hbm4b:s26+s29] =	stream.indirect_vreg.scatter [tilespmem:s0], [sflag:$0x1], $0x1, v3, vm0, $0xb8;
	[tilespmem:$0x8400] =	vst v63  }
0x50: {  	v9 =	vadd.s32 $0x1800, v0;
	s0 =	rddreg [dreg:$0xa]  }
0x51: {  	[hbm4b:s26+s29] =	stream.indirect_vreg.scatter [tilespmem:s31], [sflag:$0x1], $0x1, v7, vm0, $0xb8;
	[tilespmem:$0x8400] =	vst v63  }
0x52: {  	v10 =	vadd.s32 $0x1C00, v0;
	s31 =	rddreg [dreg:$0xb]  }
0x53: {  	[hbm4b:s26+s29] =	stream.indirect_vreg.scatter [tilespmem:s0], [sflag:$0x1], $0x1, v8, vm0, $0xb8;
	[tilespmem:$0x8400] =	vst v63  }
0x54: {  	v11 =	vadd.s32 $0x2000, v0;
	s0 =	rddreg [dreg:$0xc]  }
0x55: {  	[hbm4b:s26+s29] =	stream.indirect_vreg.scatter [tilespmem:s31], [sflag:$0x1], $0x1, v9, vm0, $0xb8;
	[tilespmem:$0x8400] =	vst v63  }
0x56: {  	v12 =	vadd.s32 $0x2400, v0;
	s31 =	rddreg [dreg:$0xd]  }
0x57: {  	[hbm4b:s26+s29] =	stream.indirect_vreg.scatter [tilespmem:s0], [sflag:$0x1], $0x1, v10, vm0, $0xb8;
	[tilespmem:$0x8400] =	vst v63  }
0x58: {  	v13 =	vadd.s32 $0x2800, v0;
	s0 =	rddreg [dreg:$0xe]  }
0x59: {  	[hbm4b:s26+s29] =	stream.indirect_vreg.scatter [tilespmem:s31], [sflag:$0x1], $0x1, v11, vm0, $0xb8;
	[tilespmem:$0x8400] =	vst v63  }
0x5a: {  	v14 =	vadd.s32 $0x2C00, v0;
	s31 =	rddreg [dreg:$0xf]  }
0x5b: {  	[hbm4b:s26+s29] =	stream.indirect_vreg.scatter [tilespmem:s0], [sflag:$0x1], $0x1, v12, vm0, $0xb8;
	[tilespmem:$0x8400] =	vst v63  }
0x5c: {  	v15 =	vadd.s32 $0x3000, v0;
	s0 =	rddreg [dreg:$0x10]  }
0x5d: {  	[hbm4b:s26+s29] =	stream.indirect_vreg.scatter [tilespmem:s31], [sflag:$0x1], $0x1, v13, vm0, $0xb8;
	[tilespmem:$0x8400] =	vst v63  }
0x5e: {  	v16 =	vadd.s32 $0x3400, v0;
	s31 =	rddreg [dreg:$0x11]  }
0x5f: {  	[hbm4b:s26+s29] =	stream.indirect_vreg.scatter [tilespmem:s0], [sflag:$0x1], $0x1, v14, vm0, $0xb8;
	[tilespmem:$0x8400] =	vst v63  }
0x60: {  	v17 =	vadd.s32 $0x3800, v0;
	s0 =	rddreg [dreg:$0x12]  }
0x61: {  	[hbm4b:s26+s29] =	stream.indirect_vreg.scatter [tilespmem:s31], [sflag:$0x1], $0x1, v15, vm0, $0xb8;
	[tilespmem:$0x8400] =	vst v63  }
0x62: {  	v18 =	vadd.s32 $0x3C00, v0;
	s31 =	rddreg [dreg:$0x13]  }
0x63: {  	[hbm4b:s26+s29] =	stream.indirect_vreg.scatter [tilespmem:s0], [sflag:$0x1], $0x1, v16, vm0, $0xb8;
	[tilespmem:$0x8400] =	vst v63  }
0x64: {  	v19 =	vadd.s32 $0x1000000, v0;
	s0 =	rddreg [dreg:$0x14]  }
0x65: {  	[hbm4b:s26+s29] =	stream.indirect_vreg.scatter [tilespmem:s31], [sflag:$0x1], $0x1, v17, vm0, $0xb8;
	[tilespmem:$0x8400] =	vst v63  }
0x66: {  	v20 =	vadd.s32 $0x1000400, v0;
	s31 =	rddreg [dreg:$0x15]  }
0x67: {  	[hbm4b:s26+s29] =	stream.indirect_vreg.scatter [tilespmem:s0], [sflag:$0x1], $0x1, v18, vm0, $0xb8;
	[tilespmem:$0x8400] =	vst v63  }
0x68: {  	v21 =	vadd.s32 $0x1000800, v0;
	s0 =	rddreg [dreg:$0x16]  }
0x69: {  	[hbm4b:s26+s29] =	stream.indirect_vreg.scatter [tilespmem:s31], [sflag:$0x1], $0x1, v19, vm0, $0xb8;
	[tilespmem:$0x8400] =	vst v63  }
0x6a: {  	v22 =	vadd.s32 $0x1000C00, v0;
	s31 =	rddreg [dreg:$0x17]  }
0x6b: {  	[hbm4b:s26+s29] =	stream.indirect_vreg.scatter [tilespmem:s0], [sflag:$0x1], $0x1, v20, vm0, $0xb8;
	[tilespmem:$0x8400] =	vst v63  }
0x6c: {  	v23 =	vadd.s32 $0x1001000, v0;
	s0 =	rddreg [dreg:$0x18]  }
0x6d: {  	[hbm4b:s26+s29] =	stream.indirect_vreg.scatter [tilespmem:s31], [sflag:$0x1], $0x1, v21, vm0, $0xb8;
	[tilespmem:$0x8400] =	vst v63  }
0x6e: {  	v24 =	vadd.s32 $0x1001400, v0;
	s31 =	rddreg [dreg:$0x19]  }
0x6f: {  	[hbm4b:s26+s29] =	stream.indirect_vreg.scatter [tilespmem:s0], [sflag:$0x1], $0x1, v22, vm0, $0xb8;
	[tilespmem:$0x8400] =	vst v63  }
0x70: {  	v25 =	vadd.s32 $0x1001800, v0;
	s0 =	rddreg [dreg:$0x1a]  }
0x71: {  	[hbm4b:s26+s29] =	stream.indirect_vreg.scatter [tilespmem:s31], [sflag:$0x1], $0x1, v23, vm0, $0xb8;
	[tilespmem:$0x8400] =	vst v63  }
0x72: {  	v26 =	vadd.s32 $0x1001C00, v0;
	s31 =	rddreg [dreg:$0x1b]  }
0x73: {  	[hbm4b:s26+s29] =	stream.indirect_vreg.scatter [tilespmem:s0], [sflag:$0x1], $0x1, v24, vm0, $0xb8;
	[tilespmem:$0x8400] =	vst v63  }
0x74: {  	v27 =	vadd.s32 $0x1002000, v0;
	s0 =	rddreg [dreg:$0x1c]  }
0x75: {  	[hbm4b:s26+s29] =	stream.indirect_vreg.scatter [tilespmem:s31], [sflag:$0x1], $0x1, v25, vm0, $0xb8;
	[tilespmem:$0x8400] =	vst v63  }
0x76: {  	v28 =	vadd.s32 $0x1002400, v0;
	s31 =	rddreg [dreg:$0x1d]  }
0x77: {  	[hbm4b:s26+s29] =	stream.indirect_vreg.scatter [tilespmem:s0], [sflag:$0x1], $0x1, v26, vm0, $0xb8;
	[tilespmem:$0x8400] =	vst v63  }
0x78: {  	v29 =	vadd.s32 $0x1002800, v0;
	s0 =	rddreg [dreg:$0x1e]  }
0x79: {  	[hbm4b:s26+s29] =	stream.indirect_vreg.scatter [tilespmem:s31], [sflag:$0x1], $0x1, v27, vm0, $0xb8;
	[tilespmem:$0x8400] =	vst v63  }
0x7a: {  	v30 =	vadd.s32 $0x1002C00, v0;
	s31 =	rddreg [dreg:$0x1f]  }
0x7b: {  	[hbm4b:s26+s29] =	stream.indirect_vreg.scatter [tilespmem:s0], [sflag:$0x1], $0x1, v28, vm0, $0xb8;
	[tilespmem:$0x8400] =	vst v63  }
0x7c: {  	v31 =	vadd.s32 $0x1003000, v0;
	s0 =	sld [smem:$0x7EC]  }
0x7d: {  	[hbm4b:s26+s29] =	stream.indirect_vreg.scatter [tilespmem:s31], [sflag:$0x1], $0x1, v29, vm0, $0xb8;
	[tilespmem:$0x8400] =	vst v63  }
0x7e: {  	v32 =	vadd.s32 $0x1003400, v0;
	s31 =	sld [smem:$0x7ED]  }
0x7f: {  	[hbm4b:s26+s29] =	stream.indirect_vreg.scatter [tilespmem:s0], [sflag:$0x1], $0x1, v30, vm0, $0xb8;
	[tilespmem:$0x8400] =	vst v63  }
0x80: {  	v33 =	vadd.s32 $0x1003800, v0;
	s0 =	sld [smem:$0x7EE]  }
0x81: {  	[hbm4b:s26+s29] =	stream.indirect_vreg.scatter [tilespmem:s31], [sflag:$0x1], $0x1, v31, vm0, $0xb8;
	[tilespmem:$0x8400] =	vst v63  }
0x82: {  	s31 =	sld [smem:$0x7EF]  }
0x83: {  	v0 =	vadd.s32 $0x1003C00, v0;
	[hbm4b:s26+s29] =	stream.indirect_vreg.scatter [tilespmem:s0], [sflag:$0x1], $0x1, v32, vm0, $0xb8;
	[tilespmem:$0x8400] =	vst v63  }
0x84: {  	s0 =	sld [smem:$0x7F1]  }
0x85: {  	[hbm4b:s26+s29] =	stream.indirect_vreg.scatter [tilespmem:s31], [sflag:$0x1], $0x1, v33, vm0, $0xb8;
	[tilespmem:$0x8400] =	vst v63  }
0x86: {  	s31 =	sld [smem:$0x7F2];
	_ =	sdelay $0x1  }
0x87: {  	[hbm4b:s26+s29] =	stream.indirect_vreg.scatter [tilespmem:s0], [sflag:$0x1], $0x1, v0, vm0, $0xb8;
	[tilespmem:$0x8400] =	vst v63  }
0x88: {  	v0 =	vld [tilespmem:s31+$0x0];
	_ =	sdelay $0x4  }
0x89: {  	v0 =	vmul.u32 $0x4001, v0;
	_ =	sdelay $0x2  }
0x8a: {  	v34 =	vadd.s32 $0x400, v0;
	_ =	sdelay $0x1  }
0x8b: {  	s0 =	sld [smem:$0x7F3];
	v35 =	vadd.s32 $0x800, v0  }
0x8c: {  	[hbm4b:s26+s29] =	stream.indirect_vreg.scatter [tilespmem:s4], [sflag:$0x1], $0x1, v0, vm0, $0xb8;
	[tilespmem:$0x8400] =	vst v63  }
0x8d: {  	s31 =	sld [smem:$0x7F4];
	v36 =	vadd.s32 $0xC00, v0  }
0x8e: {  	[hbm4b:s26+s29] =	stream.indirect_vreg.scatter [tilespmem:s0], [sflag:$0x1], $0x1, v34, vm0, $0xb8;
	[tilespmem:$0x8400] =	vst v63  }
0x8f: {  	v37 =	vadd.s32 $0x1000, v0;
	s0 =	sld [smem:$0x7F5]  }
0x90: {  	[hbm4b:s26+s29] =	stream.indirect_vreg.scatter [tilespmem:s31], [sflag:$0x1], $0x1, v35, vm0, $0xb8;
	[tilespmem:$0x8400] =	vst v63  }
0x91: {  	v38 =	vadd.s32 $0x1400, v0;
	s31 =	sld [smem:$0x7F6]  }
0x92: {  	[hbm4b:s26+s29] =	stream.indirect_vreg.scatter [tilespmem:s0], [sflag:$0x1], $0x1, v36, vm0, $0xb8;
	[tilespmem:$0x8400] =	vst v63  }
0x93: {  	v39 =	vadd.s32 $0x1800, v0;
	s0 =	sld [smem:$0x7F7]  }
0x94: {  	[hbm4b:s26+s29] =	stream.indirect_vreg.scatter [tilespmem:s31], [sflag:$0x1], $0x1, v37, vm0, $0xb8;
	[tilespmem:$0x8400] =	vst v63  }
0x95: {  	v40 =	vadd.s32 $0x1C00, v0;
	s31 =	sld [smem:$0x7F8]  }
0x96: {  	[hbm4b:s26+s29] =	stream.indirect_vreg.scatter [tilespmem:s0], [sflag:$0x1], $0x1, v38, vm0, $0xb8;
	[tilespmem:$0x8400] =	vst v63  }
0x97: {  	v41 =	vadd.s32 $0x2000, v0;
	s0 =	sld [smem:$0x7F9]  }
0x98: {  	[hbm4b:s26+s29] =	stream.indirect_vreg.scatter [tilespmem:s31], [sflag:$0x1], $0x1, v39, vm0, $0xb8;
	[tilespmem:$0x8400] =	vst v63  }
0x99: {  	v42 =	vadd.s32 $0x2400, v0;
	s31 =	sld [smem:$0x7FA]  }
0x9a: {  	[hbm4b:s26+s29] =	stream.indirect_vreg.scatter [tilespmem:s0], [sflag:$0x1], $0x1, v40, vm0, $0xb8;
	[tilespmem:$0x8400] =	vst v63  }
0x9b: {  	v43 =	vadd.s32 $0x2800, v0;
	s0 =	sld [smem:$0x7FC]  }
0x9c: {  	[hbm4b:s26+s29] =	stream.indirect_vreg.scatter [tilespmem:s31], [sflag:$0x1], $0x1, v41, vm0, $0xb8;
	[tilespmem:$0x8400] =	vst v63  }
0x9d: {  	v44 =	vadd.s32 $0x2C00, v0;
	s31 =	sld [smem:$0x7FD]  }
0x9e: {  	[hbm4b:s26+s29] =	stream.indirect_vreg.scatter [tilespmem:s0], [sflag:$0x1], $0x1, v42, vm0, $0xb8;
	[tilespmem:$0x8400] =	vst v63  }
0x9f: {  	v45 =	vadd.s32 $0x3000, v0  }
0xa0: {  	[hbm4b:s26+s29] =	stream.indirect_vreg.scatter [tilespmem:s31], [sflag:$0x1], $0x1, v43, vm0, $0xb8;
	[tilespmem:$0x8400] =	vst v63  }
0xa1: {  	v46 =	vadd.s32 $0x3400, v0  }
0xa2: {  	[hbm4b:s26+s29] =	stream.indirect_vreg.scatter [tilespmem:s5], [sflag:$0x1], $0x1, v44, vm0, $0xb8;
	[tilespmem:$0x8400] =	vst v63  }
0xa3: {  	v47 =	vadd.s32 $0x3800, v0  }
0xa4: {  	[hbm4b:s26+s29] =	stream.indirect_vreg.scatter [tilespmem:s6], [sflag:$0x1], $0x1, v45, vm0, $0xb8;
	[tilespmem:$0x8400] =	vst v63  }
0xa5: {  	v48 =	vadd.s32 $0x3C00, v0  }
0xa6: {  	[hbm4b:s26+s29] =	stream.indirect_vreg.scatter [tilespmem:s7], [sflag:$0x1], $0x1, v46, vm0, $0xb8;
	[tilespmem:$0x8400] =	vst v63  }
0xa7: {  	v49 =	vadd.s32 $0x1000000, v0  }
0xa8: {  	[hbm4b:s26+s29] =	stream.indirect_vreg.scatter [tilespmem:s8], [sflag:$0x1], $0x1, v47, vm0, $0xb8;
	[tilespmem:$0x8400] =	vst v63  }
0xa9: {  	v50 =	vadd.s32 $0x1000400, v0  }
0xaa: {  	[hbm4b:s26+s29] =	stream.indirect_vreg.scatter [tilespmem:s9], [sflag:$0x1], $0x1, v48, vm0, $0xb8;
	[tilespmem:$0x8400] =	vst v63  }
0xab: {  	v51 =	vadd.s32 $0x1000800, v0  }
0xac: {  	[hbm4b:s26+s29] =	stream.indirect_vreg.scatter [tilespmem:s10], [sflag:$0x1], $0x1, v49, vm0, $0xb8;
	[tilespmem:$0x8400] =	vst v63  }
0xad: {  	v52 =	vadd.s32 $0x1000C00, v0  }
0xae: {  	[hbm4b:s26+s29] =	stream.indirect_vreg.scatter [tilespmem:s11], [sflag:$0x1], $0x1, v50, vm0, $0xb8;
	[tilespmem:$0x8400] =	vst v63  }
0xaf: {  	v53 =	vadd.s32 $0x1001000, v0  }
0xb0: {  	[hbm4b:s26+s29] =	stream.indirect_vreg.scatter [tilespmem:s12], [sflag:$0x1], $0x1, v51, vm0, $0xb8;
	[tilespmem:$0x8400] =	vst v63  }
0xb1: {  	v54 =	vadd.s32 $0x1001400, v0  }
0xb2: {  	[hbm4b:s26+s29] =	stream.indirect_vreg.scatter [tilespmem:s13], [sflag:$0x1], $0x1, v52, vm0, $0xb8;
	[tilespmem:$0x8400] =	vst v63  }
0xb3: {  	v55 =	vadd.s32 $0x1001800, v0  }
0xb4: {  	[hbm4b:s26+s29] =	stream.indirect_vreg.scatter [tilespmem:s14], [sflag:$0x1], $0x1, v53, vm0, $0xb8;
	[tilespmem:$0x8400] =	vst v63  }
0xb5: {  	v56 =	vadd.s32 $0x1001C00, v0  }
0xb6: {  	[hbm4b:s26+s29] =	stream.indirect_vreg.scatter [tilespmem:s15], [sflag:$0x1], $0x1, v54, vm0, $0xb8;
	[tilespmem:$0x8400] =	vst v63  }
0xb7: {  	v57 =	vadd.s32 $0x1002000, v0  }
0xb8: {  	[hbm4b:s26+s29] =	stream.indirect_vreg.scatter [tilespmem:s16], [sflag:$0x1], $0x1, v55, vm0, $0xb8;
	[tilespmem:$0x8400] =	vst v63  }
0xb9: {  	v58 =	vadd.s32 $0x1002400, v0  }
0xba: {  	[hbm4b:s26+s29] =	stream.indirect_vreg.scatter [tilespmem:s17], [sflag:$0x1], $0x1, v56, vm0, $0xb8;
	[tilespmem:$0x8400] =	vst v63  }
0xbb: {  	v59 =	vadd.s32 $0x1002800, v0  }
0xbc: {  	[hbm4b:s26+s29] =	stream.indirect_vreg.scatter [tilespmem:s18], [sflag:$0x1], $0x1, v57, vm0, $0xb8;
	[tilespmem:$0x8400] =	vst v63  }
0xbd: {  	v60 =	vadd.s32 $0x1002C00, v0  }
0xbe: {  	[hbm4b:s26+s29] =	stream.indirect_vreg.scatter [tilespmem:s19], [sflag:$0x1], $0x1, v58, vm0, $0xb8;
	[tilespmem:$0x8400] =	vst v63  }
0xbf: {  	v61 =	vadd.s32 $0x1003000, v0  }
0xc0: {  	[hbm4b:s26+s29] =	stream.indirect_vreg.scatter [tilespmem:s20], [sflag:$0x1], $0x1, v59, vm0, $0xb8;
	[tilespmem:$0x8400] =	vst v63  }
0xc1: {  	v62 =	vadd.s32 $0x1003400, v0  }
0xc2: {  	[hbm4b:s26+s29] =	stream.indirect_vreg.scatter [tilespmem:s21], [sflag:$0x1], $0x1, v60, vm0, $0xb8;
	[tilespmem:$0x8400] =	vst v63  }
0xc3: {  	v63 =	vadd.s32 $0x1003800, v0  }
0xc4: {  	[hbm4b:s26+s29] =	stream.indirect_vreg.scatter [tilespmem:s22], [sflag:$0x1], $0x1, v61, vm0, $0xb8;
	[tilespmem:$0x8400] =	vst v63  }
0xc5: {  	v0 =	vadd.s32 $0x1003C00, v0  }
0xc6: {  	[hbm4b:s26+s29] =	stream.indirect_vreg.scatter [tilespmem:s23], [sflag:$0x1], $0x1, v62, vm0, $0xb8;
	[tilespmem:$0x8400] =	vst v63  }
0xc7: {  	_ = 	snop  }
0xc8: {  	[hbm4b:s26+s29] =	stream.indirect_vreg.scatter [tilespmem:s24], [sflag:$0x1], $0x1, v63, vm0, $0xb8;
	[tilespmem:$0x8400] =	vst v63  }
0xc9: {  	_ = 	snop  }
0xca: {  	[hbm4b:s26+s29] =	stream.indirect_vreg.scatter [tilespmem:s25], [sflag:$0x1], $0x1, v0, vm0, $0xb8;
	[tilespmem:$0x8400] =	vst v63  }
0xcb: {  	_ =	swait.ge [sflag:s2], $0x10  }
0xcc: {  	[sflag:s2] =	ssyncset.done $0x0  }
0xcd: {  	[sflag:s2] =	ssyncadd.s32 $0xFFFFFFF0  }
0xce: {  	_ =	swait.ge [sflag:s2], $0x10  }
0xcf: {  	[sflag:s2] =	ssyncset.done $0x0  }
0xd0: {  	[sflag:s2] =	ssyncadd.s32 $0xFFFFFFF0  }
0xd1: {  	_ =	swait.ge [sflag:s2], $0x10  }
0xd2: {  	[sflag:s2] =	ssyncset.done $0x0  }
0xd3: {  	[sflag:s2] =	ssyncadd.s32 $0xFFFFFFF0  }
0xd4: {  	_ =	swait.ge [sflag:s2], $0x10  }
0xd5: {  	[sflag:s2] =	ssyncset.done $0x0  }
0xd6: {  	[sflag:s2] =	ssyncadd.s32 $0xFFFFFFF0  }
0xd7: {  	_ =	swait.ge [sflag:s2], $0x10  }
0xd8: {  	[sflag:s2] =	ssyncset.done $0x0  }
0xd9: {  	[sflag:s2] =	ssyncadd.s32 $0xFFFFFFF0  }
0xda: {  	_ =	swait.ge [sflag:s2], $0x10  }
0xdb: {  	[sflag:s2] =	ssyncset.done $0x0  }
0xdc: {  	[sflag:s2] =	ssyncadd.s32 $0xFFFFFFF0  }
0xdd: {  	_ =	swait.ge [sflag:s2], $0x10  }
0xde: {  	[sflag:s2] =	ssyncset.done $0x0  }
0xdf: {  	[sflag:s2] =	ssyncadd.s32 $0xFFFFFFF0  }
0xe0: {  	_ =	swait.ge [sflag:s2], $0x10  }
0xe1: {  	[sflag:s2] =	ssyncset.done $0x0  }
0xe2: {  	[sflag:s2] =	ssyncadd.s32 $0xFFFFFFF0  }
0xe3: {  	_ =	swait.ge [sflag:s2], $0x10  }
0xe4: {  	[sflag:s2] =	ssyncset.done $0x0  }
0xe5: {  	[sflag:s2] =	ssyncadd.s32 $0xFFFFFFF0  }
0xe6: {  	_ =	swait.ge [sflag:s2], $0x10  }
0xe7: {  	[sflag:s2] =	ssyncset.done $0x0  }
0xe8: {  	[sflag:s2] =	ssyncadd.s32 $0xFFFFFFF0  }
0xe9: {  	_ =	swait.ge [sflag:s2], $0x10  }
0xea: {  	[sflag:s2] =	ssyncset.done $0x0  }
0xeb: {  	[sflag:s2] =	ssyncadd.s32 $0xFFFFFFF0  }
0xec: {  	_ =	swait.ge [sflag:s2], $0x10  }
0xed: {  	[sflag:s2] =	ssyncset.done $0x0  }
0xee: {  	[sflag:s2] =	ssyncadd.s32 $0xFFFFFFF0  }
0xef: {  	_ =	swait.ge [sflag:s2], $0x10  }
0xf0: {  	[sflag:s2] =	ssyncset.done $0x0  }
0xf1: {  	[sflag:s2] =	ssyncadd.s32 $0xFFFFFFF0  }
0xf2: {  	_ =	swait.ge [sflag:s2], $0x10  }
0xf3: {  	[sflag:s2] =	ssyncset.done $0x0  }
0xf4: {  	[sflag:s2] =	ssyncadd.s32 $0xFFFFFFF0  }
0xf5: {  	_ =	swait.ge [sflag:s2], $0x10  }
0xf6: {  	[sflag:s2] =	ssyncset.done $0x0  }
0xf7: {  	[sflag:s2] =	ssyncadd.s32 $0xFFFFFFF0  }
0xf8: {  	_ =	swait.ge [sflag:s2], $0x10  }
0xf9: {  	[sflag:s2] =	ssyncset.done $0x0  }
0xfa: {  	[sflag:s2] =	ssyncadd.s32 $0xFFFFFFF0  }
0xfb: {  	_ =	swait.ge [sflag:s2], $0x10  }
0xfc: {  	[sflag:s2] =	ssyncset.done $0x0  }
0xfd: {  	[sflag:s2] =	ssyncadd.s32 $0xFFFFFFF0  }
0xfe: {  	_ =	swait.ge [sflag:s2], $0x10  }
0xff: {  	[sflag:s2] =	ssyncset.done $0x0  }
0x100: {  	[sflag:s2] =	ssyncadd.s32 $0xFFFFFFF0  }
0x101: {  	_ =	swait.ge [sflag:s2], $0x10  }
0x102: {  	[sflag:s2] =	ssyncset.done $0x0  }
0x103: {  	[sflag:s2] =	ssyncadd.s32 $0xFFFFFFF0  }
0x104: {  	_ =	swait.ge [sflag:s2], $0x10  }
0x105: {  	[sflag:s2] =	ssyncset.done $0x0  }
0x106: {  	[sflag:s2] =	ssyncadd.s32 $0xFFFFFFF0  }
0x107: {  	_ =	swait.ge [sflag:s2], $0x10  }
0x108: {  	[sflag:s2] =	ssyncset.done $0x0  }
0x109: {  	[sflag:s2] =	ssyncadd.s32 $0xFFFFFFF0  }
0x10a: {  	_ =	swait.ge [sflag:s2], $0x10  }
0x10b: {  	[sflag:s2] =	ssyncset.done $0x0  }
0x10c: {  	[sflag:s2] =	ssyncadd.s32 $0xFFFFFFF0  }
0x10d: {  	_ =	swait.ge [sflag:s2], $0x10  }
0x10e: {  	[sflag:s2] =	ssyncset.done $0x0  }
0x10f: {  	[sflag:s2] =	ssyncadd.s32 $0xFFFFFFF0  }
0x110: {  	_ =	swait.ge [sflag:s2], $0x10  }
0x111: {  	[sflag:s2] =	ssyncset.done $0x0  }
0x112: {  	[sflag:s2] =	ssyncadd.s32 $0xFFFFFFF0  }
0x113: {  	_ =	swait.ge [sflag:s2], $0x10  }
0x114: {  	[sflag:s2] =	ssyncset.done $0x0  }
0x115: {  	[sflag:s2] =	ssyncadd.s32 $0xFFFFFFF0  }
0x116: {  	_ =	swait.ge [sflag:s2], $0x10  }
0x117: {  	[sflag:s2] =	ssyncset.done $0x0  }
0x118: {  	[sflag:s2] =	ssyncadd.s32 $0xFFFFFFF0  }
0x119: {  	_ =	swait.ge [sflag:s2], $0x10  }
0x11a: {  	[sflag:s2] =	ssyncset.done $0x0  }
0x11b: {  	[sflag:s2] =	ssyncadd.s32 $0xFFFFFFF0  }
0x11c: {  	_ =	swait.ge [sflag:s2], $0x10  }
0x11d: {  	[sflag:s2] =	ssyncset.done $0x0  }
0x11e: {  	[sflag:s2] =	ssyncadd.s32 $0xFFFFFFF0  }
0x11f: {  	_ =	swait.ge [sflag:s2], $0x10  }
0x120: {  	[sflag:s2] =	ssyncset.done $0x0  }
0x121: {  	[sflag:s2] =	ssyncadd.s32 $0xFFFFFFF0  }
0x122: {  	_ =	swait.ge [sflag:s2], $0x10  }
0x123: {  	[sflag:s2] =	ssyncset.done $0x0  }
0x124: {  	[sflag:s2] =	ssyncadd.s32 $0xFFFFFFF0  }
0x125: {  	_ =	swait.ge [sflag:s2], $0x10  }
0x126: {  	[sflag:s2] =	ssyncset.done $0x0  }
0x127: {  	[sflag:s2] =	ssyncadd.s32 $0xFFFFFFF0  }
0x128: {  	_ =	swait.ge [sflag:s2], $0x10  }
0x129: {  	[sflag:s2] =	ssyncset.done $0x0  }
0x12a: {  	[sflag:s2] =	ssyncadd.s32 $0xFFFFFFF0  }
0x12b: {  	_ =	swait.ge [sflag:s2], $0x10  }
0x12c: {  	[sflag:s2] =	ssyncset.done $0x0  }
0x12d: {  	[sflag:s2] =	ssyncadd.s32 $0xFFFFFFF0  }
0x12e: {  	_ =	swait.ge [sflag:s2], $0x10  }
0x12f: {  	[sflag:s2] =	ssyncset.done $0x0  }
0x130: {  	[sflag:s2] =	ssyncadd.s32 $0xFFFFFFF0  }
0x131: {  	_ =	swait.ge [sflag:s2], $0x10  }
0x132: {  	[sflag:s2] =	ssyncset.done $0x0  }
0x133: {  	[sflag:s2] =	ssyncadd.s32 $0xFFFFFFF0  }
0x134: {  	_ =	swait.ge [sflag:s2], $0x10  }
0x135: {  	[sflag:s2] =	ssyncset.done $0x0  }
0x136: {  	[sflag:s2] =	ssyncadd.s32 $0xFFFFFFF0  }
0x137: {  	_ =	swait.ge [sflag:s2], $0x10  }
0x138: {  	[sflag:s2] =	ssyncset.done $0x0  }
0x139: {  	[sflag:s2] =	ssyncadd.s32 $0xFFFFFFF0  }
0x13a: {  	_ =	swait.ge [sflag:s2], $0x10  }
0x13b: {  	[sflag:s2] =	ssyncset.done $0x0  }
0x13c: {  	[sflag:s2] =	ssyncadd.s32 $0xFFFFFFF0  }
0x13d: {  	_ =	swait.ge [sflag:s2], $0x10  }
0x13e: {  	[sflag:s2] =	ssyncset.done $0x0  }
0x13f: {  	[sflag:s2] =	ssyncadd.s32 $0xFFFFFFF0  }
0x140: {  	_ =	swait.ge [sflag:s2], $0x10  }
0x141: {  	[sflag:s2] =	ssyncset.done $0x0  }
0x142: {  	[sflag:s2] =	ssyncadd.s32 $0xFFFFFFF0  }
0x143: {  	_ =	swait.ge [sflag:s2], $0x10  }
0x144: {  	[sflag:s2] =	ssyncset.done $0x0  }
0x145: {  	[sflag:s2] =	ssyncadd.s32 $0xFFFFFFF0  }
0x146: {  	_ =	swait.ge [sflag:s2], $0x10  }
0x147: {  	[sflag:s2] =	ssyncset.done $0x0  }
0x148: {  	[sflag:s2] =	ssyncadd.s32 $0xFFFFFFF0  }
0x149: {  	_ =	swait.ge [sflag:s2], $0x10  }
0x14a: {  	[sflag:s2] =	ssyncset.done $0x0  }
0x14b: {  	[sflag:s2] =	ssyncadd.s32 $0xFFFFFFF0  }
0x14c: {  	_ =	swait.ge [sflag:s2], $0x10  }
0x14d: {  	[sflag:s2] =	ssyncset.done $0x0  }
0x14e: {  	[sflag:s2] =	ssyncadd.s32 $0xFFFFFFF0  }
0x14f: {  	_ =	swait.ge [sflag:s2], $0x10  }
0x150: {  	[sflag:s2] =	ssyncset.done $0x0  }
0x151: {  	[sflag:s2] =	ssyncadd.s32 $0xFFFFFFF0  }
0x152: {  	_ =	swait.ge [sflag:s2], $0x10  }
0x153: {  	[sflag:s2] =	ssyncset.done $0x0  }
0x154: {  	[sflag:s2] =	ssyncadd.s32 $0xFFFFFFF0  }
0x155: {  	_ =	swait.ge [sflag:s2], $0x10  }
0x156: {  	[sflag:s2] =	ssyncset.done $0x0  }
0x157: {  	[sflag:s2] =	ssyncadd.s32 $0xFFFFFFF0  }
0x158: {  	_ =	swait.ge [sflag:s2], $0x10  }
0x159: {  	[sflag:s2] =	ssyncset.done $0x0  }
0x15a: {  	[sflag:s2] =	ssyncadd.s32 $0xFFFFFFF0  }
0x15b: {  	_ =	swait.ge [sflag:s2], $0x10  }
0x15c: {  	[sflag:s2] =	ssyncset.done $0x0  }
0x15d: {  	[sflag:s2] =	ssyncadd.s32 $0xFFFFFFF0  }
0x15e: {  	_ =	swait.ge [sflag:s2], $0x10  }
0x15f: {  	[sflag:s2] =	ssyncset.done $0x0  }
0x160: {  	[sflag:s2] =	ssyncadd.s32 $0xFFFFFFF0  }
0x161: {  	_ =	swait.ge [sflag:s2], $0x10  }
0x162: {  	[sflag:s2] =	ssyncset.done $0x0  }
0x163: {  	[sflag:s2] =	ssyncadd.s32 $0xFFFFFFF0  }
0x164: {  	_ =	swait.ge [sflag:s2], $0x10  }
0x165: {  	[sflag:s2] =	ssyncset.done $0x0  }
0x166: {  	[sflag:s2] =	ssyncadd.s32 $0xFFFFFFF0  }
0x167: {  	_ =	swait.ge [sflag:s2], $0x10  }
0x168: {  	[sflag:s2] =	ssyncset.done $0x0  }
0x169: {  	[sflag:s2] =	ssyncadd.s32 $0xFFFFFFF0  }
0x16a: {  	_ =	swait.ge [sflag:s2], $0x10  }
0x16b: {  	[sflag:s2] =	ssyncset.done $0x0  }
0x16c: {  	[sflag:s2] =	ssyncadd.s32 $0xFFFFFFF0  }
0x16d: {  	_ =	swait.ge [sflag:s2], $0x10  }
0x16e: {  	[sflag:s2] =	ssyncset.done $0x0  }
0x16f: {  	[sflag:s2] =	ssyncadd.s32 $0xFFFFFFF0  }
0x170: {  	_ =	swait.ge [sflag:s2], $0x10  }
0x171: {  	[sflag:s2] =	ssyncset.done $0x0  }
0x172: {  	[sflag:s2] =	ssyncadd.s32 $0xFFFFFFF0  }
0x173: {  	_ =	swait.ge [sflag:s2], $0x10  }
0x174: {  	[sflag:s2] =	ssyncset.done $0x0  }
0x175: {  	[sflag:s2] =	ssyncadd.s32 $0xFFFFFFF0  }
0x176: {  	_ =	swait.ge [sflag:s2], $0x10  }
0x177: {  	[sflag:s2] =	ssyncset.done $0x0  }
0x178: {  	[sflag:s2] =	ssyncadd.s32 $0xFFFFFFF0  }
0x179: {  	_ =	swait.ge [sflag:s2], $0x10  }
0x17a: {  	[sflag:s2] =	ssyncset.done $0x0  }
0x17b: {  	[sflag:s2] =	ssyncadd.s32 $0xFFFFFFF0  }
0x17c: {  	_ =	swait.ge [sflag:s2], $0x10  }
0x17d: {  	[sflag:s2] =	ssyncset.done $0x0  }
0x17e: {  	[sflag:s2] =	ssyncadd.s32 $0xFFFFFFF0  }
0x17f: {  	_ =	swait.ge [sflag:s2], $0x10  }
0x180: {  	[sflag:s2] =	ssyncset.done $0x0  }
0x181: {  	[sflag:s2] =	ssyncadd.s32 $0xFFFFFFF0  }
0x182: {  	_ =	swait.ge [sflag:s2], $0x10  }
0x183: {  	[sflag:s2] =	ssyncset.done $0x0  }
0x184: {  	[sflag:s2] =	ssyncadd.s32 $0xFFFFFFF0  }
0x185: {  	p0 =	sne.s32 s28, $0x1;
	_ =	swait.ge [sflag:s2], $0x10  }
.Ltmp0:
0x186: {  	[sflag:s2] =	ssyncset.done $0x0;
	(pc) =	sbr.rel @p0 .LBB2_1-.Ltmp0, $4  }
0x187: {  	[sflag:s2] =	ssyncadd.s32 $0xFFFFFFF0  }
0x188: {  	_ =	swait.ge [sflag:s2], $0x10  }
0x189: {  	[sflag:s2] =	ssyncset.done $0x0  }
0x18a: {  	s28 =	sadd.s32 $0xFFFFFFFF, s28;
	[sflag:s2] =	ssyncadd.s32 $0xFFFFFFF0  }
0x18b: {  	_ =	sfence.sel $0x180000  }
0x18c: {  	[bflag:$0x0] =	sbarrier.arrive $0xFFFF  }
0x18d: {  	_ =	strace $0x9000004A  }
0x18e: {  	s0 =	stileid.u32;
	[bflag:$0x2] =	sbarrier.arrive $0xFFFF  }
0x18f: {  	p0 =	sne.s32 s0, $0x0;
	s0 =	rddreg [dreg:$0x3]  }
0x190: {  	s0 =	sadd.s32 @!p0 $0x100000, s0  }
0x191: {  	[sflag:s0] =	ssyncadd.tile.s32 @!p0 $0x1;
	_ =	shalt  }
.Lfunc_end2:
_tile_overlayer_lowered:
.L_overlay_start_2:
0x192: {  	(tag) =	ssettag $0x2  }
0x193: {  	s0 =	rddreg [dreg:$0x0];
	s2 =	stileid.u32  }
0x194: {  	s1 =	rddreg [dreg:$0x1];
	p0 =	sne.s32 s2, $0x0  }
0x195: {  	s3 =	rddreg [dreg:$0x2];
	[bflag:$0x3] =	sbarrier.arrive $0xFFFF;
	s2 =	simm.s32 @!p0 $0x1C02  }
0x196: {  	[timem:s3], [sflag:s2] =	dma.local @!p0 [hbm:s0], s1  }
0x197: {  	s0 =	simm.s32 @!p0 $0x2  }
0x198: {  	_ =	swait.ge @!p0 [sflag:s0], s1  }
0x199: {  	s1 =	ssub.s32 @!p0 $0x0, s1;
	[sflag:s0] =	ssyncset.done @!p0 $0x0  }
0x19a: {  	[sflag:s0] =	ssyncadd.s32 @!p0 s1  }
0x19b: {  	[bflag:$0x3] =	sbarrier.arrive $0xFFFF  }
0x19c: {  	_ =	shalt  }

// kernel: sparse-core-data-format-call.cloned.1.call-start
scs
called_computation_lowered:
.L_overlay_start_0:
0x0: {  	s2 =	sld [smem:$0x3FD9]  }
0x1: {  	s3 =	sld [smem:$0x3FFE];
	_ =	sdelay $0x1  }
0x2: {  	s1 =	srdreg.scid  }
0x3: {  	s0 =	sand.u32 $0x1, s1  }
0x4: {  	s19 =	sshll.u32 s0, $0xA;
	s2 =	sadd.s32 s3, s2  }
0x5: {  	s2 =	sadd.s32 s2, s19  }
0x6: {  	[smem:$0x3FC5] =	sst s2  }
0x7: {  	_ = 	snop  }
0x8: {  	s2 =	sld [smem:$0x3FC9]  }
0x9: {  	s20 =	sld [smem:$0x3FD0];
	(tm) =	ssettm $0x1  }
0xa: {  	s4 =	sld [smem:$0x3FFB];
	_ =	sdelay $0x3  }
0xb: {  	_ =	strace s4  }
0xc: {  	s4 =	sld [smem:$0x3FFC];
	_ =	sdelay $0x3  }
0xd: {  	_ =	strace s4  }
0xe: {  	s4 =	sld [smem:$0x3FFD];
	_ =	sdelay $0x3  }
0xf: {  	_ =	strace s4  }
0x10: {  	_ =	strace $0x8FFFFFFF  }
0x11: {  	s21 =	sld [smem:$0x3FDB];
	_ =	sdelay $0x1  }
0x12: {  	s5 =	simm.s32 $_scs_section_size  }
0x13: {  	s6 =	simm.s32 $_size__tile_overlayer_lowered;
	s7 =	simm.s32 $_tile_overlayer_lowered  }
0x14: {  	s24 =	simm.s32 $0x1BFF;
	s23 =	sshll.u32 s7, $0x1;
	s4 =	sadd.s32 s5, s21  }
0x15: {  	s8 =	simm.s32 $0x0;
	s22 =	sshll.u32 s6, $0x1;
	s6 =	sadd.s32 s23, s4  }
0x16: {  	[timem:s8], [sflag:s24] =	dma.local [hbm:s6], s22  }
0x17: {  	_ =	swait.ge [sflag:s24], s22  }
0x18: {  	s5 =	ssub.s32 $0x0, s22;
	[sflag:s24] =	ssyncset.done $0x0  }
0x19: {  	[sflag:s24] =	ssyncadd.s32 s5;
	_ =	sdelay $0x1  }
0x1a: {  	s25 =	simm.s32 $0x1B8B  }
0x1b: {  	_ =	swait.ge [sflag:s25], $0x1  }
0x1c: {  	[sflag:s25] =	ssyncset.done $0x0  }
0x1d: {  	s26 =	simm.s32 $0x1B8E;
	[sflag:s25] =	ssyncadd.s32 $0xFFFFFFFF  }
0x1e: {  	s27 =	simm.s32 $execute0_lowered;
	[smem:$0x3FD2] =	sst s26  }
0x1f: {  	s5 =	sshll.u32 s27, $0x1;
	_ =	strace $0x80000046;
	[dreg:$0x1] =	wrdreg $0xFFFFFFFF  }
0x20: {  	s28 =	simm.s32 $_size_execute0_lowered;
	s4 =	sadd.s32 s4, s5;
	[dreg:$0x0] =	wrdreg $0x0  }
0x21: {  	s5 =	sshll.u32 s28, $0x1;
	[dreg:$0x2] =	wrdreg s4  }
0x22: {  	[dreg:$0x3] =	wrdreg s5  }
0x23: {  	[dreg:$0x4] =	wrdreg $0xC0  }
0x24: {  	_ =	task [dreg:s8], $0x5FFFF  }
0x25: {  	[dreg:$0x1] =	wrdreg $0xFFFFFFFF  }
0x26: {  	[dreg:$0x0] =	wrdreg $0x60  }
0x27: {  	[dreg:$0x2] =	wrdreg s2  }
0x28: {  	[dreg:$0x3] =	wrdreg s20  }
0x29: {  	[dreg:$0x4] =	wrdreg $0x9  }
0x2a: {  	_ =	task.clear_ibuf [dreg:s8], $0x5FFFF;
	_ =	strace $0x90000046  }
0x2b: {  	s29 =	simm.s32 $0x9;
	_ =	strace $0x80000048  }
0x2c: {  	_ =	swait.ge [sflag:s29], $0x1  }
0x2d: {  	[sflag:s29] =	ssyncadd.s32 $0xFFFFFFFF  }
0x2e: {  	_ =	strace $0x90000048  }
0x2f: {  	_ =	sfence  }
0x30: {  	s30 =	sld [smem:$0x0];
	_ =	sdelay $0x2  }
0x31: {  	s31 =	sshll.u32 s1, $0xD;
	s1 =	sshrl.u32 s1, $0x2  }
0x32: {  	s3 =	sand.u32 $0x4000, s31;
	s1 =	sadd.s32 s1, s30  }
0x33: {  	s0 =	sor.u32 s3, s0;
	s1 =	sshll.u32 s1, $0x11  }
0x34: {  	s0 =	sor.u32 s1, s0  }
0x35: {  	s0 =	sadd.s32 $0x8F2B, s0  }
0x36: {  	[sflag:s0] =	ssyncadd.remote.s32 $0x1  }
0x37: {  	_ =	sfence.sel $0xFFFF  }
0x38: {  	[dreg:$0x0] =	wrdreg $0xFFFFFFFF;
	(pc) =	sbr.abs _section_cstart, $3  }
0x39: {  	[dreg:$0x1] =	wrdreg $0xFFFFFFFF  }
0x3a: {  	_ =	task.clear_ibuf [dreg:s8], $0x2FFFF;
	_ =	strace $0x9FFFFFFF  }
0x3b: {  	(tm) =	ssettm $0x7FFFFFFF  }
tec
execute0_lowered:
.L_overlay_start_1:
0x0: {  	(tag) =	ssettag $0x1  }
0x1: {  	s0 =	srdreg.scid  }
0x2: {  	s1 =	sshll.u32 s0, $0x4  }
0x3: {  	s2 =	rddreg [dreg:$0x0];
	s0 =	stileid.u32;
	s1 =	sand.u32 $0x10, s1  }
0x4: {  	s4 =	rddreg [dreg:$0x1];
	s1 =	sor.u32 s0, s1  }
0x5: {  	s7 =	simm.s32 $0x1;
	s8 =	simm.s32 $0x2;
	s3 =	sshll.u32 s1, $0x1  }
0x6: {  	s9 =	simm.s32 $0x0;
	s12 =	simm.s32 $0x0;
	s6 =	ssub.s32 $0x1000, s3  }
.Ltmp0:
0x7: {  	s11 =	simm.s32 $0x0;
	s5 =	sand.u32 $0x3E, s6;
	(pc) =	sbr.rel .LBB1_1-.Ltmp0, $4  }
0x8: {  	s1 =	rddreg [dreg:$0x2];
	_ =	strace $0x80000047;
	p0 =	sne.s32 s5, $0x0  }
0x9: {  	s6 =	sshrl.u32 s6, $0x6;
	s5 =	simm.s32 $0x1;
	s7 =	simm.s32 @!p0 $0x0  }
0xa: {  	s10 =	smov.u32 s3;
	[sflag:s5] =	ssyncpa.u1 $0x0;
	s6 =	sadd.s32 s7, s6  }
0xb: {  	[sflag:s8] =	ssyncpa.u1 $0x0;
	s8 =	simm.s32 $0x0;
	s7 =	sadd.s32 $0x1, s6  }
.LBB1_9:
0xc: {  	s14 =	sadd.s32 $0x40, s10  }
0xd: {  	p1 =	sgt.s32 s14, $0xFFF  }
0xe: {  	s14 =	smov.u32 @p1 s3;
	p1 =	sne.s32 s11, s7  }
.Ltmp1:
0xf: {  	p0 =	slt.u32 s11, $0x2;
	(pc) =	sbr.rel @!p1 .LBB1_10-.Ltmp1, $4  }
0x10: {  	s13 =	simm.s32 @!p0 $0x2  }
0x11: {  	s15 =	sadd.s32 $0x1, s11;
	_ =	swait.ge @!p0 [sflag:s13], $0x4000  }
0x12: {  	s12 =	smov.u32 s10;
	s9 =	sadd.s32 $0x4000, s9;
	[sflag:s13] =	ssyncset.done @!p0 $0x0  }
0x13: {  	s11 =	smov.u32 s15;
	s10 =	smov.u32 s14;
	[sflag:s13] =	ssyncadd.s32 @!p0 $0xFFFFC000  }
.LBB1_1:
0x14: {  	p0 =	sge.u32 s11, s6  }
0x15: {  	s13 =	sxor.u32 @!p0 $0xFFFFFFFF, s11  }
0x16: {  	s31 =	sadd.s32 $0xFFFFFFFF, s11;
	s14 =	sshll.u32 @!p0 s10, $0xA;
	s13 =	sshll.u32 @!p0 s13, $0xE  }
0x17: {  	s15 =	simm.s32 @!p0 $0x0;
	s14 =	sadd.s32 @!p0 s2, s14;
	s13 =	sand.u32 @!p0 $0x4000, s13  }
0x18: {  	[tilespmem:s13], [sflag:$0x1] =	stream.linear.gather @!p0 [hbm4b:s14+s15], $0x4000, $0x38;
	[tilespmem:$0x10000] =	vst v63  }
0x19: {  	p0 =	sge.u32 s31, s6  }
.Ltmp2:
0x1a: {  	_ = 	snop;
	(pc) =	sbr.rel @p0 .LBB1_9-.Ltmp2, $1  }
0x1b: {  	_ =	sdelay $0x3  }
0x1c: {  	s13 =	sshll.u32 s9, $0x2  }
0x1d: {  	_ =	swait.ge [sflag:s5], $0x4000;
	s14 =	sshll.u32 s11, $0xE;
	s16 =	simm.s32 $0x0  }
0x1e: {  	p1 =	por $0x1, $0x1;
	s13 =	sand.u32 $0x10000, s13;
	[sflag:s5] =	ssyncset.done $0x0  }
0x1f: {  	s14 =	sand.u32 $0x4000, s14;
	s15 =	sshrl.u32 s13, $0x2;
	[sflag:s5] =	ssyncadd.s32 $0xFFFFC000  }
0x20: {  	s13 =	sor.u32 $0x8000, s14;
	s14 =	sadd.s32 $0x8040, s15;
	s15 =	sadd.s32 $0x40, s15  }
.LBB1_3:
0x21: {  	s16 =	sshll.u32 s16, $0x2  }
0x22: {  	p0 =	por p1, p1;
	s17 =	sshra.s32 s16, $0x2  }
0x23: {  	s18 =	simm.s32 $0x0;
	s16 =	sadd.s32 s17, s14;
	s17 =	sadd.s32 s17, s15  }
.LBB1_4:
0x24: {  	v0 =	vmov s17;
	_ =	sdelay $0x3  }
0x25: {  	s20 =	simm.s32 $0x0  }
0x26: {  	v6 =	vld.idx.msk [tilespmem:v0+s20+$0x30 ss:$0x1], $0xffff  }
0x27: {  	v7 =	vld.idx.msk [tilespmem:v0+s20+$0xFFFFFFC0 ss:$0x1], $0xffff  }
0x28: {  	v5 =	vld.idx.msk [tilespmem:v0+s20+$0xFFFFFFD0 ss:$0x1], $0xffff  }
0x29: {  	v4 =	vld.idx.msk [tilespmem:v0+s20+$0xFFFFFFE0 ss:$0x1], $0xffff  }
0x2a: {  	v3 =	vld.idx.msk [tilespmem:v0+s20+$0xFFFFFFF0 ss:$0x1], $0xffff  }
0x2b: {  	v1 =	vld.idx.msk [tilespmem:v0+s20+$0x0 ss:$0x1], $0xffff  }
0x2c: {  	v2 =	vld.idx.msk [tilespmem:v0+s20+$0x10 ss:$0x1], $0xffff;
	[tilespmem:s16+$0x30] =	vst v6  }
0x2d: {  	s19 =	simm.s32 $0x80;
	s21 =	simm.s32 $0x400;
	[tilespmem:s16+$0xFFFFFFC0] =	vst v7;
	v6 =	vld.idx.msk [tilespmem:v0+s20+$0x20 ss:$0x1], $0xffff;
	s20 =	smov.u32 s16  }
.LBB1_5:
0x2e: {  	p1 =	sne.s32 s21, $0xE00;
	v7 =	vld.idx.msk [tilespmem:v0+s19+$0x30 ss:$0x1], $0xffff;
	[tilespmem:s20+$0xFFFFFFD0] =	vst v5  }
0x2f: {  	v8 =	vld.idx.msk [tilespmem:v0+s19+$0xFFFFFFC0 ss:$0x1], $0xffff;
	[tilespmem:s20+$0xFFFFFFE0] =	vst v4  }
0x30: {  	v5 =	vld.idx.msk [tilespmem:v0+s19+$0xFFFFFFD0 ss:$0x1], $0xffff;
	[tilespmem:s20+$0xFFFFFFF0] =	vst v3  }
.Ltmp3:
0x31: {  	v4 =	vld.idx.msk [tilespmem:v0+s19+$0xFFFFFFE0 ss:$0x1], $0xffff;
	[tilespmem:s20+$0x0] =	vst v1;
	(pc) =	sbr.rel @p1 .LBB1_5-.Ltmp3, $4  }
0x32: {  	v3 =	vld.idx.msk [tilespmem:v0+s19+$0xFFFFFFF0 ss:$0x1], $0xffff;
	[tilespmem:s20+$0x10] =	vst v2  }
0x33: {  	v1 =	vld.idx.msk [tilespmem:v0+s19+$0x0 ss:$0x1], $0xffff;
	[tilespmem:s20+$0x20] =	vst v6;
	s20 =	sadd.s32 $0x400, s20  }
0x34: {  	v2 =	vld.idx.msk [tilespmem:v0+s19+$0x10 ss:$0x1], $0xffff;
	[tilespmem:s20+$0x30] =	vst v7  }
0x35: {  	[tilespmem:s20+$0xFFFFFFC0] =	vst v8;
	v6 =	vld.idx.msk [tilespmem:v0+s19+$0x20 ss:$0x1], $0xffff;
	s19 =	sshra.s32 s21, $0x2;
	s21 =	sadd.s32 $0x200, s21  }
0x36: {  	_ =	sdelay $0x2  }
0x37: {  	[tilespmem:s20+$0xFFFFFFD0] =	vst v5  }
0x38: {  	v56 =	vld.idx.msk [tilespmem:v0+s19+$0x30 ss:$0x1], $0xffff;
	[tilespmem:s20+$0xFFFFFFE0] =	vst v4  }
0x39: {  	v57 =	vld.idx.msk [tilespmem:v0+s19+$0xFFFFFFC0 ss:$0x1], $0xffff;
	[tilespmem:s20+$0xFFFFFFF0] =	vst v3  }
0x3a: {  	v58 =	vld.idx.msk [tilespmem:v0+s19+$0xFFFFFFD0 ss:$0x1], $0xffff;
	[tilespmem:s20+$0x0] =	vst v1  }
0x3b: {  	v59 =	vld.idx.msk [tilespmem:v0+s19+$0xFFFFFFE0 ss:$0x1], $0xffff;
	[tilespmem:s20+$0x10] =	vst v2  }
0x3c: {  	v60 =	vld.idx.msk [tilespmem:v0+s19+$0xFFFFFFF0 ss:$0x1], $0xffff;
	s31 =	sadd.s32 $0x400, s20;
	[tilespmem:s20+$0x20] =	vst v6  }
0x3d: {  	v61 =	vld.idx.msk [tilespmem:v0+s19+$0x0 ss:$0x1], $0xffff;
	[tilespmem:s31+$0x30] =	vst v56  }
0x3e: {  	v62 =	vld.idx.msk [tilespmem:v0+s19+$0x10 ss:$0x1], $0xffff;
	s18 =	sadd.s32 $0x1, s18;
	[tilespmem:s31+$0xFFFFFFC0] =	vst v57  }
0x3f: {  	v63 =	vld.idx.msk [tilespmem:v0+s19+$0x20 ss:$0x1], $0xffff;
	p1 =	sne.s32 s18, $0x8;
	[tilespmem:s31+$0xFFFFFFD0] =	vst v58  }
.Ltmp4:
0x40: {  	[tilespmem:s31+$0xFFFFFFE0] =	vst v59;
	(pc) =	sbr.rel @p1 .LBB1_4-.Ltmp4, $4  }
0x41: {  	[tilespmem:s31+$0xFFFFFFF0] =	vst v60  }
0x42: {  	[tilespmem:s31+$0x0] =	vst v61  }
0x43: {  	[tilespmem:s31+$0x10] =	vst v62  }
0x44: {  	s16 =	sadd.s32 $0x80, s16;
	s17 =	sadd.s32 $0x400, s17;
	[tilespmem:s31+$0x20] =	vst v63  }
.Ltmp5:
0x45: {  	(pc) =	sbr.rel @p0 .LBB1_3-.Ltmp5, $2  }
0x46: {  	_ =	sdelay $0x2  }
0x47: {  	s16 =	simm.s32 $0x2000;
	p1 =	por $0x0, $0x0  }
.Ltmp6:
0x48: {  	(pc) =	sbr.rel .LBB1_9-.Ltmp6, $4  }
0x49: {  	_ = 	snop  }
0x4a: {  	s12 =	sshll.u32 s12, $0xA  }
0x4b: {  	s12 =	sadd.s32 s4, s12  }
0x4c: {  	[hbm4b:s12+s8] =	stream.linear.scatter [tilespmem:s13], [sflag:$0x2], $0x4000, $0x38;
	[tilespmem:$0x10000] =	vst v63  }
.LBB1_10:
0x4d: {  	_ =	sfence.sel $0x180000  }
0x4e: {  	s2 =	simm.s32 $0x1;
	[bflag:$0x0] =	sbarrier.arrive $0xFFFF  }
0x4f: {  	s31 =	simm.s32 $0x2;
	[sflag:s2] =	ssyncpa.u1 $0x1  }
0x50: {  	[sflag:s31] =	ssyncpa.u1 $0x1  }
0x51: {  	p0 =	sne.s32 s0, $0x0;
	_ =	strace $0x90000047  }
0x52: {  	s0 =	sadd.s32 @!p0 $0x100000, s1;
	[bflag:$0x2] =	sbarrier.arrive $0xFFFF  }
0x53: {  	[sflag:s0] =	ssyncadd.tile.s32 @!p0 $0x1;
	_ =	shalt  }
.Lfunc_end1:
_tile_overlayer_lowered:
.L_overlay_start_2:
0x54: {  	(tag) =	ssettag $0x2  }
0x55: {  	s0 =	rddreg [dreg:$0x0];
	s2 =	stileid.u32  }
0x56: {  	s1 =	rddreg [dreg:$0x1];
	p0 =	sne.s32 s2, $0x0  }
0x57: {  	s3 =	rddreg [dreg:$0x2];
	[bflag:$0x3] =	sbarrier.arrive $0xFFFF;
	s2 =	simm.s32 @!p0 $0x1C01  }
0x58: {  	[timem:s3], [sflag:s2] =	dma.local @!p0 [hbm:s0], s1  }
0x59: {  	s0 =	simm.s32 @!p0 $0x1  }
0x5a: {  	_ =	swait.ge @!p0 [sflag:s0], s1  }
0x5b: {  	s1 =	ssub.s32 @!p0 $0x0, s1;
	[sflag:s0] =	ssyncset.done @!p0 $0x0  }
0x5c: {  	[sflag:s0] =	ssyncadd.s32 @!p0 s1  }
0x5d: {  	[bflag:$0x3] =	sbarrier.arrive $0xFFFF  }
0x5e: {  	_ =	shalt  }

</sc_bundles>
